<compile_context>
chip_gen: v7x
topology: tpu7x:2x2x1
jax: 0.10.2.dev20260603
libtpu: 0.0.44.dev20260713+nightly
codegen_flags: <defaults>
</compile_context>

<pallas_src>
import functools

import jax
import jax.numpy as jnp
from jax import lax
from jax.experimental import pallas as pl
from jax.experimental.pallas import tpu as pltpu
from jax.experimental.pallas import tpu_sc as plsc

BN_EPS_ = 1e-5
CHUNK = 128
N_SUBCORES = 16
N_CORES = 2
BNROWS = 2000



@functools.cache
def _make_edge_sum(e_pad: int, n_pad: int, with_deg: bool):
    per_tile = e_pad // (N_SUBCORES * CHUNK)
    rows_per_tile = n_pad // N_SUBCORES
    wb_chunks = rows_per_tile // CHUNK
    assert per_tile % 2 == 0
    mesh = plsc.VectorSubcoreMesh(core_axis_name="c", subcore_axis_name="s",
                                  num_cores=N_CORES, num_subcores=N_SUBCORES)

    half = per_tile // 2
    assert half % 2 == 0 and half % 8 == 0
    assert n_pad // CHUNK <= CHUNK

    out_type = [jax.ShapeDtypeStruct((N_CORES, n_pad, CHUNK), jnp.float32)]
    scratch = [
        pltpu.VMEM((CHUNK, CHUNK), jnp.float32),
        pltpu.VMEM((CHUNK, CHUNK), jnp.float32),
        pltpu.VMEM((half, CHUNK), jnp.int32),
        pltpu.VMEM((half, CHUNK), jnp.int32),
        pltpu.VMEM_SHARED((n_pad, CHUNK), jnp.float32),
        pltpu.SemaphoreType.DMA,
        pltpu.SemaphoreType.DMA,
    ]
    if with_deg:
        out_type.append(jax.ShapeDtypeStruct((N_CORES * n_pad,), jnp.float32))
        scratch += [
            pltpu.VMEM((CHUNK,), jnp.float32),
            pltpu.VMEM((rows_per_tile,), jnp.float32),
            pltpu.VMEM_SHARED((n_pad,), jnp.float32),
            pltpu.SemaphoreType.DMA,
        ]

    @functools.partial(pl.kernel, out_type=out_type, mesh=mesh,
                       scratch_types=scratch)
    def edge_sum(h2_hbm, gidx_hbm, row_hbm, out_hbm, *rest):
        if with_deg:
            (deg_hbm, buf0, buf1, gidx_v, rows_v, acc, sem0, sem1,
             ones_v, degbuf_v, dega, dsem) = rest
        else:
            buf0, buf1, gidx_v, rows_v, acc, sem0, sem1 = rest
        c = lax.axis_index("c")
        s = lax.axis_index("s")
        base = s * per_tile

        @pl.loop(0, CHUNK)
        def _(r):
            for q in range(CHUNK // 16):
                buf0[r, pl.ds(q * 16, 16)] = jnp.zeros((16,), jnp.float32)

        if with_deg:
            for q in range(CHUNK // 16):
                ones_v[pl.ds(q * 16, 16)] = jnp.full((16,), 1.0, jnp.float32)

            @pl.loop(0, rows_per_tile // 16)
            def _(q):
                degbuf_v[pl.ds(q * 16, 16)] = jnp.zeros((16,), jnp.float32)

        for k in range(wb_chunks):
            pltpu.sync_copy(buf0, acc.at[pl.ds(s * rows_per_tile + k * CHUNK, CHUNK)])
        if with_deg:
            pltpu.sync_copy(degbuf_v, dega.at[pl.ds(s * rows_per_tile, rows_per_tile)])
        plsc.subcore_barrier()

        for ph in range(2):
            pltpu.sync_copy(gidx_hbm.at[c, pl.ds(base + ph * half, half)], gidx_v)
            pltpu.sync_copy(row_hbm.at[pl.ds(base + ph * half, half)], rows_v)

            pltpu.async_copy(h2_hbm.at[gidx_v.at[0]], buf0, sem0)
            pltpu.async_copy(h2_hbm.at[gidx_v.at[1]], buf1, sem1)

            @pl.loop(0, half - 2, step=2)
            def _(j):
                pltpu.make_async_copy(h2_hbm.at[pl.ds(0, CHUNK)], buf0, sem0).wait()
                pltpu.sync_copy(buf0, acc.at[rows_v.at[j]], add=True)
                pltpu.async_copy(h2_hbm.at[gidx_v.at[j + 2]], buf0, sem0)
                if with_deg:
                    @pl.when(c == 0)
                    def _():
                        pltpu.async_copy(ones_v, dega.at[rows_v.at[j]], dsem,
                                         add=True)
                pltpu.make_async_copy(h2_hbm.at[pl.ds(0, CHUNK)], buf1, sem1).wait()
                pltpu.sync_copy(buf1, acc.at[rows_v.at[j + 1]], add=True)
                pltpu.async_copy(h2_hbm.at[gidx_v.at[j + 3]], buf1, sem1)
                if with_deg:
                    @pl.when(c == 1)
                    def _():
                        pltpu.async_copy(ones_v, dega.at[rows_v.at[j + 1]], dsem,
                                         add=True)

            pltpu.make_async_copy(h2_hbm.at[pl.ds(0, CHUNK)], buf0, sem0).wait()
            pltpu.sync_copy(buf0, acc.at[rows_v.at[half - 2]], add=True)
            pltpu.make_async_copy(h2_hbm.at[pl.ds(0, CHUNK)], buf1, sem1).wait()
            pltpu.sync_copy(buf1, acc.at[rows_v.at[half - 1]], add=True)
            if with_deg:
                @pl.when(c == 0)
                def _():
                    pltpu.async_copy(ones_v, dega.at[rows_v.at[half - 2]], dsem,
                                     add=True)

                @pl.when(c == 1)
                def _():
                    pltpu.async_copy(ones_v, dega.at[rows_v.at[half - 1]], dsem,
                                     add=True)

                @pl.loop(0, half // 2)
                def _(_k):
                    pltpu.make_async_copy(ones_v, dega.at[pl.ds(0, CHUNK)],
                                          dsem).wait()

        plsc.subcore_barrier()

        off = s * rows_per_tile
        pltpu.sync_copy(acc.at[pl.ds(off, rows_per_tile)],
                        out_hbm.at[c, pl.ds(off, rows_per_tile)])
        if with_deg:
            pltpu.sync_copy(dega.at[pl.ds(off, rows_per_tile)],
                            deg_hbm.at[pl.ds(c * n_pad + off, rows_per_tile)])

    return edge_sum



def _k1_body(x_ref, w_ref, ego_ref):
    ego_ref[...] = jnp.dot(x_ref[...], w_ref[...],
                           preferred_element_type=jnp.float32)


def _k2_body(ego_ref, x_ref, s0_ref, s1_ref, d0_ref, d1_ref, wn_ref, w1_ref,
             sc1_ref, sh1_ref, x1_ref):
    invd = 1.0 / (d0_ref[...] + d1_ref[...] + 1.0)
    agg = (jnp.concatenate([s0_ref[...], s1_ref[...]], axis=1) + x_ref[...]) * invd
    h1 = ego_ref[...] + jnp.dot(agg, wn_ref[...],
                                preferred_element_type=jnp.float32)
    t = jnp.maximum(jnp.dot(h1, w1_ref[...], preferred_element_type=jnp.float32), 0.0)
    x1_ref[...] = t * sc1_ref[...] + sh1_ref[...]


def _k3_body(x1_ref, s0_ref, s1_ref, d0_ref, d1_ref, w2_ref, wt_ref, wb_ref,
             b_ref, sc2_ref, sh2_ref, out_ref, *, n_classes):
    invd = 1.0 / (d0_ref[...] + d1_ref[...] + 1.0)
    x1 = x1_ref[...]
    agg = (jnp.concatenate([s0_ref[...], s1_ref[...]], axis=1) + x1) * invd
    t = jnp.maximum(jnp.dot(agg, w2_ref[...], preferred_element_type=jnp.float32),
                    0.0)
    x2 = t * sc2_ref[...] + sh2_ref[...]
    logits = (jnp.dot(x1, wt_ref[...], preferred_element_type=jnp.float32)
              + jnp.dot(x2, wb_ref[...], preferred_element_type=jnp.float32)
              + b_ref[...])
    mask = lax.broadcasted_iota(jnp.int32, logits.shape, 1) < n_classes
    neg = jnp.where(mask, logits, -1e30)
    m = jnp.max(neg, axis=1, keepdims=True)
    e = jnp.where(mask, jnp.exp(neg - m), 0.0)
    lse = jnp.log(jnp.sum(e, axis=1, keepdims=True))
    out_ref[...] = neg - m - lse


def _row_spec(width):
    return pl.BlockSpec((BNROWS, width), lambda i: (i, 0))


def _full_spec(shape):
    return pl.BlockSpec(shape, lambda i: (0, 0))



def kernel(x, edge_index, W_ego, W_neigh, W_hop1, W_hop2,
           bn1_gamma, bn1_beta, bn1_mean, bn1_var,
           bn2_gamma, bn2_beta, bn2_mean, bn2_var,
           W_cls, b_cls):
    N, D = x.shape
    H = W_ego.shape[1]
    C = W_cls.shape[1]
    E = edge_index.shape[1]
    grid = (N // BNROWS,)

    row = edge_index[0].astype(jnp.int32)
    col = edge_index[1].astype(jnp.int32)
    e_unit = N_SUBCORES * CHUNK * 8
    e_pad = ((E + e_unit - 1) // e_unit) * e_unit
    n_unit = N_SUBCORES * CHUNK
    n_pad = ((N + n_unit - 1) // n_unit) * n_unit
    rowp = jnp.concatenate([row, jnp.full((e_pad - E,), N, jnp.int32)])
    colp = jnp.concatenate([col, jnp.zeros((e_pad - E,), jnp.int32)])
    row2 = rowp.reshape(e_pad // CHUNK, CHUNK)
    gidx2 = ((colp * 2)[None, :]
             + jnp.arange(N_CORES, dtype=jnp.int32)[:, None]
             ).reshape(N_CORES, e_pad // CHUNK, CHUNK)

    s1 = (bn1_gamma / jnp.sqrt(bn1_var + BN_EPS_)).reshape(1, H)
    t1 = (bn1_beta - bn1_mean * s1[0]).reshape(1, H)
    s2 = (bn2_gamma / jnp.sqrt(bn2_var + BN_EPS_)).reshape(1, H)
    t2 = (bn2_beta - bn2_mean * s2[0]).reshape(1, H)
    wt = jnp.pad(W_cls[:H], ((0, 0), (0, 128 - C)))
    wb = jnp.pad(W_cls[H:], ((0, 0), (0, 128 - C)))
    bpad = jnp.pad(b_cls, (0, 128 - C)).reshape(1, 128)

    edge_sum_deg = _make_edge_sum(e_pad, n_pad, True)
    edge_sum_nodeg = _make_edge_sum(e_pad, n_pad, False)

    sum1, deg2 = edge_sum_deg(x.reshape(2 * N, 128), gidx2, row2)

    x_ego = pl.pallas_call(
        _k1_body,
        grid=grid,
        in_specs=[_row_spec(D), _full_spec((D, H))],
        out_specs=_row_spec(H),
        out_shape=jax.ShapeDtypeStruct((N, H), jnp.float32),
    )(x, W_ego)
    deg0 = deg2[:n_pad].reshape(n_pad, 1)
    deg1 = deg2[n_pad:].reshape(n_pad, 1)

    x1 = pl.pallas_call(
        _k2_body,
        grid=grid,
        in_specs=[_row_spec(H), _row_spec(D), _row_spec(128), _row_spec(128),
                  _row_spec(1), _row_spec(1), _full_spec((D, H)),
                  _full_spec((H, H)), _full_spec((1, H)), _full_spec((1, H))],
        out_specs=_row_spec(H),
        out_shape=jax.ShapeDtypeStruct((N, H), jnp.float32),
    )(x_ego, x, sum1[0], sum1[1], deg0, deg1, W_neigh, W_hop1, s1, t1)

    sum2 = edge_sum_nodeg(x1.reshape(2 * N, 128), gidx2, row2)
    if isinstance(sum2, (list, tuple)):
        sum2 = sum2[0]

    out = pl.pallas_call(
        functools.partial(_k3_body, n_classes=C),
        grid=grid,
        in_specs=[_row_spec(H), _row_spec(128), _row_spec(128),
                  _row_spec(1), _row_spec(1), _full_spec((H, H)),
                  _full_spec((H, 128)), _full_spec((H, 128)),
                  _full_spec((1, 128)), _full_spec((1, H)), _full_spec((1, H))],
        out_specs=_row_spec(128),
        out_shape=jax.ShapeDtypeStruct((N, 128), jnp.float32),
    )(x1, sum2[0], sum2[1], deg0, deg1, W_hop2, wt, wb, bpad, s2, t2)

    return out[:, :C]

# --- scband reference (transcript-rebuilt; emitter-appended) ---
"""Pipeline reference for scband-h2-gcn-23364622090832 (READ-ONLY COPY).

The authoritative reference and input builder live on the scoring server;
editing this copy changes nothing except your own understanding.
"""

import jax, jax.numpy as jnp
import numpy as np

N_NODES = 10000
N_EDGES = 160000
D_FEAT = 256
HIDDEN = 256
N_CLASSES = 40
BN_EPS = 1e-5


def setup_inputs(seed: int = 0) -> dict:
    key = jax.random.key(seed)
    ks = jax.random.split(key, 12)
    x = jax.random.normal(ks[0], (N_NODES, D_FEAT), dtype=jnp.float32)
    edge_index = jax.random.randint(ks[1], (2, N_EDGES), 0, N_NODES, dtype=jnp.int64)
    # Linear weights stored as [in, out] (transposed vs torch) so forward is x @ W
    W_ego = jax.random.normal(ks[2], (D_FEAT, HIDDEN), dtype=jnp.float32) / np.sqrt(D_FEAT)
    W_neigh = jax.random.normal(ks[3], (D_FEAT, HIDDEN), dtype=jnp.float32) / np.sqrt(D_FEAT)
    W_hop1 = jax.random.normal(ks[4], (HIDDEN, HIDDEN), dtype=jnp.float32) / np.sqrt(HIDDEN)
    W_hop2 = jax.random.normal(ks[5], (HIDDEN, HIDDEN), dtype=jnp.float32) / np.sqrt(HIDDEN)
    bn1_gamma = jnp.ones((HIDDEN,), dtype=jnp.float32)
    bn1_beta = jnp.zeros((HIDDEN,), dtype=jnp.float32)
    bn1_mean = jnp.zeros((HIDDEN,), dtype=jnp.float32)
    bn1_var = jnp.ones((HIDDEN,), dtype=jnp.float32)
    bn2_gamma = jnp.ones((HIDDEN,), dtype=jnp.float32)
    bn2_beta = jnp.zeros((HIDDEN,), dtype=jnp.float32)
    bn2_mean = jnp.zeros((HIDDEN,), dtype=jnp.float32)
    bn2_var = jnp.ones((HIDDEN,), dtype=jnp.float32)
    W_cls = jax.random.normal(ks[6], (2 * HIDDEN, N_CLASSES), dtype=jnp.float32) / np.sqrt(2 * HIDDEN)
    b_cls = jnp.zeros((N_CLASSES,), dtype=jnp.float32)
    return {
        "x": x, "edge_index": edge_index,
        "W_ego": W_ego, "W_neigh": W_neigh, "W_hop1": W_hop1, "W_hop2": W_hop2,
        "bn1_gamma": bn1_gamma, "bn1_beta": bn1_beta, "bn1_mean": bn1_mean, "bn1_var": bn1_var,
        "bn2_gamma": bn2_gamma, "bn2_beta": bn2_beta, "bn2_mean": bn2_mean, "bn2_var": bn2_var,
        "W_cls": W_cls, "b_cls": b_cls,
    }


def reference(x, edge_index, W_ego, W_neigh, W_hop1, W_hop2,
              bn1_gamma, bn1_beta, bn1_mean, bn1_var,
              bn2_gamma, bn2_beta, bn2_mean, bn2_var,
              W_cls, b_cls):
    N = x.shape[0]
    # add_self_loops
    loops = jnp.arange(N, dtype=edge_index.dtype)
    row = jnp.concatenate([edge_index[0], loops])
    col = jnp.concatenate([edge_index[1], loops])

    def aggregate(h):
        deg = jnp.zeros((N,), dtype=h.dtype).at[row].add(1.0)
        deg = jnp.clip(deg, 1.0, None)
        out = jnp.zeros_like(h).at[row].add(h[col])
        return out / deg[:, None]

    def bn_eval(h, gamma, beta, mean, var):
        return (h - mean) / jnp.sqrt(var + BN_EPS) * gamma + beta

    x_ego = x @ W_ego
    x_neigh = aggregate(x) @ W_neigh
    x_1hop = jax.nn.relu((x_ego + x_neigh) @ W_hop1)
    x_1hop = bn_eval(x_1hop, bn1_gamma, bn1_beta, bn1_mean, bn1_var)
    # dropout is identity in eval mode
    x_2hop = jax.nn.relu(aggregate(x_1hop) @ W_hop2)
    x_2hop = bn_eval(x_2hop, bn2_gamma, bn2_beta, bn2_mean, bn2_var)
    x_out = jnp.concatenate([x_1hop, x_2hop], axis=1)
    x_out = x_out @ W_cls + b_cls
    return jax.nn.log_softmax(x_out, axis=1)

if __name__ == "__main__":
    import jax
    _d = setup_inputs()
    print(jax.jit(kernel)(*tuple(_d.values())))

</pallas_src>

<mosaic_0001>
#map = affine_map<(d0, d1) -> (0, 0)>
#map1 = affine_map<(d0, d1) -> (0, 0, 0)>
module attributes {stable_mosaic.version = 14 : i64} {
  func.func @edge_sum(%arg0: i32, %arg1: i32, %arg2: memref<20000x128xf32, #tpu.memory_space<hbm>>, %arg3: memref<2x1280x128xi32, #tpu.memory_space<hbm>>, %arg4: memref<1280x128xi32, #tpu.memory_space<hbm>>, %arg5: memref<2x10240x128xf32, #tpu.memory_space<hbm>>, %arg6: memref<128x128xf32, #tpu.memory_space<vmem>>, %arg7: memref<128x128xf32, #tpu.memory_space<vmem>>, %arg8: memref<40x128xi32, #tpu.memory_space<vmem>>, %arg9: memref<40x128xi32, #tpu.memory_space<vmem>>, %arg10: memref<10240x128xf32, #tpu.memory_space<vmem_shared>>, %arg11: memref<!tpu.dma_semaphore, #tpu.memory_space<semaphore_mem>>, %arg12: memref<!tpu.dma_semaphore, #tpu.memory_space<semaphore_mem>>) attributes {dimension_semantics = [#tpu.dimension_semantics<core_parallel>, #tpu.dimension_semantics<subcore_parallel>], iteration_bounds = array<i64: 2, 16>, scalar_prefetch = 0 : i64, scratch_operands = 7 : i64, tpu.core_type = #tpu.core_type<sc_vector_subcore>, window_params = [{transform_indices = #map}, {transform_indices = #map1}, {transform_indices = #map}, {transform_indices = #map1}]} {
    %mul3A = arith.constant 80 : i32
    %mul3A_0 = arith.muli %arg1, %mul3A : i32
    %scan3A = arith.constant 0 : i32
    %scan3A_1 = arith.constant 128 : i32
    %scan3A_2 = arith.addi %scan3A, %scan3A_1 : i32
    %scan3A_3 = arith.constant 1 : i32
    scf.for %scan3A_98 = %scan3A to %scan3A_2 step %scan3A_3  : i32 {
      %mul3A_99 = arith.constant 1 : i32
      %mul3A_100 = arith.muli %scan3A_98, %mul3A_99 : i32
      %add3A_101 = arith.constant 0 : i32
      %add3A_102 = arith.addi %add3A_101, %mul3A_100 : i32
      %broadcast_in_dim3A = arith.constant 0.000000e+00 : f32
      %broadcast_in_dim3A_103 = vector.broadcast %broadcast_in_dim3A : f32 to vector<16xf32>
      %swap3A = arith.index_cast %add3A_102 : i32 to index
      %swap3A_104 = arith.constant 0 : index
      %swap3A_105 = tpu.vector_load %arg6[%swap3A, %swap3A_104] {strides = array<i32>} : memref<128x128xf32, #tpu.memory_space<vmem>>, vector<1x16xf32>,
      %swap3A_106 = vector.shape_cast %swap3A_105 : vector<1x16xf32> to vector<16xf32>
      %swap3A_107 = vector.shape_cast %broadcast_in_dim3A_103 : vector<16xf32> to vector<1x16xf32>
      tpu.vector_store %arg6[%swap3A, %swap3A_104], %swap3A_107 {strides = array<i32>} : memref<128x128xf32, #tpu.memory_space<vmem>>, vector<1x16xf32>,
      %broadcast_in_dim3A_108 = arith.constant 0.000000e+00 : f32
      %broadcast_in_dim3A_109 = vector.broadcast %broadcast_in_dim3A_108 : f32 to vector<16xf32>
      %swap3A_110 = arith.index_cast %add3A_102 : i32 to index
      %swap3A_111 = arith.constant 16 : index
      %swap3A_112 = tpu.vector_load %arg6[%swap3A_110, %swap3A_111] {strides = array<i32>} : memref<128x128xf32, #tpu.memory_space<vmem>>, vector<1x16xf32>,
      %swap3A_113 = vector.shape_cast %swap3A_112 : vector<1x16xf32> to vector<16xf32>
      %swap3A_114 = vector.shape_cast %broadcast_in_dim3A_109 : vector<16xf32> to vector<1x16xf32>
      tpu.vector_store %arg6[%swap3A_110, %swap3A_111], %swap3A_114 {strides = array<i32>} : memref<128x128xf32, #tpu.memory_space<vmem>>, vector<1x16xf32>,
      %broadcast_in_dim3A_115 = arith.constant 0.000000e+00 : f32
      %broadcast_in_dim3A_116 = vector.broadcast %broadcast_in_dim3A_115 : f32 to vector<16xf32>
      %swap3A_117 = arith.index_cast %add3A_102 : i32 to index
      %swap3A_118 = arith.constant 32 : index
      %swap3A_119 = tpu.vector_load %arg6[%swap3A_117, %swap3A_118] {strides = array<i32>} : memref<128x128xf32, #tpu.memory_space<vmem>>, vector<1x16xf32>,
      %swap3A_120 = vector.shape_cast %swap3A_119 : vector<1x16xf32> to vector<16xf32>
      %swap3A_121 = vector.shape_cast %broadcast_in_dim3A_116 : vector<16xf32> to vector<1x16xf32>
      tpu.vector_store %arg6[%swap3A_117, %swap3A_118], %swap3A_121 {strides = array<i32>} : memref<128x128xf32, #tpu.memory_space<vmem>>, vector<1x16xf32>,
      %broadcast_in_dim3A_122 = arith.constant 0.000000e+00 : f32
      %broadcast_in_dim3A_123 = vector.broadcast %broadcast_in_dim3A_122 : f32 to vector<16xf32>
      %swap3A_124 = arith.index_cast %add3A_102 : i32 to index
      %swap3A_125 = arith.constant 48 : index
      %swap3A_126 = tpu.vector_load %arg6[%swap3A_124, %swap3A_125] {strides = array<i32>} : memref<128x128xf32, #tpu.memory_space<vmem>>, vector<1x16xf32>,
      %swap3A_127 = vector.shape_cast %swap3A_126 : vector<1x16xf32> to vector<16xf32>
      %swap3A_128 = vector.shape_cast %broadcast_in_dim3A_123 : vector<16xf32> to vector<1x16xf32>
      tpu.vector_store %arg6[%swap3A_124, %swap3A_125], %swap3A_128 {strides = array<i32>} : memref<128x128xf32, #tpu.memory_space<vmem>>, vector<1x16xf32>,
      %broadcast_in_dim3A_129 = arith.constant 0.000000e+00 : f32
      %broadcast_in_dim3A_130 = vector.broadcast %broadcast_in_dim3A_129 : f32 to vector<16xf32>
      %swap3A_131 = arith.index_cast %add3A_102 : i32 to index
      %swap3A_132 = arith.constant 64 : index
      %swap3A_133 = tpu.vector_load %arg6[%swap3A_131, %swap3A_132] {strides = array<i32>} : memref<128x128xf32, #tpu.memory_space<vmem>>, vector<1x16xf32>,
      %swap3A_134 = vector.shape_cast %swap3A_133 : vector<1x16xf32> to vector<16xf32>
      %swap3A_135 = vector.shape_cast %broadcast_in_dim3A_130 : vector<16xf32> to vector<1x16xf32>
      tpu.vector_store %arg6[%swap3A_131, %swap3A_132], %swap3A_135 {strides = array<i32>} : memref<128x128xf32, #tpu.memory_space<vmem>>, vector<1x16xf32>,
      %broadcast_in_dim3A_136 = arith.constant 0.000000e+00 : f32
      %broadcast_in_dim3A_137 = vector.broadcast %broadcast_in_dim3A_136 : f32 to vector<16xf32>
      %swap3A_138 = arith.index_cast %add3A_102 : i32 to index
      %swap3A_139 = arith.constant 80 : index
      %swap3A_140 = tpu.vector_load %arg6[%swap3A_138, %swap3A_139] {strides = array<i32>} : memref<128x128xf32, #tpu.memory_space<vmem>>, vector<1x16xf32>,
      %swap3A_141 = vector.shape_cast %swap3A_140 : vector<1x16xf32> to vector<16xf32>
      %swap3A_142 = vector.shape_cast %broadcast_in_dim3A_137 : vector<16xf32> to vector<1x16xf32>
      tpu.vector_store %arg6[%swap3A_138, %swap3A_139], %swap3A_142 {strides = array<i32>} : memref<128x128xf32, #tpu.memory_space<vmem>>, vector<1x16xf32>,
      %broadcast_in_dim3A_143 = arith.constant 0.000000e+00 : f32
      %broadcast_in_dim3A_144 = vector.broadcast %broadcast_in_dim3A_143 : f32 to vector<16xf32>
      %swap3A_145 = arith.index_cast %add3A_102 : i32 to index
      %swap3A_146 = arith.constant 96 : index
      %swap3A_147 = tpu.vector_load %arg6[%swap3A_145, %swap3A_146] {strides = array<i32>} : memref<128x128xf32, #tpu.memory_space<vmem>>, vector<1x16xf32>,
      %swap3A_148 = vector.shape_cast %swap3A_147 : vector<1x16xf32> to vector<16xf32>
      %swap3A_149 = vector.shape_cast %broadcast_in_dim3A_144 : vector<16xf32> to vector<1x16xf32>
      tpu.vector_store %arg6[%swap3A_145, %swap3A_146], %swap3A_149 {strides = array<i32>} : memref<128x128xf32, #tpu.memory_space<vmem>>, vector<1x16xf32>,
      %broadcast_in_dim3A_150 = arith.constant 0.000000e+00 : f32
      %broadcast_in_dim3A_151 = vector.broadcast %broadcast_in_dim3A_150 : f32 to vector<16xf32>
      %swap3A_152 = arith.index_cast %add3A_102 : i32 to index
      %swap3A_153 = arith.constant 112 : index
      %swap3A_154 = tpu.vector_load %arg6[%swap3A_152, %swap3A_153] {strides = array<i32>} : memref<128x128xf32, #tpu.memory_space<vmem>>, vector<1x16xf32>,
      %swap3A_155 = vector.shape_cast %swap3A_154 : vector<1x16xf32> to vector<16xf32>
      %swap3A_156 = vector.shape_cast %broadcast_in_dim3A_151 : vector<16xf32> to vector<1x16xf32>
      tpu.vector_store %arg6[%swap3A_152, %swap3A_153], %swap3A_156 {strides = array<i32>} : memref<128x128xf32, #tpu.memory_space<vmem>>, vector<1x16xf32>,
    }
    %scan3A_4 = arith.constant 128 : i32
    %mul3A_5 = arith.constant 640 : i32
    %mul3A_6 = arith.muli %arg1, %mul3A_5 : i32
    %add3A = arith.constant 0 : i32
    %add3A_7 = arith.addi %mul3A_6, %add3A : i32
    "tpu.region"() ({
      %run_scoped3A_98 = tpu.sem_alloc : memref<!tpu.dma_semaphore, #tpu.memory_space<semaphore_mem>>
      %dma_start3A_99 = arith.constant 0 : i32
      %dma_start3A_100 = tpu.memref_slice %arg10[%add3A_7, %dma_start3A_99] : memref<10240x128xf32, #tpu.memory_space<vmem_shared>> -> memref<128x128xf32, #tpu.memory_space<vmem_shared>>
      %dma_start3A_101 = arith.constant 0 : i32
      %dma_start3A_102 = tpu.memref_slice %arg10[%add3A_7, %dma_start3A_101] : memref<10240x128xf32, #tpu.memory_space<vmem_shared>> -> memref<128x128xf32, #tpu.memory_space<vmem_shared>>
      tpu.enqueue_dma source(%arg6 : memref<128x128xf32, #tpu.memory_space<vmem>>) target(%dma_start3A_102 : memref<128x128xf32, #tpu.memory_space<vmem_shared>>) target_semaphore(%run_scoped3A_98 : memref<!tpu.dma_semaphore, #tpu.memory_space<semaphore_mem>>)
      %dma_wait3A_103 = arith.constant 0 : i32
      %dma_wait3A_104 = tpu.memref_slice %arg10[%add3A_7, %dma_wait3A_103] : memref<10240x128xf32, #tpu.memory_space<vmem_shared>> -> memref<128x128xf32, #tpu.memory_space<vmem_shared>>
      %dma_wait3A_105 = arith.constant 0 : i32
      %dma_wait3A_106 = tpu.memref_slice %arg10[%add3A_7, %dma_wait3A_105] : memref<10240x128xf32, #tpu.memory_space<vmem_shared>> -> memref<128x128xf32, #tpu.memory_space<vmem_shared>>
      tpu.wait_dma2 semaphore(%run_scoped3A_98 : memref<!tpu.dma_semaphore, #tpu.memory_space<semaphore_mem>>) src(%arg6 : memref<128x128xf32, #tpu.memory_space<vmem>>) dst(%dma_wait3A_106 : memref<128x128xf32, #tpu.memory_space<vmem_shared>>)
      tpu.yield
    }) : () -> ()
    %mul3A_8 = arith.constant 640 : i32
    %mul3A_9 = arith.muli %arg1, %mul3A_8 : i32
    %add3A_10 = arith.constant 128 : i32
    %add3A_11 = arith.addi %mul3A_9, %add3A_10 : i32
    "tpu.region"() ({
      %run_scoped3A_98 = tpu.sem_alloc : memref<!tpu.dma_semaphore, #tpu.memory_space<semaphore_mem>>
      %dma_start3A_99 = arith.constant 0 : i32
      %dma_start3A_100 = tpu.memref_slice %arg10[%add3A_11, %dma_start3A_99] : memref<10240x128xf32, #tpu.memory_space<vmem_shared>> -> memref<128x128xf32, #tpu.memory_space<vmem_shared>>
      %dma_start3A_101 = arith.constant 0 : i32
      %dma_start3A_102 = tpu.memref_slice %arg10[%add3A_11, %dma_start3A_101] : memref<10240x128xf32, #tpu.memory_space<vmem_shared>> -> memref<128x128xf32, #tpu.memory_space<vmem_shared>>
      tpu.enqueue_dma source(%arg6 : memref<128x128xf32, #tpu.memory_space<vmem>>) target(%dma_start3A_102 : memref<128x128xf32, #tpu.memory_space<vmem_shared>>) target_semaphore(%run_scoped3A_98 : memref<!tpu.dma_semaphore, #tpu.memory_space<semaphore_mem>>)
      %dma_wait3A_103 = arith.constant 0 : i32
      %dma_wait3A_104 = tpu.memref_slice %arg10[%add3A_11, %dma_wait3A_103] : memref<10240x128xf32, #tpu.memory_space<vmem_shared>> -> memref<128x128xf32, #tpu.memory_space<vmem_shared>>
      %dma_wait3A_105 = arith.constant 0 : i32
      %dma_wait3A_106 = tpu.memref_slice %arg10[%add3A_11, %dma_wait3A_105] : memref<10240x128xf32, #tpu.memory_space<vmem_shared>> -> memref<128x128xf32, #tpu.memory_space<vmem_shared>>
      tpu.wait_dma2 semaphore(%run_scoped3A_98 : memref<!tpu.dma_semaphore, #tpu.memory_space<semaphore_mem>>) src(%arg6 : memref<128x128xf32, #tpu.memory_space<vmem>>) dst(%dma_wait3A_106 : memref<128x128xf32, #tpu.memory_space<vmem_shared>>)
      tpu.yield
    }) : () -> ()
    %mul3A_12 = arith.constant 640 : i32
    %mul3A_13 = arith.muli %arg1, %mul3A_12 : i32
    %add3A_14 = arith.constant 256 : i32
    %add3A_15 = arith.addi %mul3A_13, %add3A_14 : i32
    "tpu.region"() ({
      %run_scoped3A_98 = tpu.sem_alloc : memref<!tpu.dma_semaphore, #tpu.memory_space<semaphore_mem>>
      %dma_start3A_99 = arith.constant 0 : i32
      %dma_start3A_100 = tpu.memref_slice %arg10[%add3A_15, %dma_start3A_99] : memref<10240x128xf32, #tpu.memory_space<vmem_shared>> -> memref<128x128xf32, #tpu.memory_space<vmem_shared>>
      %dma_start3A_101 = arith.constant 0 : i32
      %dma_start3A_102 = tpu.memref_slice %arg10[%add3A_15, %dma_start3A_101] : memref<10240x128xf32, #tpu.memory_space<vmem_shared>> -> memref<128x128xf32, #tpu.memory_space<vmem_shared>>
      tpu.enqueue_dma source(%arg6 : memref<128x128xf32, #tpu.memory_space<vmem>>) target(%dma_start3A_102 : memref<128x128xf32, #tpu.memory_space<vmem_shared>>) target_semaphore(%run_scoped3A_98 : memref<!tpu.dma_semaphore, #tpu.memory_space<semaphore_mem>>)
      %dma_wait3A_103 = arith.constant 0 : i32
      %dma_wait3A_104 = tpu.memref_slice %arg10[%add3A_15, %dma_wait3A_103] : memref<10240x128xf32, #tpu.memory_space<vmem_shared>> -> memref<128x128xf32, #tpu.memory_space<vmem_shared>>
      %dma_wait3A_105 = arith.constant 0 : i32
      %dma_wait3A_106 = tpu.memref_slice %arg10[%add3A_15, %dma_wait3A_105] : memref<10240x128xf32, #tpu.memory_space<vmem_shared>> -> memref<128x128xf32, #tpu.memory_space<vmem_shared>>
      tpu.wait_dma2 semaphore(%run_scoped3A_98 : memref<!tpu.dma_semaphore, #tpu.memory_space<semaphore_mem>>) src(%arg6 : memref<128x128xf32, #tpu.memory_space<vmem>>) dst(%dma_wait3A_106 : memref<128x128xf32, #tpu.memory_space<vmem_shared>>)
      tpu.yield
    }) : () -> ()
    %mul3A_16 = arith.constant 640 : i32
    %mul3A_17 = arith.muli %arg1, %mul3A_16 : i32
    %add3A_18 = arith.constant 384 : i32
    %add3A_19 = arith.addi %mul3A_17, %add3A_18 : i32
    "tpu.region"() ({
      %run_scoped3A_98 = tpu.sem_alloc : memref<!tpu.dma_semaphore, #tpu.memory_space<semaphore_mem>>
      %dma_start3A_99 = arith.constant 0 : i32
      %dma_start3A_100 = tpu.memref_slice %arg10[%add3A_19, %dma_start3A_99] : memref<10240x128xf32, #tpu.memory_space<vmem_shared>> -> memref<128x128xf32, #tpu.memory_space<vmem_shared>>
      %dma_start3A_101 = arith.constant 0 : i32
      %dma_start3A_102 = tpu.memref_slice %arg10[%add3A_19, %dma_start3A_101] : memref<10240x128xf32, #tpu.memory_space<vmem_shared>> -> memref<128x128xf32, #tpu.memory_space<vmem_shared>>
      tpu.enqueue_dma source(%arg6 : memref<128x128xf32, #tpu.memory_space<vmem>>) target(%dma_start3A_102 : memref<128x128xf32, #tpu.memory_space<vmem_shared>>) target_semaphore(%run_scoped3A_98 : memref<!tpu.dma_semaphore, #tpu.memory_space<semaphore_mem>>)
      %dma_wait3A_103 = arith.constant 0 : i32
      %dma_wait3A_104 = tpu.memref_slice %arg10[%add3A_19, %dma_wait3A_103] : memref<10240x128xf32, #tpu.memory_space<vmem_shared>> -> memref<128x128xf32, #tpu.memory_space<vmem_shared>>
      %dma_wait3A_105 = arith.constant 0 : i32
      %dma_wait3A_106 = tpu.memref_slice %arg10[%add3A_19, %dma_wait3A_105] : memref<10240x128xf32, #tpu.memory_space<vmem_shared>> -> memref<128x128xf32, #tpu.memory_space<vmem_shared>>
      tpu.wait_dma2 semaphore(%run_scoped3A_98 : memref<!tpu.dma_semaphore, #tpu.memory_space<semaphore_mem>>) src(%arg6 : memref<128x128xf32, #tpu.memory_space<vmem>>) dst(%dma_wait3A_106 : memref<128x128xf32, #tpu.memory_space<vmem_shared>>)
      tpu.yield
    }) : () -> ()
    %mul3A_20 = arith.constant 640 : i32
    %mul3A_21 = arith.muli %arg1, %mul3A_20 : i32
    %add3A_22 = arith.constant 512 : i32
    %add3A_23 = arith.addi %mul3A_21, %add3A_22 : i32
    "tpu.region"() ({
      %run_scoped3A_98 = tpu.sem_alloc : memref<!tpu.dma_semaphore, #tpu.memory_space<semaphore_mem>>
      %dma_start3A_99 = arith.constant 0 : i32
      %dma_start3A_100 = tpu.memref_slice %arg10[%add3A_23, %dma_start3A_99] : memref<10240x128xf32, #tpu.memory_space<vmem_shared>> -> memref<128x128xf32, #tpu.memory_space<vmem_shared>>
      %dma_start3A_101 = arith.constant 0 : i32
      %dma_start3A_102 = tpu.memref_slice %arg10[%add3A_23, %dma_start3A_101] : memref<10240x128xf32, #tpu.memory_space<vmem_shared>> -> memref<128x128xf32, #tpu.memory_space<vmem_shared>>
      tpu.enqueue_dma source(%arg6 : memref<128x128xf32, #tpu.memory_space<vmem>>) target(%dma_start3A_102 : memref<128x128xf32, #tpu.memory_space<vmem_shared>>) target_semaphore(%run_scoped3A_98 : memref<!tpu.dma_semaphore, #tpu.memory_space<semaphore_mem>>)
      %dma_wait3A_103 = arith.constant 0 : i32
      %dma_wait3A_104 = tpu.memref_slice %arg10[%add3A_23, %dma_wait3A_103] : memref<10240x128xf32, #tpu.memory_space<vmem_shared>> -> memref<128x128xf32, #tpu.memory_space<vmem_shared>>
      %dma_wait3A_105 = arith.constant 0 : i32
      %dma_wait3A_106 = tpu.memref_slice %arg10[%add3A_23, %dma_wait3A_105] : memref<10240x128xf32, #tpu.memory_space<vmem_shared>> -> memref<128x128xf32, #tpu.memory_space<vmem_shared>>
      tpu.wait_dma2 semaphore(%run_scoped3A_98 : memref<!tpu.dma_semaphore, #tpu.memory_space<semaphore_mem>>) src(%arg6 : memref<128x128xf32, #tpu.memory_space<vmem>>) dst(%dma_wait3A_106 : memref<128x128xf32, #tpu.memory_space<vmem_shared>>)
      tpu.yield
    }) : () -> ()
    %barrier3A = arith.constant 0 : index
    tpu.barrier barrier_id(%barrier3A)
    %add3A_24 = arith.constant 0 : i32
    %add3A_25 = arith.addi %mul3A_0, %add3A_24 : i32
    "tpu.region"() ({
      %run_scoped3A_98 = tpu.sem_alloc : memref<!tpu.dma_semaphore, #tpu.memory_space<semaphore_mem>>
      %dma_start3A_99 = arith.constant 0 : i32
      %dma_start3A_100 = tpu.memref_slice %arg3[%arg0, %add3A_25, %dma_start3A_99] : memref<2x1280x128xi32, #tpu.memory_space<hbm>> -> memref<1x40x128xi32, #tpu.memory_space<hbm>>
      %dma_start3A_101 = tpu.memref_squeeze %dma_start3A_100 : memref<1x40x128xi32, #tpu.memory_space<hbm>> -> memref<40x128xi32, #tpu.memory_space<hbm>>
      %dma_start3A_102 = arith.constant 0 : i32
      %dma_start3A_103 = tpu.memref_slice %arg3[%arg0, %add3A_25, %dma_start3A_102] : memref<2x1280x128xi32, #tpu.memory_space<hbm>> -> memref<1x40x128xi32, #tpu.memory_space<hbm>>
      %dma_start3A_104 = tpu.memref_squeeze %dma_start3A_103 : memref<1x40x128xi32, #tpu.memory_space<hbm>> -> memref<40x128xi32, #tpu.memory_space<hbm>>
      tpu.enqueue_dma source(%dma_start3A_104 : memref<40x128xi32, #tpu.memory_space<hbm>>) target(%arg8 : memref<40x128xi32, #tpu.memory_space<vmem>>) target_semaphore(%run_scoped3A_98 : memref<!tpu.dma_semaphore, #tpu.memory_space<semaphore_mem>>)
      %dma_wait3A_105 = arith.constant 0 : i32
      %dma_wait3A_106 = tpu.memref_slice %arg3[%arg0, %add3A_25, %dma_wait3A_105] : memref<2x1280x128xi32, #tpu.memory_space<hbm>> -> memref<1x40x128xi32, #tpu.memory_space<hbm>>
      %dma_wait3A_107 = tpu.memref_squeeze %dma_wait3A_106 : memref<1x40x128xi32, #tpu.memory_space<hbm>> -> memref<40x128xi32, #tpu.memory_space<hbm>>
      %dma_wait3A_108 = arith.constant 0 : i32
      %dma_wait3A_109 = tpu.memref_slice %arg3[%arg0, %add3A_25, %dma_wait3A_108] : memref<2x1280x128xi32, #tpu.memory_space<hbm>> -> memref<1x40x128xi32, #tpu.memory_space<hbm>>
      %dma_wait3A_110 = tpu.memref_squeeze %dma_wait3A_109 : memref<1x40x128xi32, #tpu.memory_space<hbm>> -> memref<40x128xi32, #tpu.memory_space<hbm>>
      tpu.wait_dma2 semaphore(%run_scoped3A_98 : memref<!tpu.dma_semaphore, #tpu.memory_space<semaphore_mem>>) src(%dma_wait3A_110 : memref<40x128xi32, #tpu.memory_space<hbm>>) dst(%arg8 : memref<40x128xi32, #tpu.memory_space<vmem>>)
      tpu.yield
    }) : () -> ()
    %add3A_26 = arith.constant 0 : i32
    %add3A_27 = arith.addi %mul3A_0, %add3A_26 : i32
    "tpu.region"() ({
      %run_scoped3A_98 = tpu.sem_alloc : memref<!tpu.dma_semaphore, #tpu.memory_space<semaphore_mem>>
      %dma_start3A_99 = arith.constant 0 : i32
      %dma_start3A_100 = tpu.memref_slice %arg4[%add3A_27, %dma_start3A_99] : memref<1280x128xi32, #tpu.memory_space<hbm>> -> memref<40x128xi32, #tpu.memory_space<hbm>>
      %dma_start3A_101 = arith.constant 0 : i32
      %dma_start3A_102 = tpu.memref_slice %arg4[%add3A_27, %dma_start3A_101] : memref<1280x128xi32, #tpu.memory_space<hbm>> -> memref<40x128xi32, #tpu.memory_space<hbm>>
      tpu.enqueue_dma source(%dma_start3A_102 : memref<40x128xi32, #tpu.memory_space<hbm>>) target(%arg9 : memref<40x128xi32, #tpu.memory_space<vmem>>) target_semaphore(%run_scoped3A_98 : memref<!tpu.dma_semaphore, #tpu.memory_space<semaphore_mem>>)
      %dma_wait3A_103 = arith.constant 0 : i32
      %dma_wait3A_104 = tpu.memref_slice %arg4[%add3A_27, %dma_wait3A_103] : memref<1280x128xi32, #tpu.memory_space<hbm>> -> memref<40x128xi32, #tpu.memory_space<hbm>>
      %dma_wait3A_105 = arith.constant 0 : i32
      %dma_wait3A_106 = tpu.memref_slice %arg4[%add3A_27, %dma_wait3A_105] : memref<1280x128xi32, #tpu.memory_space<hbm>> -> memref<40x128xi32, #tpu.memory_space<hbm>>
      tpu.wait_dma2 semaphore(%run_scoped3A_98 : memref<!tpu.dma_semaphore, #tpu.memory_space<semaphore_mem>>) src(%dma_wait3A_106 : memref<40x128xi32, #tpu.memory_space<hbm>>) dst(%arg9 : memref<40x128xi32, #tpu.memory_space<vmem>>)
      tpu.yield
    }) : () -> ()
    %dma_start3A = arith.constant 0 : i32
    %dma_start3A_28 = arith.constant 0 : i32
    %dma_start3A_29 = tpu.memref_slice %arg8[%dma_start3A, %dma_start3A_28] : memref<40x128xi32, #tpu.memory_space<vmem>> -> memref<1x128xi32, #tpu.memory_space<vmem>>
    %dma_start3A_30 = tpu.memref_squeeze %dma_start3A_29 : memref<1x128xi32, #tpu.memory_space<vmem>> -> memref<128xi32, #tpu.memory_space<vmem>>
    %dma_start3A_31 = arith.constant 0 : i32
    %dma_start3A_32 = arith.constant 0 : i32
    %dma_start3A_33 = tpu.memref_slice %arg2[%dma_start3A_31, %dma_start3A_32] : memref<20000x128xf32, #tpu.memory_space<hbm>> -> memref<20000x128xf32, #tpu.memory_space<hbm>>
    tpu.enqueue_indirect_dma source(%dma_start3A_33 : memref<20000x128xf32, #tpu.memory_space<hbm>>) target(%arg6 : memref<128x128xf32, #tpu.memory_space<vmem>>) offsets(%dma_start3A_30 : memref<128xi32, #tpu.memory_space<vmem>>) semaphore(%arg11 : memref<!tpu.dma_semaphore, #tpu.memory_space<semaphore_mem>>)
    %dma_start3A_34 = arith.constant 1 : i32
    %dma_start3A_35 = arith.constant 0 : i32
    %dma_start3A_36 = tpu.memref_slice %arg8[%dma_start3A_34, %dma_start3A_35] : memref<40x128xi32, #tpu.memory_space<vmem>> -> memref<1x128xi32, #tpu.memory_space<vmem>>
    %dma_start3A_37 = tpu.memref_squeeze %dma_start3A_36 : memref<1x128xi32, #tpu.memory_space<vmem>> -> memref<128xi32, #tpu.memory_space<vmem>>
    %dma_start3A_38 = arith.constant 0 : i32
    %dma_start3A_39 = arith.constant 0 : i32
    %dma_start3A_40 = tpu.memref_slice %arg2[%dma_start3A_38, %dma_start3A_39] : memref<20000x128xf32, #tpu.memory_space<hbm>> -> memref<20000x128xf32, #tpu.memory_space<hbm>>
    tpu.enqueue_indirect_dma source(%dma_start3A_40 : memref<20000x128xf32, #tpu.memory_space<hbm>>) target(%arg7 : memref<128x128xf32, #tpu.memory_space<vmem>>) offsets(%dma_start3A_37 : memref<128xi32, #tpu.memory_space<vmem>>) semaphore(%arg12 : memref<!tpu.dma_semaphore, #tpu.memory_space<semaphore_mem>>)
    %scan3A_41 = arith.constant 0 : i32
    %scan3A_42 = arith.constant 19 : i32
    %scan3A_43 = arith.addi %scan3A_41, %scan3A_42 : i32
    %scan3A_44 = arith.constant 1 : i32
    scf.for %scan3A_98 = %scan3A_41 to %scan3A_43 step %scan3A_44  : i32 {
      %mul3A_99 = arith.constant 2 : i32
      %mul3A_100 = arith.muli %scan3A_98, %mul3A_99 : i32
      %add3A_101 = arith.constant 0 : i32
      %add3A_102 = arith.addi %add3A_101, %mul3A_100 : i32
      %dma_wait3A_103 = arith.constant 0 : i32
      %dma_wait3A_104 = arith.constant 0 : i32
      %dma_wait3A_105 = tpu.memref_slice %arg2[%dma_wait3A_103, %dma_wait3A_104] : memref<20000x128xf32, #tpu.memory_space<hbm>> -> memref<128x128xf32, #tpu.memory_space<hbm>>
      %dma_wait3A_106 = arith.constant 0 : i32
      %dma_wait3A_107 = arith.constant 0 : i32
      %dma_wait3A_108 = tpu.memref_slice %arg2[%dma_wait3A_106, %dma_wait3A_107] : memref<20000x128xf32, #tpu.memory_space<hbm>> -> memref<128x128xf32, #tpu.memory_space<hbm>>
      tpu.wait_dma2 semaphore(%arg11 : memref<!tpu.dma_semaphore, #tpu.memory_space<semaphore_mem>>) src(%dma_wait3A_108 : memref<128x128xf32, #tpu.memory_space<hbm>>) dst(%arg6 : memref<128x128xf32, #tpu.memory_space<vmem>>)
      "tpu.region"() ({
        %run_scoped3A_133 = tpu.sem_alloc : memref<!tpu.dma_semaphore, #tpu.memory_space<semaphore_mem>>
        %dma_start3A_134 = arith.constant 0 : i32
        %dma_start3A_135 = tpu.memref_slice %arg9[%add3A_102, %dma_start3A_134] : memref<40x128xi32, #tpu.memory_space<vmem>> -> memref<1x128xi32, #tpu.memory_space<vmem>>
        %dma_start3A_136 = tpu.memref_squeeze %dma_start3A_135 : memref<1x128xi32, #tpu.memory_space<vmem>> -> memref<128xi32, #tpu.memory_space<vmem>>
        %dma_start3A_137 = arith.constant 0 : i32
        %dma_start3A_138 = arith.constant 0 : i32
        %dma_start3A_139 = tpu.memref_slice %arg10[%dma_start3A_137, %dma_start3A_138] : memref<10240x128xf32, #tpu.memory_space<vmem_shared>> -> memref<10240x128xf32, #tpu.memory_space<vmem_shared>>
        tpu.enqueue_indirect_dma source(%arg6 : memref<128x128xf32, #tpu.memory_space<vmem>>) target(%dma_start3A_139 : memref<10240x128xf32, #tpu.memory_space<vmem_shared>>) offsets(%dma_start3A_136 : memref<128xi32, #tpu.memory_space<vmem>>) semaphore(%run_scoped3A_133 : memref<!tpu.dma_semaphore, #tpu.memory_space<semaphore_mem>>) {add = true}
        %dma_wait3A_140 = arith.constant 0 : i32
        %dma_wait3A_141 = tpu.memref_slice %arg9[%add3A_102, %dma_wait3A_140] : memref<40x128xi32, #tpu.memory_space<vmem>> -> memref<1x128xi32, #tpu.memory_space<vmem>>
        %dma_wait3A_142 = tpu.memref_squeeze %dma_wait3A_141 : memref<1x128xi32, #tpu.memory_space<vmem>> -> memref<128xi32, #tpu.memory_space<vmem>>
        %dma_wait3A_143 = arith.constant 0 : i32
        %dma_wait3A_144 = arith.constant 0 : i32
        %dma_wait3A_145 = tpu.memref_slice %arg10[%dma_wait3A_143, %dma_wait3A_144] : memref<10240x128xf32, #tpu.memory_space<vmem_shared>> -> memref<10240x128xf32, #tpu.memory_space<vmem_shared>>
        tpu.wait_indirect_dma semaphore(%run_scoped3A_133 : memref<!tpu.dma_semaphore, #tpu.memory_space<semaphore_mem>>) src(%arg6 : memref<128x128xf32, #tpu.memory_space<vmem>>) dst(%dma_wait3A_145 : memref<10240x128xf32, #tpu.memory_space<vmem_shared>>)
        tpu.yield
      }) : () -> ()
      %add3A_109 = arith.constant 2 : i32
      %add3A_110 = arith.addi %add3A_102, %add3A_109 : i32
      %dma_start3A_111 = arith.constant 0 : i32
      %dma_start3A_112 = tpu.memref_slice %arg8[%add3A_110, %dma_start3A_111] : memref<40x128xi32, #tpu.memory_space<vmem>> -> memref<1x128xi32, #tpu.memory_space<vmem>>
      %dma_start3A_113 = tpu.memref_squeeze %dma_start3A_112 : memref<1x128xi32, #tpu.memory_space<vmem>> -> memref<128xi32, #tpu.memory_space<vmem>>
      %dma_start3A_114 = arith.constant 0 : i32
      %dma_start3A_115 = arith.constant 0 : i32
      %dma_start3A_116 = tpu.memref_slice %arg2[%dma_start3A_114, %dma_start3A_115] : memref<20000x128xf32, #tpu.memory_space<hbm>> -> memref<20000x128xf32, #tpu.memory_space<hbm>>
      tpu.enqueue_indirect_dma source(%dma_start3A_116 : memref<20000x128xf32, #tpu.memory_space<hbm>>) target(%arg6 : memref<128x128xf32, #tpu.memory_space<vmem>>) offsets(%dma_start3A_113 : memref<128xi32, #tpu.memory_space<vmem>>) semaphore(%arg11 : memref<!tpu.dma_semaphore, #tpu.memory_space<semaphore_mem>>)
      %dma_wait3A_117 = arith.constant 0 : i32
      %dma_wait3A_118 = arith.constant 0 : i32
      %dma_wait3A_119 = tpu.memref_slice %arg2[%dma_wait3A_117, %dma_wait3A_118] : memref<20000x128xf32, #tpu.memory_space<hbm>> -> memref<128x128xf32, #tpu.memory_space<hbm>>
      %dma_wait3A_120 = arith.constant 0 : i32
      %dma_wait3A_121 = arith.constant 0 : i32
      %dma_wait3A_122 = tpu.memref_slice %arg2[%dma_wait3A_120, %dma_wait3A_121] : memref<20000x128xf32, #tpu.memory_space<hbm>> -> memref<128x128xf32, #tpu.memory_space<hbm>>
      tpu.wait_dma2 semaphore(%arg12 : memref<!tpu.dma_semaphore, #tpu.memory_space<semaphore_mem>>) src(%dma_wait3A_122 : memref<128x128xf32, #tpu.memory_space<hbm>>) dst(%arg7 : memref<128x128xf32, #tpu.memory_space<vmem>>)
      %add3A_123 = arith.constant 1 : i32
      %add3A_124 = arith.addi %add3A_102, %add3A_123 : i32
      "tpu.region"() ({
        %run_scoped3A_133 = tpu.sem_alloc : memref<!tpu.dma_semaphore, #tpu.memory_space<semaphore_mem>>
        %dma_start3A_134 = arith.constant 0 : i32
        %dma_start3A_135 = tpu.memref_slice %arg9[%add3A_124, %dma_start3A_134] : memref<40x128xi32, #tpu.memory_space<vmem>> -> memref<1x128xi32, #tpu.memory_space<vmem>>
        %dma_start3A_136 = tpu.memref_squeeze %dma_start3A_135 : memref<1x128xi32, #tpu.memory_space<vmem>> -> memref<128xi32, #tpu.memory_space<vmem>>
        %dma_start3A_137 = arith.constant 0 : i32
        %dma_start3A_138 = arith.constant 0 : i32
        %dma_start3A_139 = tpu.memref_slice %arg10[%dma_start3A_137, %dma_start3A_138] : memref<10240x128xf32, #tpu.memory_space<vmem_shared>> -> memref<10240x128xf32, #tpu.memory_space<vmem_shared>>
        tpu.enqueue_indirect_dma source(%arg7 : memref<128x128xf32, #tpu.memory_space<vmem>>) target(%dma_start3A_139 : memref<10240x128xf32, #tpu.memory_space<vmem_shared>>) offsets(%dma_start3A_136 : memref<128xi32, #tpu.memory_space<vmem>>) semaphore(%run_scoped3A_133 : memref<!tpu.dma_semaphore, #tpu.memory_space<semaphore_mem>>) {add = true}
        %dma_wait3A_140 = arith.constant 0 : i32
        %dma_wait3A_141 = tpu.memref_slice %arg9[%add3A_124, %dma_wait3A_140] : memref<40x128xi32, #tpu.memory_space<vmem>> -> memref<1x128xi32, #tpu.memory_space<vmem>>
        %dma_wait3A_142 = tpu.memref_squeeze %dma_wait3A_141 : memref<1x128xi32, #tpu.memory_space<vmem>> -> memref<128xi32, #tpu.memory_space<vmem>>
        %dma_wait3A_143 = arith.constant 0 : i32
        %dma_wait3A_144 = arith.constant 0 : i32
        %dma_wait3A_145 = tpu.memref_slice %arg10[%dma_wait3A_143, %dma_wait3A_144] : memref<10240x128xf32, #tpu.memory_space<vmem_shared>> -> memref<10240x128xf32, #tpu.memory_space<vmem_shared>>
        tpu.wait_indirect_dma semaphore(%run_scoped3A_133 : memref<!tpu.dma_semaphore, #tpu.memory_space<semaphore_mem>>) src(%arg7 : memref<128x128xf32, #tpu.memory_space<vmem>>) dst(%dma_wait3A_145 : memref<10240x128xf32, #tpu.memory_space<vmem_shared>>)
        tpu.yield
      }) : () -> ()
      %add3A_125 = arith.constant 3 : i32
      %add3A_126 = arith.addi %add3A_102, %add3A_125 : i32
      %dma_start3A_127 = arith.constant 0 : i32
      %dma_start3A_128 = tpu.memref_slice %arg8[%add3A_126, %dma_start3A_127] : memref<40x128xi32, #tpu.memory_space<vmem>> -> memref<1x128xi32, #tpu.memory_space<vmem>>
      %dma_start3A_129 = tpu.memref_squeeze %dma_start3A_128 : memref<1x128xi32, #tpu.memory_space<vmem>> -> memref<128xi32, #tpu.memory_space<vmem>>
      %dma_start3A_130 = arith.constant 0 : i32
      %dma_start3A_131 = arith.constant 0 : i32
      %dma_start3A_132 = tpu.memref_slice %arg2[%dma_start3A_130, %dma_start3A_131] : memref<20000x128xf32, #tpu.memory_space<hbm>> -> memref<20000x128xf32, #tpu.memory_space<hbm>>
      tpu.enqueue_indirect_dma source(%dma_start3A_132 : memref<20000x128xf32, #tpu.memory_space<hbm>>) target(%arg7 : memref<128x128xf32, #tpu.memory_space<vmem>>) offsets(%dma_start3A_129 : memref<128xi32, #tpu.memory_space<vmem>>) semaphore(%arg12 : memref<!tpu.dma_semaphore, #tpu.memory_space<semaphore_mem>>)
    }
    %scan3A_45 = arith.constant 19 : i32
    %dma_wait3A = arith.constant 0 : i32
    %dma_wait3A_46 = arith.constant 0 : i32
    %dma_wait3A_47 = tpu.memref_slice %arg2[%dma_wait3A, %dma_wait3A_46] : memref<20000x128xf32, #tpu.memory_space<hbm>> -> memref<128x128xf32, #tpu.memory_space<hbm>>
    %dma_wait3A_48 = arith.constant 0 : i32
    %dma_wait3A_49 = arith.constant 0 : i32
    %dma_wait3A_50 = tpu.memref_slice %arg2[%dma_wait3A_48, %dma_wait3A_49] : memref<20000x128xf32, #tpu.memory_space<hbm>> -> memref<128x128xf32, #tpu.memory_space<hbm>>
    tpu.wait_dma2 semaphore(%arg11 : memref<!tpu.dma_semaphore, #tpu.memory_space<semaphore_mem>>) src(%dma_wait3A_50 : memref<128x128xf32, #tpu.memory_space<hbm>>) dst(%arg6 : memref<128x128xf32, #tpu.memory_space<vmem>>)
    %run_scoped3A = arith.constant 38 : i32
    "tpu.region"() ({
      %run_scoped3A_98 = tpu.sem_alloc : memref<!tpu.dma_semaphore, #tpu.memory_space<semaphore_mem>>
      %dma_start3A_99 = arith.constant 0 : i32
      %dma_start3A_100 = tpu.memref_slice %arg9[%run_scoped3A, %dma_start3A_99] : memref<40x128xi32, #tpu.memory_space<vmem>> -> memref<1x128xi32, #tpu.memory_space<vmem>>
      %dma_start3A_101 = tpu.memref_squeeze %dma_start3A_100 : memref<1x128xi32, #tpu.memory_space<vmem>> -> memref<128xi32, #tpu.memory_space<vmem>>
      %dma_start3A_102 = arith.constant 0 : i32
      %dma_start3A_103 = arith.constant 0 : i32
      %dma_start3A_104 = tpu.memref_slice %arg10[%dma_start3A_102, %dma_start3A_103] : memref<10240x128xf32, #tpu.memory_space<vmem_shared>> -> memref<10240x128xf32, #tpu.memory_space<vmem_shared>>
      tpu.enqueue_indirect_dma source(%arg6 : memref<128x128xf32, #tpu.memory_space<vmem>>) target(%dma_start3A_104 : memref<10240x128xf32, #tpu.memory_space<vmem_shared>>) offsets(%dma_start3A_101 : memref<128xi32, #tpu.memory_space<vmem>>) semaphore(%run_scoped3A_98 : memref<!tpu.dma_semaphore, #tpu.memory_space<semaphore_mem>>) {add = true}
      %dma_wait3A_105 = arith.constant 0 : i32
      %dma_wait3A_106 = tpu.memref_slice %arg9[%run_scoped3A, %dma_wait3A_105] : memref<40x128xi32, #tpu.memory_space<vmem>> -> memref<1x128xi32, #tpu.memory_space<vmem>>
      %dma_wait3A_107 = tpu.memref_squeeze %dma_wait3A_106 : memref<1x128xi32, #tpu.memory_space<vmem>> -> memref<128xi32, #tpu.memory_space<vmem>>
      %dma_wait3A_108 = arith.constant 0 : i32
      %dma_wait3A_109 = arith.constant 0 : i32
      %dma_wait3A_110 = tpu.memref_slice %arg10[%dma_wait3A_108, %dma_wait3A_109] : memref<10240x128xf32, #tpu.memory_space<vmem_shared>> -> memref<10240x128xf32, #tpu.memory_space<vmem_shared>>
      tpu.wait_indirect_dma semaphore(%run_scoped3A_98 : memref<!tpu.dma_semaphore, #tpu.memory_space<semaphore_mem>>) src(%arg6 : memref<128x128xf32, #tpu.memory_space<vmem>>) dst(%dma_wait3A_110 : memref<10240x128xf32, #tpu.memory_space<vmem_shared>>)
      tpu.yield
    }) : () -> ()
    %dma_wait3A_51 = arith.constant 0 : i32
    %dma_wait3A_52 = arith.constant 0 : i32
    %dma_wait3A_53 = tpu.memref_slice %arg2[%dma_wait3A_51, %dma_wait3A_52] : memref<20000x128xf32, #tpu.memory_space<hbm>> -> memref<128x128xf32, #tpu.memory_space<hbm>>
    %dma_wait3A_54 = arith.constant 0 : i32
    %dma_wait3A_55 = arith.constant 0 : i32
    %dma_wait3A_56 = tpu.memref_slice %arg2[%dma_wait3A_54, %dma_wait3A_55] : memref<20000x128xf32, #tpu.memory_space<hbm>> -> memref<128x128xf32, #tpu.memory_space<hbm>>
    tpu.wait_dma2 semaphore(%arg12 : memref<!tpu.dma_semaphore, #tpu.memory_space<semaphore_mem>>) src(%dma_wait3A_56 : memref<128x128xf32, #tpu.memory_space<hbm>>) dst(%arg7 : memref<128x128xf32, #tpu.memory_space<vmem>>)
    %run_scoped3A_57 = arith.constant 39 : i32
    "tpu.region"() ({
      %run_scoped3A_98 = tpu.sem_alloc : memref<!tpu.dma_semaphore, #tpu.memory_space<semaphore_mem>>
      %dma_start3A_99 = arith.constant 0 : i32
      %dma_start3A_100 = tpu.memref_slice %arg9[%run_scoped3A_57, %dma_start3A_99] : memref<40x128xi32, #tpu.memory_space<vmem>> -> memref<1x128xi32, #tpu.memory_space<vmem>>
      %dma_start3A_101 = tpu.memref_squeeze %dma_start3A_100 : memref<1x128xi32, #tpu.memory_space<vmem>> -> memref<128xi32, #tpu.memory_space<vmem>>
      %dma_start3A_102 = arith.constant 0 : i32
      %dma_start3A_103 = arith.constant 0 : i32
      %dma_start3A_104 = tpu.memref_slice %arg10[%dma_start3A_102, %dma_start3A_103] : memref<10240x128xf32, #tpu.memory_space<vmem_shared>> -> memref<10240x128xf32, #tpu.memory_space<vmem_shared>>
      tpu.enqueue_indirect_dma source(%arg7 : memref<128x128xf32, #tpu.memory_space<vmem>>) target(%dma_start3A_104 : memref<10240x128xf32, #tpu.memory_space<vmem_shared>>) offsets(%dma_start3A_101 : memref<128xi32, #tpu.memory_space<vmem>>) semaphore(%run_scoped3A_98 : memref<!tpu.dma_semaphore, #tpu.memory_space<semaphore_mem>>) {add = true}
      %dma_wait3A_105 = arith.constant 0 : i32
      %dma_wait3A_106 = tpu.memref_slice %arg9[%run_scoped3A_57, %dma_wait3A_105] : memref<40x128xi32, #tpu.memory_space<vmem>> -> memref<1x128xi32, #tpu.memory_space<vmem>>
      %dma_wait3A_107 = tpu.memref_squeeze %dma_wait3A_106 : memref<1x128xi32, #tpu.memory_space<vmem>> -> memref<128xi32, #tpu.memory_space<vmem>>
      %dma_wait3A_108 = arith.constant 0 : i32
      %dma_wait3A_109 = arith.constant 0 : i32
      %dma_wait3A_110 = tpu.memref_slice %arg10[%dma_wait3A_108, %dma_wait3A_109] : memref<10240x128xf32, #tpu.memory_space<vmem_shared>> -> memref<10240x128xf32, #tpu.memory_space<vmem_shared>>
      tpu.wait_indirect_dma semaphore(%run_scoped3A_98 : memref<!tpu.dma_semaphore, #tpu.memory_space<semaphore_mem>>) src(%arg7 : memref<128x128xf32, #tpu.memory_space<vmem>>) dst(%dma_wait3A_110 : memref<10240x128xf32, #tpu.memory_space<vmem_shared>>)
      tpu.yield
    }) : () -> ()
    %add3A_58 = arith.constant 40 : i32
    %add3A_59 = arith.addi %mul3A_0, %add3A_58 : i32
    "tpu.region"() ({
      %run_scoped3A_98 = tpu.sem_alloc : memref<!tpu.dma_semaphore, #tpu.memory_space<semaphore_mem>>
      %dma_start3A_99 = arith.constant 0 : i32
      %dma_start3A_100 = tpu.memref_slice %arg3[%arg0, %add3A_59, %dma_start3A_99] : memref<2x1280x128xi32, #tpu.memory_space<hbm>> -> memref<1x40x128xi32, #tpu.memory_space<hbm>>
      %dma_start3A_101 = tpu.memref_squeeze %dma_start3A_100 : memref<1x40x128xi32, #tpu.memory_space<hbm>> -> memref<40x128xi32, #tpu.memory_space<hbm>>
      %dma_start3A_102 = arith.constant 0 : i32
      %dma_start3A_103 = tpu.memref_slice %arg3[%arg0, %add3A_59, %dma_start3A_102] : memref<2x1280x128xi32, #tpu.memory_space<hbm>> -> memref<1x40x128xi32, #tpu.memory_space<hbm>>
      %dma_start3A_104 = tpu.memref_squeeze %dma_start3A_103 : memref<1x40x128xi32, #tpu.memory_space<hbm>> -> memref<40x128xi32, #tpu.memory_space<hbm>>
      tpu.enqueue_dma source(%dma_start3A_104 : memref<40x128xi32, #tpu.memory_space<hbm>>) target(%arg8 : memref<40x128xi32, #tpu.memory_space<vmem>>) target_semaphore(%run_scoped3A_98 : memref<!tpu.dma_semaphore, #tpu.memory_space<semaphore_mem>>)
      %dma_wait3A_105 = arith.constant 0 : i32
      %dma_wait3A_106 = tpu.memref_slice %arg3[%arg0, %add3A_59, %dma_wait3A_105] : memref<2x1280x128xi32, #tpu.memory_space<hbm>> -> memref<1x40x128xi32, #tpu.memory_space<hbm>>
      %dma_wait3A_107 = tpu.memref_squeeze %dma_wait3A_106 : memref<1x40x128xi32, #tpu.memory_space<hbm>> -> memref<40x128xi32, #tpu.memory_space<hbm>>
      %dma_wait3A_108 = arith.constant 0 : i32
      %dma_wait3A_109 = tpu.memref_slice %arg3[%arg0, %add3A_59, %dma_wait3A_108] : memref<2x1280x128xi32, #tpu.memory_space<hbm>> -> memref<1x40x128xi32, #tpu.memory_space<hbm>>
      %dma_wait3A_110 = tpu.memref_squeeze %dma_wait3A_109 : memref<1x40x128xi32, #tpu.memory_space<hbm>> -> memref<40x128xi32, #tpu.memory_space<hbm>>
      tpu.wait_dma2 semaphore(%run_scoped3A_98 : memref<!tpu.dma_semaphore, #tpu.memory_space<semaphore_mem>>) src(%dma_wait3A_110 : memref<40x128xi32, #tpu.memory_space<hbm>>) dst(%arg8 : memref<40x128xi32, #tpu.memory_space<vmem>>)
      tpu.yield
    }) : () -> ()
    %add3A_60 = arith.constant 40 : i32
    %add3A_61 = arith.addi %mul3A_0, %add3A_60 : i32
    "tpu.region"() ({
      %run_scoped3A_98 = tpu.sem_alloc : memref<!tpu.dma_semaphore, #tpu.memory_space<semaphore_mem>>
      %dma_start3A_99 = arith.constant 0 : i32
      %dma_start3A_100 = tpu.memref_slice %arg4[%add3A_61, %dma_start3A_99] : memref<1280x128xi32, #tpu.memory_space<hbm>> -> memref<40x128xi32, #tpu.memory_space<hbm>>
      %dma_start3A_101 = arith.constant 0 : i32
      %dma_start3A_102 = tpu.memref_slice %arg4[%add3A_61, %dma_start3A_101] : memref<1280x128xi32, #tpu.memory_space<hbm>> -> memref<40x128xi32, #tpu.memory_space<hbm>>
      tpu.enqueue_dma source(%dma_start3A_102 : memref<40x128xi32, #tpu.memory_space<hbm>>) target(%arg9 : memref<40x128xi32, #tpu.memory_space<vmem>>) target_semaphore(%run_scoped3A_98 : memref<!tpu.dma_semaphore, #tpu.memory_space<semaphore_mem>>)
      %dma_wait3A_103 = arith.constant 0 : i32
      %dma_wait3A_104 = tpu.memref_slice %arg4[%add3A_61, %dma_wait3A_103] : memref<1280x128xi32, #tpu.memory_space<hbm>> -> memref<40x128xi32, #tpu.memory_space<hbm>>
      %dma_wait3A_105 = arith.constant 0 : i32
      %dma_wait3A_106 = tpu.memref_slice %arg4[%add3A_61, %dma_wait3A_105] : memref<1280x128xi32, #tpu.memory_space<hbm>> -> memref<40x128xi32, #tpu.memory_space<hbm>>
      tpu.wait_dma2 semaphore(%run_scoped3A_98 : memref<!tpu.dma_semaphore, #tpu.memory_space<semaphore_mem>>) src(%dma_wait3A_106 : memref<40x128xi32, #tpu.memory_space<hbm>>) dst(%arg9 : memref<40x128xi32, #tpu.memory_space<vmem>>)
      tpu.yield
    }) : () -> ()
    %dma_start3A_62 = arith.constant 0 : i32
    %dma_start3A_63 = arith.constant 0 : i32
    %dma_start3A_64 = tpu.memref_slice %arg8[%dma_start3A_62, %dma_start3A_63] : memref<40x128xi32, #tpu.memory_space<vmem>> -> memref<1x128xi32, #tpu.memory_space<vmem>>
    %dma_start3A_65 = tpu.memref_squeeze %dma_start3A_64 : memref<1x128xi32, #tpu.memory_space<vmem>> -> memref<128xi32, #tpu.memory_space<vmem>>
    %dma_start3A_66 = arith.constant 0 : i32
    %dma_start3A_67 = arith.constant 0 : i32
    %dma_start3A_68 = tpu.memref_slice %arg2[%dma_start3A_66, %dma_start3A_67] : memref<20000x128xf32, #tpu.memory_space<hbm>> -> memref<20000x128xf32, #tpu.memory_space<hbm>>
    tpu.enqueue_indirect_dma source(%dma_start3A_68 : memref<20000x128xf32, #tpu.memory_space<hbm>>) target(%arg6 : memref<128x128xf32, #tpu.memory_space<vmem>>) offsets(%dma_start3A_65 : memref<128xi32, #tpu.memory_space<vmem>>) semaphore(%arg11 : memref<!tpu.dma_semaphore, #tpu.memory_space<semaphore_mem>>)
    %dma_start3A_69 = arith.constant 1 : i32
    %dma_start3A_70 = arith.constant 0 : i32
    %dma_start3A_71 = tpu.memref_slice %arg8[%dma_start3A_69, %dma_start3A_70] : memref<40x128xi32, #tpu.memory_space<vmem>> -> memref<1x128xi32, #tpu.memory_space<vmem>>
    %dma_start3A_72 = tpu.memref_squeeze %dma_start3A_71 : memref<1x128xi32, #tpu.memory_space<vmem>> -> memref<128xi32, #tpu.memory_space<vmem>>
    %dma_start3A_73 = arith.constant 0 : i32
    %dma_start3A_74 = arith.constant 0 : i32
    %dma_start3A_75 = tpu.memref_slice %arg2[%dma_start3A_73, %dma_start3A_74] : memref<20000x128xf32, #tpu.memory_space<hbm>> -> memref<20000x128xf32, #tpu.memory_space<hbm>>
    tpu.enqueue_indirect_dma source(%dma_start3A_75 : memref<20000x128xf32, #tpu.memory_space<hbm>>) target(%arg7 : memref<128x128xf32, #tpu.memory_space<vmem>>) offsets(%dma_start3A_72 : memref<128xi32, #tpu.memory_space<vmem>>) semaphore(%arg12 : memref<!tpu.dma_semaphore, #tpu.memory_space<semaphore_mem>>)
    %scan3A_76 = arith.constant 0 : i32
    %scan3A_77 = arith.constant 19 : i32
    %scan3A_78 = arith.addi %scan3A_76, %scan3A_77 : i32
    %scan3A_79 = arith.constant 1 : i32
    scf.for %scan3A_98 = %scan3A_76 to %scan3A_78 step %scan3A_79  : i32 {
      %mul3A_99 = arith.constant 2 : i32
      %mul3A_100 = arith.muli %scan3A_98, %mul3A_99 : i32
      %add3A_101 = arith.constant 0 : i32
      %add3A_102 = arith.addi %add3A_101, %mul3A_100 : i32
      %dma_wait3A_103 = arith.constant 0 : i32
      %dma_wait3A_104 = arith.constant 0 : i32
      %dma_wait3A_105 = tpu.memref_slice %arg2[%dma_wait3A_103, %dma_wait3A_104] : memref<20000x128xf32, #tpu.memory_space<hbm>> -> memref<128x128xf32, #tpu.memory_space<hbm>>
      %dma_wait3A_106 = arith.constant 0 : i32
      %dma_wait3A_107 = arith.constant 0 : i32
      %dma_wait3A_108 = tpu.memref_slice %arg2[%dma_wait3A_106, %dma_wait3A_107] : memref<20000x128xf32, #tpu.memory_space<hbm>> -> memref<128x128xf32, #tpu.memory_space<hbm>>
      tpu.wait_dma2 semaphore(%arg11 : memref<!tpu.dma_semaphore, #tpu.memory_space<semaphore_mem>>) src(%dma_wait3A_108 : memref<128x128xf32, #tpu.memory_space<hbm>>) dst(%arg6 : memref<128x128xf32, #tpu.memory_space<vmem>>)
      "tpu.region"() ({
        %run_scoped3A_133 = tpu.sem_alloc : memref<!tpu.dma_semaphore, #tpu.memory_space<semaphore_mem>>
        %dma_start3A_134 = arith.constant 0 : i32
        %dma_start3A_135 = tpu.memref_slice %arg9[%add3A_102, %dma_start3A_134] : memref<40x128xi32, #tpu.memory_space<vmem>> -> memref<1x128xi32, #tpu.memory_space<vmem>>
        %dma_start3A_136 = tpu.memref_squeeze %dma_start3A_135 : memref<1x128xi32, #tpu.memory_space<vmem>> -> memref<128xi32, #tpu.memory_space<vmem>>
        %dma_start3A_137 = arith.constant 0 : i32
        %dma_start3A_138 = arith.constant 0 : i32
        %dma_start3A_139 = tpu.memref_slice %arg10[%dma_start3A_137, %dma_start3A_138] : memref<10240x128xf32, #tpu.memory_space<vmem_shared>> -> memref<10240x128xf32, #tpu.memory_space<vmem_shared>>
        tpu.enqueue_indirect_dma source(%arg6 : memref<128x128xf32, #tpu.memory_space<vmem>>) target(%dma_start3A_139 : memref<10240x128xf32, #tpu.memory_space<vmem_shared>>) offsets(%dma_start3A_136 : memref<128xi32, #tpu.memory_space<vmem>>) semaphore(%run_scoped3A_133 : memref<!tpu.dma_semaphore, #tpu.memory_space<semaphore_mem>>) {add = true}
        %dma_wait3A_140 = arith.constant 0 : i32
        %dma_wait3A_141 = tpu.memref_slice %arg9[%add3A_102, %dma_wait3A_140] : memref<40x128xi32, #tpu.memory_space<vmem>> -> memref<1x128xi32, #tpu.memory_space<vmem>>
        %dma_wait3A_142 = tpu.memref_squeeze %dma_wait3A_141 : memref<1x128xi32, #tpu.memory_space<vmem>> -> memref<128xi32, #tpu.memory_space<vmem>>
        %dma_wait3A_143 = arith.constant 0 : i32
        %dma_wait3A_144 = arith.constant 0 : i32
        %dma_wait3A_145 = tpu.memref_slice %arg10[%dma_wait3A_143, %dma_wait3A_144] : memref<10240x128xf32, #tpu.memory_space<vmem_shared>> -> memref<10240x128xf32, #tpu.memory_space<vmem_shared>>
        tpu.wait_indirect_dma semaphore(%run_scoped3A_133 : memref<!tpu.dma_semaphore, #tpu.memory_space<semaphore_mem>>) src(%arg6 : memref<128x128xf32, #tpu.memory_space<vmem>>) dst(%dma_wait3A_145 : memref<10240x128xf32, #tpu.memory_space<vmem_shared>>)
        tpu.yield
      }) : () -> ()
      %add3A_109 = arith.constant 2 : i32
      %add3A_110 = arith.addi %add3A_102, %add3A_109 : i32
      %dma_start3A_111 = arith.constant 0 : i32
      %dma_start3A_112 = tpu.memref_slice %arg8[%add3A_110, %dma_start3A_111] : memref<40x128xi32, #tpu.memory_space<vmem>> -> memref<1x128xi32, #tpu.memory_space<vmem>>
      %dma_start3A_113 = tpu.memref_squeeze %dma_start3A_112 : memref<1x128xi32, #tpu.memory_space<vmem>> -> memref<128xi32, #tpu.memory_space<vmem>>
      %dma_start3A_114 = arith.constant 0 : i32
      %dma_start3A_115 = arith.constant 0 : i32
      %dma_start3A_116 = tpu.memref_slice %arg2[%dma_start3A_114, %dma_start3A_115] : memref<20000x128xf32, #tpu.memory_space<hbm>> -> memref<20000x128xf32, #tpu.memory_space<hbm>>
      tpu.enqueue_indirect_dma source(%dma_start3A_116 : memref<20000x128xf32, #tpu.memory_space<hbm>>) target(%arg6 : memref<128x128xf32, #tpu.memory_space<vmem>>) offsets(%dma_start3A_113 : memref<128xi32, #tpu.memory_space<vmem>>) semaphore(%arg11 : memref<!tpu.dma_semaphore, #tpu.memory_space<semaphore_mem>>)
      %dma_wait3A_117 = arith.constant 0 : i32
      %dma_wait3A_118 = arith.constant 0 : i32
      %dma_wait3A_119 = tpu.memref_slice %arg2[%dma_wait3A_117, %dma_wait3A_118] : memref<20000x128xf32, #tpu.memory_space<hbm>> -> memref<128x128xf32, #tpu.memory_space<hbm>>
      %dma_wait3A_120 = arith.constant 0 : i32
      %dma_wait3A_121 = arith.constant 0 : i32
      %dma_wait3A_122 = tpu.memref_slice %arg2[%dma_wait3A_120, %dma_wait3A_121] : memref<20000x128xf32, #tpu.memory_space<hbm>> -> memref<128x128xf32, #tpu.memory_space<hbm>>
      tpu.wait_dma2 semaphore(%arg12 : memref<!tpu.dma_semaphore, #tpu.memory_space<semaphore_mem>>) src(%dma_wait3A_122 : memref<128x128xf32, #tpu.memory_space<hbm>>) dst(%arg7 : memref<128x128xf32, #tpu.memory_space<vmem>>)
      %add3A_123 = arith.constant 1 : i32
      %add3A_124 = arith.addi %add3A_102, %add3A_123 : i32
      "tpu.region"() ({
        %run_scoped3A_133 = tpu.sem_alloc : memref<!tpu.dma_semaphore, #tpu.memory_space<semaphore_mem>>
        %dma_start3A_134 = arith.constant 0 : i32
        %dma_start3A_135 = tpu.memref_slice %arg9[%add3A_124, %dma_start3A_134] : memref<40x128xi32, #tpu.memory_space<vmem>> -> memref<1x128xi32, #tpu.memory_space<vmem>>
        %dma_start3A_136 = tpu.memref_squeeze %dma_start3A_135 : memref<1x128xi32, #tpu.memory_space<vmem>> -> memref<128xi32, #tpu.memory_space<vmem>>
        %dma_start3A_137 = arith.constant 0 : i32
        %dma_start3A_138 = arith.constant 0 : i32
        %dma_start3A_139 = tpu.memref_slice %arg10[%dma_start3A_137, %dma_start3A_138] : memref<10240x128xf32, #tpu.memory_space<vmem_shared>> -> memref<10240x128xf32, #tpu.memory_space<vmem_shared>>
        tpu.enqueue_indirect_dma source(%arg7 : memref<128x128xf32, #tpu.memory_space<vmem>>) target(%dma_start3A_139 : memref<10240x128xf32, #tpu.memory_space<vmem_shared>>) offsets(%dma_start3A_136 : memref<128xi32, #tpu.memory_space<vmem>>) semaphore(%run_scoped3A_133 : memref<!tpu.dma_semaphore, #tpu.memory_space<semaphore_mem>>) {add = true}
        %dma_wait3A_140 = arith.constant 0 : i32
        %dma_wait3A_141 = tpu.memref_slice %arg9[%add3A_124, %dma_wait3A_140] : memref<40x128xi32, #tpu.memory_space<vmem>> -> memref<1x128xi32, #tpu.memory_space<vmem>>
        %dma_wait3A_142 = tpu.memref_squeeze %dma_wait3A_141 : memref<1x128xi32, #tpu.memory_space<vmem>> -> memref<128xi32, #tpu.memory_space<vmem>>
        %dma_wait3A_143 = arith.constant 0 : i32
        %dma_wait3A_144 = arith.constant 0 : i32
        %dma_wait3A_145 = tpu.memref_slice %arg10[%dma_wait3A_143, %dma_wait3A_144] : memref<10240x128xf32, #tpu.memory_space<vmem_shared>> -> memref<10240x128xf32, #tpu.memory_space<vmem_shared>>
        tpu.wait_indirect_dma semaphore(%run_scoped3A_133 : memref<!tpu.dma_semaphore, #tpu.memory_space<semaphore_mem>>) src(%arg7 : memref<128x128xf32, #tpu.memory_space<vmem>>) dst(%dma_wait3A_145 : memref<10240x128xf32, #tpu.memory_space<vmem_shared>>)
        tpu.yield
      }) : () -> ()
      %add3A_125 = arith.constant 3 : i32
      %add3A_126 = arith.addi %add3A_102, %add3A_125 : i32
      %dma_start3A_127 = arith.constant 0 : i32
      %dma_start3A_128 = tpu.memref_slice %arg8[%add3A_126, %dma_start3A_127] : memref<40x128xi32, #tpu.memory_space<vmem>> -> memref<1x128xi32, #tpu.memory_space<vmem>>
      %dma_start3A_129 = tpu.memref_squeeze %dma_start3A_128 : memref<1x128xi32, #tpu.memory_space<vmem>> -> memref<128xi32, #tpu.memory_space<vmem>>
      %dma_start3A_130 = arith.constant 0 : i32
      %dma_start3A_131 = arith.constant 0 : i32
      %dma_start3A_132 = tpu.memref_slice %arg2[%dma_start3A_130, %dma_start3A_131] : memref<20000x128xf32, #tpu.memory_space<hbm>> -> memref<20000x128xf32, #tpu.memory_space<hbm>>
      tpu.enqueue_indirect_dma source(%dma_start3A_132 : memref<20000x128xf32, #tpu.memory_space<hbm>>) target(%arg7 : memref<128x128xf32, #tpu.memory_space<vmem>>) offsets(%dma_start3A_129 : memref<128xi32, #tpu.memory_space<vmem>>) semaphore(%arg12 : memref<!tpu.dma_semaphore, #tpu.memory_space<semaphore_mem>>)
    }
    %scan3A_80 = arith.constant 19 : i32
    %dma_wait3A_81 = arith.constant 0 : i32
    %dma_wait3A_82 = arith.constant 0 : i32
    %dma_wait3A_83 = tpu.memref_slice %arg2[%dma_wait3A_81, %dma_wait3A_82] : memref<20000x128xf32, #tpu.memory_space<hbm>> -> memref<128x128xf32, #tpu.memory_space<hbm>>
    %dma_wait3A_84 = arith.constant 0 : i32
    %dma_wait3A_85 = arith.constant 0 : i32
    %dma_wait3A_86 = tpu.memref_slice %arg2[%dma_wait3A_84, %dma_wait3A_85] : memref<20000x128xf32, #tpu.memory_space<hbm>> -> memref<128x128xf32, #tpu.memory_space<hbm>>
    tpu.wait_dma2 semaphore(%arg11 : memref<!tpu.dma_semaphore, #tpu.memory_space<semaphore_mem>>) src(%dma_wait3A_86 : memref<128x128xf32, #tpu.memory_space<hbm>>) dst(%arg6 : memref<128x128xf32, #tpu.memory_space<vmem>>)
    %run_scoped3A_87 = arith.constant 38 : i32
    "tpu.region"() ({
      %run_scoped3A_98 = tpu.sem_alloc : memref<!tpu.dma_semaphore, #tpu.memory_space<semaphore_mem>>
      %dma_start3A_99 = arith.constant 0 : i32
      %dma_start3A_100 = tpu.memref_slice %arg9[%run_scoped3A_87, %dma_start3A_99] : memref<40x128xi32, #tpu.memory_space<vmem>> -> memref<1x128xi32, #tpu.memory_space<vmem>>
      %dma_start3A_101 = tpu.memref_squeeze %dma_start3A_100 : memref<1x128xi32, #tpu.memory_space<vmem>> -> memref<128xi32, #tpu.memory_space<vmem>>
      %dma_start3A_102 = arith.constant 0 : i32
      %dma_start3A_103 = arith.constant 0 : i32
      %dma_start3A_104 = tpu.memref_slice %arg10[%dma_start3A_102, %dma_start3A_103] : memref<10240x128xf32, #tpu.memory_space<vmem_shared>> -> memref<10240x128xf32, #tpu.memory_space<vmem_shared>>
      tpu.enqueue_indirect_dma source(%arg6 : memref<128x128xf32, #tpu.memory_space<vmem>>) target(%dma_start3A_104 : memref<10240x128xf32, #tpu.memory_space<vmem_shared>>) offsets(%dma_start3A_101 : memref<128xi32, #tpu.memory_space<vmem>>) semaphore(%run_scoped3A_98 : memref<!tpu.dma_semaphore, #tpu.memory_space<semaphore_mem>>) {add = true}
      %dma_wait3A_105 = arith.constant 0 : i32
      %dma_wait3A_106 = tpu.memref_slice %arg9[%run_scoped3A_87, %dma_wait3A_105] : memref<40x128xi32, #tpu.memory_space<vmem>> -> memref<1x128xi32, #tpu.memory_space<vmem>>
      %dma_wait3A_107 = tpu.memref_squeeze %dma_wait3A_106 : memref<1x128xi32, #tpu.memory_space<vmem>> -> memref<128xi32, #tpu.memory_space<vmem>>
      %dma_wait3A_108 = arith.constant 0 : i32
      %dma_wait3A_109 = arith.constant 0 : i32
      %dma_wait3A_110 = tpu.memref_slice %arg10[%dma_wait3A_108, %dma_wait3A_109] : memref<10240x128xf32, #tpu.memory_space<vmem_shared>> -> memref<10240x128xf32, #tpu.memory_space<vmem_shared>>
      tpu.wait_indirect_dma semaphore(%run_scoped3A_98 : memref<!tpu.dma_semaphore, #tpu.memory_space<semaphore_mem>>) src(%arg6 : memref<128x128xf32, #tpu.memory_space<vmem>>) dst(%dma_wait3A_110 : memref<10240x128xf32, #tpu.memory_space<vmem_shared>>)
      tpu.yield
    }) : () -> ()
    %dma_wait3A_88 = arith.constant 0 : i32
    %dma_wait3A_89 = arith.constant 0 : i32
    %dma_wait3A_90 = tpu.memref_slice %arg2[%dma_wait3A_88, %dma_wait3A_89] : memref<20000x128xf32, #tpu.memory_space<hbm>> -> memref<128x128xf32, #tpu.memory_space<hbm>>
    %dma_wait3A_91 = arith.constant 0 : i32
    %dma_wait3A_92 = arith.constant 0 : i32
    %dma_wait3A_93 = tpu.memref_slice %arg2[%dma_wait3A_91, %dma_wait3A_92] : memref<20000x128xf32, #tpu.memory_space<hbm>> -> memref<128x128xf32, #tpu.memory_space<hbm>>
    tpu.wait_dma2 semaphore(%arg12 : memref<!tpu.dma_semaphore, #tpu.memory_space<semaphore_mem>>) src(%dma_wait3A_93 : memref<128x128xf32, #tpu.memory_space<hbm>>) dst(%arg7 : memref<128x128xf32, #tpu.memory_space<vmem>>)
    %run_scoped3A_94 = arith.constant 39 : i32
    "tpu.region"() ({
      %run_scoped3A_98 = tpu.sem_alloc : memref<!tpu.dma_semaphore, #tpu.memory_space<semaphore_mem>>
      %dma_start3A_99 = arith.constant 0 : i32
      %dma_start3A_100 = tpu.memref_slice %arg9[%run_scoped3A_94, %dma_start3A_99] : memref<40x128xi32, #tpu.memory_space<vmem>> -> memref<1x128xi32, #tpu.memory_space<vmem>>
      %dma_start3A_101 = tpu.memref_squeeze %dma_start3A_100 : memref<1x128xi32, #tpu.memory_space<vmem>> -> memref<128xi32, #tpu.memory_space<vmem>>
      %dma_start3A_102 = arith.constant 0 : i32
      %dma_start3A_103 = arith.constant 0 : i32
      %dma_start3A_104 = tpu.memref_slice %arg10[%dma_start3A_102, %dma_start3A_103] : memref<10240x128xf32, #tpu.memory_space<vmem_shared>> -> memref<10240x128xf32, #tpu.memory_space<vmem_shared>>
      tpu.enqueue_indirect_dma source(%arg7 : memref<128x128xf32, #tpu.memory_space<vmem>>) target(%dma_start3A_104 : memref<10240x128xf32, #tpu.memory_space<vmem_shared>>) offsets(%dma_start3A_101 : memref<128xi32, #tpu.memory_space<vmem>>) semaphore(%run_scoped3A_98 : memref<!tpu.dma_semaphore, #tpu.memory_space<semaphore_mem>>) {add = true}
      %dma_wait3A_105 = arith.constant 0 : i32
      %dma_wait3A_106 = tpu.memref_slice %arg9[%run_scoped3A_94, %dma_wait3A_105] : memref<40x128xi32, #tpu.memory_space<vmem>> -> memref<1x128xi32, #tpu.memory_space<vmem>>
      %dma_wait3A_107 = tpu.memref_squeeze %dma_wait3A_106 : memref<1x128xi32, #tpu.memory_space<vmem>> -> memref<128xi32, #tpu.memory_space<vmem>>
      %dma_wait3A_108 = arith.constant 0 : i32
      %dma_wait3A_109 = arith.constant 0 : i32
      %dma_wait3A_110 = tpu.memref_slice %arg10[%dma_wait3A_108, %dma_wait3A_109] : memref<10240x128xf32, #tpu.memory_space<vmem_shared>> -> memref<10240x128xf32, #tpu.memory_space<vmem_shared>>
      tpu.wait_indirect_dma semaphore(%run_scoped3A_98 : memref<!tpu.dma_semaphore, #tpu.memory_space<semaphore_mem>>) src(%arg7 : memref<128x128xf32, #tpu.memory_space<vmem>>) dst(%dma_wait3A_110 : memref<10240x128xf32, #tpu.memory_space<vmem_shared>>)
      tpu.yield
    }) : () -> ()
    %barrier3A_95 = arith.constant 0 : index
    tpu.barrier barrier_id(%barrier3A_95)
    %mul3A_96 = arith.constant 640 : i32
    %mul3A_97 = arith.muli %arg1, %mul3A_96 : i32
    "tpu.region"() ({
      %run_scoped3A_98 = tpu.sem_alloc : memref<!tpu.dma_semaphore, #tpu.memory_space<semaphore_mem>>
      %dma_start3A_99 = arith.constant 0 : i32
      %dma_start3A_100 = tpu.memref_slice %arg5[%arg0, %mul3A_97, %dma_start3A_99] : memref<2x10240x128xf32, #tpu.memory_space<hbm>> -> memref<1x640x128xf32, #tpu.memory_space<hbm>>
      %dma_start3A_101 = tpu.memref_squeeze %dma_start3A_100 : memref<1x640x128xf32, #tpu.memory_space<hbm>> -> memref<640x128xf32, #tpu.memory_space<hbm>>
      %dma_start3A_102 = arith.constant 0 : i32
      %dma_start3A_103 = tpu.memref_slice %arg10[%mul3A_97, %dma_start3A_102] : memref<10240x128xf32, #tpu.memory_space<vmem_shared>> -> memref<640x128xf32, #tpu.memory_space<vmem_shared>>
      tpu.enqueue_dma source(%dma_start3A_103 : memref<640x128xf32, #tpu.memory_space<vmem_shared>>) target(%dma_start3A_101 : memref<640x128xf32, #tpu.memory_space<hbm>>) target_semaphore(%run_scoped3A_98 : memref<!tpu.dma_semaphore, #tpu.memory_space<semaphore_mem>>)
      %dma_wait3A_104 = arith.constant 0 : i32
      %dma_wait3A_105 = tpu.memref_slice %arg5[%arg0, %mul3A_97, %dma_wait3A_104] : memref<2x10240x128xf32, #tpu.memory_space<hbm>> -> memref<1x640x128xf32, #tpu.memory_space<hbm>>
      %dma_wait3A_106 = tpu.memref_squeeze %dma_wait3A_105 : memref<1x640x128xf32, #tpu.memory_space<hbm>> -> memref<640x128xf32, #tpu.memory_space<hbm>>
      %dma_wait3A_107 = arith.constant 0 : i32
      %dma_wait3A_108 = tpu.memref_slice %arg10[%mul3A_97, %dma_wait3A_107] : memref<10240x128xf32, #tpu.memory_space<vmem_shared>> -> memref<640x128xf32, #tpu.memory_space<vmem_shared>>
      tpu.wait_dma2 semaphore(%run_scoped3A_98 : memref<!tpu.dma_semaphore, #tpu.memory_space<semaphore_mem>>) src(%dma_wait3A_108 : memref<640x128xf32, #tpu.memory_space<vmem_shared>>) dst(%dma_wait3A_106 : memref<640x128xf32, #tpu.memory_space<hbm>>)
      tpu.yield
    }) : () -> ()
    return
  }
}

#map = affine_map<(d0, d1) -> (0, 0)>
#map1 = affine_map<(d0, d1) -> (0, 0, 0)>
#map2 = affine_map<(d0, d1) -> (0)>
module attributes {stable_mosaic.version = 14 : i64} {
  func.func @edge_sum(%arg0: i32, %arg1: i32, %arg2: memref<20000x128xf32, #tpu.memory_space<hbm>>, %arg3: memref<2x1280x128xi32, #tpu.memory_space<hbm>>, %arg4: memref<1280x128xi32, #tpu.memory_space<hbm>>, %arg5: memref<2x10240x128xf32, #tpu.memory_space<hbm>>, %arg6: memref<20480xf32, #tpu.memory_space<hbm>>, %arg7: memref<128x128xf32, #tpu.memory_space<vmem>>, %arg8: memref<128x128xf32, #tpu.memory_space<vmem>>, %arg9: memref<40x128xi32, #tpu.memory_space<vmem>>, %arg10: memref<40x128xi32, #tpu.memory_space<vmem>>, %arg11: memref<10240x128xf32, #tpu.memory_space<vmem_shared>>, %arg12: memref<!tpu.dma_semaphore, #tpu.memory_space<semaphore_mem>>, %arg13: memref<!tpu.dma_semaphore, #tpu.memory_space<semaphore_mem>>, %arg14: memref<128xf32, #tpu.memory_space<vmem>>, %arg15: memref<640xf32, #tpu.memory_space<vmem>>, %arg16: memref<10240xf32, #tpu.memory_space<vmem_shared>>, %arg17: memref<!tpu.dma_semaphore, #tpu.memory_space<semaphore_mem>>) attributes {dimension_semantics = [#tpu.dimension_semantics<core_parallel>, #tpu.dimension_semantics<subcore_parallel>], iteration_bounds = array<i64: 2, 16>, scalar_prefetch = 0 : i64, scratch_operands = 11 : i64, tpu.core_type = #tpu.core_type<sc_vector_subcore>, window_params = [{transform_indices = #map}, {transform_indices = #map1}, {transform_indices = #map}, {transform_indices = #map1}, {transform_indices = #map2}]} {
    %mul3A = arith.constant 80 : i32
    %mul3A_0 = arith.muli %arg1, %mul3A : i32
    %scan3A = arith.constant 0 : i32
    %scan3A_1 = arith.constant 128 : i32
    %scan3A_2 = arith.addi %scan3A, %scan3A_1 : i32
    %scan3A_3 = arith.constant 1 : i32
    scf.for %scan3A_181 = %scan3A to %scan3A_2 step %scan3A_3  : i32 {
      %mul3A_182 = arith.constant 1 : i32
      %mul3A_183 = arith.muli %scan3A_181, %mul3A_182 : i32
      %add3A_184 = arith.constant 0 : i32
      %add3A_185 = arith.addi %add3A_184, %mul3A_183 : i32
      %broadcast_in_dim3A_186 = arith.constant 0.000000e+00 : f32
      %broadcast_in_dim3A_187 = vector.broadcast %broadcast_in_dim3A_186 : f32 to vector<16xf32>
      %swap3A_188 = arith.index_cast %add3A_185 : i32 to index
      %swap3A_189 = arith.constant 0 : index
      %swap3A_190 = tpu.vector_load %arg7[%swap3A_188, %swap3A_189] {strides = array<i32>} : memref<128x128xf32, #tpu.memory_space<vmem>>, vector<1x16xf32>,
      %swap3A_191 = vector.shape_cast %swap3A_190 : vector<1x16xf32> to vector<16xf32>
      %swap3A_192 = vector.shape_cast %broadcast_in_dim3A_187 : vector<16xf32> to vector<1x16xf32>
      tpu.vector_store %arg7[%swap3A_188, %swap3A_189], %swap3A_192 {strides = array<i32>} : memref<128x128xf32, #tpu.memory_space<vmem>>, vector<1x16xf32>,
      %broadcast_in_dim3A_193 = arith.constant 0.000000e+00 : f32
      %broadcast_in_dim3A_194 = vector.broadcast %broadcast_in_dim3A_193 : f32 to vector<16xf32>
      %swap3A_195 = arith.index_cast %add3A_185 : i32 to index
      %swap3A_196 = arith.constant 16 : index
      %swap3A_197 = tpu.vector_load %arg7[%swap3A_195, %swap3A_196] {strides = array<i32>} : memref<128x128xf32, #tpu.memory_space<vmem>>, vector<1x16xf32>,
      %swap3A_198 = vector.shape_cast %swap3A_197 : vector<1x16xf32> to vector<16xf32>
      %swap3A_199 = vector.shape_cast %broadcast_in_dim3A_194 : vector<16xf32> to vector<1x16xf32>
      tpu.vector_store %arg7[%swap3A_195, %swap3A_196], %swap3A_199 {strides = array<i32>} : memref<128x128xf32, #tpu.memory_space<vmem>>, vector<1x16xf32>,
      %broadcast_in_dim3A_200 = arith.constant 0.000000e+00 : f32
      %broadcast_in_dim3A_201 = vector.broadcast %broadcast_in_dim3A_200 : f32 to vector<16xf32>
      %swap3A_202 = arith.index_cast %add3A_185 : i32 to index
      %swap3A_203 = arith.constant 32 : index
      %swap3A_204 = tpu.vector_load %arg7[%swap3A_202, %swap3A_203] {strides = array<i32>} : memref<128x128xf32, #tpu.memory_space<vmem>>, vector<1x16xf32>,
      %swap3A_205 = vector.shape_cast %swap3A_204 : vector<1x16xf32> to vector<16xf32>
      %swap3A_206 = vector.shape_cast %broadcast_in_dim3A_201 : vector<16xf32> to vector<1x16xf32>
      tpu.vector_store %arg7[%swap3A_202, %swap3A_203], %swap3A_206 {strides = array<i32>} : memref<128x128xf32, #tpu.memory_space<vmem>>, vector<1x16xf32>,
      %broadcast_in_dim3A_207 = arith.constant 0.000000e+00 : f32
      %broadcast_in_dim3A_208 = vector.broadcast %broadcast_in_dim3A_207 : f32 to vector<16xf32>
      %swap3A_209 = arith.index_cast %add3A_185 : i32 to index
      %swap3A_210 = arith.constant 48 : index
      %swap3A_211 = tpu.vector_load %arg7[%swap3A_209, %swap3A_210] {strides = array<i32>} : memref<128x128xf32, #tpu.memory_space<vmem>>, vector<1x16xf32>,
      %swap3A_212 = vector.shape_cast %swap3A_211 : vector<1x16xf32> to vector<16xf32>
      %swap3A_213 = vector.shape_cast %broadcast_in_dim3A_208 : vector<16xf32> to vector<1x16xf32>
      tpu.vector_store %arg7[%swap3A_209, %swap3A_210], %swap3A_213 {strides = array<i32>} : memref<128x128xf32, #tpu.memory_space<vmem>>, vector<1x16xf32>,
      %broadcast_in_dim3A_214 = arith.constant 0.000000e+00 : f32
      %broadcast_in_dim3A_215 = vector.broadcast %broadcast_in_dim3A_214 : f32 to vector<16xf32>
      %swap3A_216 = arith.index_cast %add3A_185 : i32 to index
      %swap3A_217 = arith.constant 64 : index
      %swap3A_218 = tpu.vector_load %arg7[%swap3A_216, %swap3A_217] {strides = array<i32>} : memref<128x128xf32, #tpu.memory_space<vmem>>, vector<1x16xf32>,
      %swap3A_219 = vector.shape_cast %swap3A_218 : vector<1x16xf32> to vector<16xf32>
      %swap3A_220 = vector.shape_cast %broadcast_in_dim3A_215 : vector<16xf32> to vector<1x16xf32>
      tpu.vector_store %arg7[%swap3A_216, %swap3A_217], %swap3A_220 {strides = array<i32>} : memref<128x128xf32, #tpu.memory_space<vmem>>, vector<1x16xf32>,
      %broadcast_in_dim3A_221 = arith.constant 0.000000e+00 : f32
      %broadcast_in_dim3A_222 = vector.broadcast %broadcast_in_dim3A_221 : f32 to vector<16xf32>
      %swap3A_223 = arith.index_cast %add3A_185 : i32 to index
      %swap3A_224 = arith.constant 80 : index
      %swap3A_225 = tpu.vector_load %arg7[%swap3A_223, %swap3A_224] {strides = array<i32>} : memref<128x128xf32, #tpu.memory_space<vmem>>, vector<1x16xf32>,
      %swap3A_226 = vector.shape_cast %swap3A_225 : vector<1x16xf32> to vector<16xf32>
      %swap3A_227 = vector.shape_cast %broadcast_in_dim3A_222 : vector<16xf32> to vector<1x16xf32>
      tpu.vector_store %arg7[%swap3A_223, %swap3A_224], %swap3A_227 {strides = array<i32>} : memref<128x128xf32, #tpu.memory_space<vmem>>, vector<1x16xf32>,
      %broadcast_in_dim3A_228 = arith.constant 0.000000e+00 : f32
      %broadcast_in_dim3A_229 = vector.broadcast %broadcast_in_dim3A_228 : f32 to vector<16xf32>
      %swap3A_230 = arith.index_cast %add3A_185 : i32 to index
      %swap3A_231 = arith.constant 96 : index
      %swap3A_232 = tpu.vector_load %arg7[%swap3A_230, %swap3A_231] {strides = array<i32>} : memref<128x128xf32, #tpu.memory_space<vmem>>, vector<1x16xf32>,
      %swap3A_233 = vector.shape_cast %swap3A_232 : vector<1x16xf32> to vector<16xf32>
      %swap3A_234 = vector.shape_cast %broadcast_in_dim3A_229 : vector<16xf32> to vector<1x16xf32>
      tpu.vector_store %arg7[%swap3A_230, %swap3A_231], %swap3A_234 {strides = array<i32>} : memref<128x128xf32, #tpu.memory_space<vmem>>, vector<1x16xf32>,
      %broadcast_in_dim3A_235 = arith.constant 0.000000e+00 : f32
      %broadcast_in_dim3A_236 = vector.broadcast %broadcast_in_dim3A_235 : f32 to vector<16xf32>
      %swap3A_237 = arith.index_cast %add3A_185 : i32 to index
      %swap3A_238 = arith.constant 112 : index
      %swap3A_239 = tpu.vector_load %arg7[%swap3A_237, %swap3A_238] {strides = array<i32>} : memref<128x128xf32, #tpu.memory_space<vmem>>, vector<1x16xf32>,
      %swap3A_240 = vector.shape_cast %swap3A_239 : vector<1x16xf32> to vector<16xf32>
      %swap3A_241 = vector.shape_cast %broadcast_in_dim3A_236 : vector<16xf32> to vector<1x16xf32>
      tpu.vector_store %arg7[%swap3A_237, %swap3A_238], %swap3A_241 {strides = array<i32>} : memref<128x128xf32, #tpu.memory_space<vmem>>, vector<1x16xf32>,
    }
    %scan3A_4 = arith.constant 128 : i32
    %broadcast_in_dim3A = arith.constant 1.000000e+00 : f32
    %broadcast_in_dim3A_5 = vector.broadcast %broadcast_in_dim3A : f32 to vector<16xf32>
    %swap3A = arith.constant 0 : index
    %swap3A_6 = tpu.vector_load %arg14[%swap3A] {strides = array<i32>} : memref<128xf32, #tpu.memory_space<vmem>>, vector<16xf32>,
    %swap3A_7 = vector.shape_cast %swap3A_6 : vector<16xf32> to vector<16xf32>
    %swap3A_8 = vector.shape_cast %broadcast_in_dim3A_5 : vector<16xf32> to vector<16xf32>
    tpu.vector_store %arg14[%swap3A], %swap3A_8 {strides = array<i32>} : memref<128xf32, #tpu.memory_space<vmem>>, vector<16xf32>,
    %broadcast_in_dim3A_9 = arith.constant 1.000000e+00 : f32
    %broadcast_in_dim3A_10 = vector.broadcast %broadcast_in_dim3A_9 : f32 to vector<16xf32>
    %swap3A_11 = arith.constant 16 : index
    %swap3A_12 = tpu.vector_load %arg14[%swap3A_11] {strides = array<i32>} : memref<128xf32, #tpu.memory_space<vmem>>, vector<16xf32>,
    %swap3A_13 = vector.shape_cast %swap3A_12 : vector<16xf32> to vector<16xf32>
    %swap3A_14 = vector.shape_cast %broadcast_in_dim3A_10 : vector<16xf32> to vector<16xf32>
    tpu.vector_store %arg14[%swap3A_11], %swap3A_14 {strides = array<i32>} : memref<128xf32, #tpu.memory_space<vmem>>, vector<16xf32>,
    %broadcast_in_dim3A_15 = arith.constant 1.000000e+00 : f32
    %broadcast_in_dim3A_16 = vector.broadcast %broadcast_in_dim3A_15 : f32 to vector<16xf32>
    %swap3A_17 = arith.constant 32 : index
    %swap3A_18 = tpu.vector_load %arg14[%swap3A_17] {strides = array<i32>} : memref<128xf32, #tpu.memory_space<vmem>>, vector<16xf32>,
    %swap3A_19 = vector.shape_cast %swap3A_18 : vector<16xf32> to vector<16xf32>
    %swap3A_20 = vector.shape_cast %broadcast_in_dim3A_16 : vector<16xf32> to vector<16xf32>
    tpu.vector_store %arg14[%swap3A_17], %swap3A_20 {strides = array<i32>} : memref<128xf32, #tpu.memory_space<vmem>>, vector<16xf32>,
    %broadcast_in_dim3A_21 = arith.constant 1.000000e+00 : f32
    %broadcast_in_dim3A_22 = vector.broadcast %broadcast_in_dim3A_21 : f32 to vector<16xf32>
    %swap3A_23 = arith.constant 48 : index
    %swap3A_24 = tpu.vector_load %arg14[%swap3A_23] {strides = array<i32>} : memref<128xf32, #tpu.memory_space<vmem>>, vector<16xf32>,
    %swap3A_25 = vector.shape_cast %swap3A_24 : vector<16xf32> to vector<16xf32>
    %swap3A_26 = vector.shape_cast %broadcast_in_dim3A_22 : vector<16xf32> to vector<16xf32>
    tpu.vector_store %arg14[%swap3A_23], %swap3A_26 {strides = array<i32>} : memref<128xf32, #tpu.memory_space<vmem>>, vector<16xf32>,
    %broadcast_in_dim3A_27 = arith.constant 1.000000e+00 : f32
    %broadcast_in_dim3A_28 = vector.broadcast %broadcast_in_dim3A_27 : f32 to vector<16xf32>
    %swap3A_29 = arith.constant 64 : index
    %swap3A_30 = tpu.vector_load %arg14[%swap3A_29] {strides = array<i32>} : memref<128xf32, #tpu.memory_space<vmem>>, vector<16xf32>,
    %swap3A_31 = vector.shape_cast %swap3A_30 : vector<16xf32> to vector<16xf32>
    %swap3A_32 = vector.shape_cast %broadcast_in_dim3A_28 : vector<16xf32> to vector<16xf32>
    tpu.vector_store %arg14[%swap3A_29], %swap3A_32 {strides = array<i32>} : memref<128xf32, #tpu.memory_space<vmem>>, vector<16xf32>,
    %broadcast_in_dim3A_33 = arith.constant 1.000000e+00 : f32
    %broadcast_in_dim3A_34 = vector.broadcast %broadcast_in_dim3A_33 : f32 to vector<16xf32>
    %swap3A_35 = arith.constant 80 : index
    %swap3A_36 = tpu.vector_load %arg14[%swap3A_35] {strides = array<i32>} : memref<128xf32, #tpu.memory_space<vmem>>, vector<16xf32>,
    %swap3A_37 = vector.shape_cast %swap3A_36 : vector<16xf32> to vector<16xf32>
    %swap3A_38 = vector.shape_cast %broadcast_in_dim3A_34 : vector<16xf32> to vector<16xf32>
    tpu.vector_store %arg14[%swap3A_35], %swap3A_38 {strides = array<i32>} : memref<128xf32, #tpu.memory_space<vmem>>, vector<16xf32>,
    %broadcast_in_dim3A_39 = arith.constant 1.000000e+00 : f32
    %broadcast_in_dim3A_40 = vector.broadcast %broadcast_in_dim3A_39 : f32 to vector<16xf32>
    %swap3A_41 = arith.constant 96 : index
    %swap3A_42 = tpu.vector_load %arg14[%swap3A_41] {strides = array<i32>} : memref<128xf32, #tpu.memory_space<vmem>>, vector<16xf32>,
    %swap3A_43 = vector.shape_cast %swap3A_42 : vector<16xf32> to vector<16xf32>
    %swap3A_44 = vector.shape_cast %broadcast_in_dim3A_40 : vector<16xf32> to vector<16xf32>
    tpu.vector_store %arg14[%swap3A_41], %swap3A_44 {strides = array<i32>} : memref<128xf32, #tpu.memory_space<vmem>>, vector<16xf32>,
    %broadcast_in_dim3A_45 = arith.constant 1.000000e+00 : f32
    %broadcast_in_dim3A_46 = vector.broadcast %broadcast_in_dim3A_45 : f32 to vector<16xf32>
    %swap3A_47 = arith.constant 112 : index
    %swap3A_48 = tpu.vector_load %arg14[%swap3A_47] {strides = array<i32>} : memref<128xf32, #tpu.memory_space<vmem>>, vector<16xf32>,
    %swap3A_49 = vector.shape_cast %swap3A_48 : vector<16xf32> to vector<16xf32>
    %swap3A_50 = vector.shape_cast %broadcast_in_dim3A_46 : vector<16xf32> to vector<16xf32>
    tpu.vector_store %arg14[%swap3A_47], %swap3A_50 {strides = array<i32>} : memref<128xf32, #tpu.memory_space<vmem>>, vector<16xf32>,
    %scan3A_51 = arith.constant 0 : i32
    %scan3A_52 = arith.constant 40 : i32
    %scan3A_53 = arith.addi %scan3A_51, %scan3A_52 : i32
    %scan3A_54 = arith.constant 1 : i32
    scf.for %scan3A_181 = %scan3A_51 to %scan3A_53 step %scan3A_54  : i32 {
      %mul3A_182 = arith.constant 1 : i32
      %mul3A_183 = arith.muli %scan3A_181, %mul3A_182 : i32
      %add3A_184 = arith.constant 0 : i32
      %add3A_185 = arith.addi %add3A_184, %mul3A_183 : i32
      %broadcast_in_dim3A_186 = arith.constant 0.000000e+00 : f32
      %broadcast_in_dim3A_187 = vector.broadcast %broadcast_in_dim3A_186 : f32 to vector<16xf32>
      %mul3A_188 = arith.constant 16 : i32
      %mul3A_189 = arith.muli %add3A_185, %mul3A_188 : i32
      %swap3A_190 = arith.index_cast %mul3A_189 : i32 to index
      %swap3A_191 = tpu.vector_load %arg15[%swap3A_190] {strides = array<i32>} : memref<640xf32, #tpu.memory_space<vmem>>, vector<16xf32>,
      %swap3A_192 = vector.shape_cast %swap3A_191 : vector<16xf32> to vector<16xf32>
      %swap3A_193 = vector.shape_cast %broadcast_in_dim3A_187 : vector<16xf32> to vector<16xf32>
      tpu.vector_store %arg15[%swap3A_190], %swap3A_193 {strides = array<i32>} : memref<640xf32, #tpu.memory_space<vmem>>, vector<16xf32>,
    }
    %scan3A_55 = arith.constant 40 : i32
    %mul3A_56 = arith.constant 640 : i32
    %mul3A_57 = arith.muli %arg1, %mul3A_56 : i32
    %add3A = arith.constant 0 : i32
    %add3A_58 = arith.addi %mul3A_57, %add3A : i32
    "tpu.region"() ({
      %run_scoped3A_181 = tpu.sem_alloc : memref<!tpu.dma_semaphore, #tpu.memory_space<semaphore_mem>>
      %dma_start3A_182 = arith.constant 0 : i32
      %dma_start3A_183 = tpu.memref_slice %arg11[%add3A_58, %dma_start3A_182] : memref<10240x128xf32, #tpu.memory_space<vmem_shared>> -> memref<128x128xf32, #tpu.memory_space<vmem_shared>>
      %dma_start3A_184 = arith.constant 0 : i32
      %dma_start3A_185 = tpu.memref_slice %arg11[%add3A_58, %dma_start3A_184] : memref<10240x128xf32, #tpu.memory_space<vmem_shared>> -> memref<128x128xf32, #tpu.memory_space<vmem_shared>>
      tpu.enqueue_dma source(%arg7 : memref<128x128xf32, #tpu.memory_space<vmem>>) target(%dma_start3A_185 : memref<128x128xf32, #tpu.memory_space<vmem_shared>>) target_semaphore(%run_scoped3A_181 : memref<!tpu.dma_semaphore, #tpu.memory_space<semaphore_mem>>)
      %dma_wait3A_186 = arith.constant 0 : i32
      %dma_wait3A_187 = tpu.memref_slice %arg11[%add3A_58, %dma_wait3A_186] : memref<10240x128xf32, #tpu.memory_space<vmem_shared>> -> memref<128x128xf32, #tpu.memory_space<vmem_shared>>
      %dma_wait3A_188 = arith.constant 0 : i32
      %dma_wait3A_189 = tpu.memref_slice %arg11[%add3A_58, %dma_wait3A_188] : memref<10240x128xf32, #tpu.memory_space<vmem_shared>> -> memref<128x128xf32, #tpu.memory_space<vmem_shared>>
      tpu.wait_dma2 semaphore(%run_scoped3A_181 : memref<!tpu.dma_semaphore, #tpu.memory_space<semaphore_mem>>) src(%arg7 : memref<128x128xf32, #tpu.memory_space<vmem>>) dst(%dma_wait3A_189 : memref<128x128xf32, #tpu.memory_space<vmem_shared>>)
      tpu.yield
    }) : () -> ()
    %mul3A_59 = arith.constant 640 : i32
    %mul3A_60 = arith.muli %arg1, %mul3A_59 : i32
    %add3A_61 = arith.constant 128 : i32
    %add3A_62 = arith.addi %mul3A_60, %add3A_61 : i32
    "tpu.region"() ({
      %run_scoped3A_181 = tpu.sem_alloc : memref<!tpu.dma_semaphore, #tpu.memory_space<semaphore_mem>>
      %dma_start3A_182 = arith.constant 0 : i32
      %dma_start3A_183 = tpu.memref_slice %arg11[%add3A_62, %dma_start3A_182] : memref<10240x128xf32, #tpu.memory_space<vmem_shared>> -> memref<128x128xf32, #tpu.memory_space<vmem_shared>>
      %dma_start3A_184 = arith.constant 0 : i32
      %dma_start3A_185 = tpu.memref_slice %arg11[%add3A_62, %dma_start3A_184] : memref<10240x128xf32, #tpu.memory_space<vmem_shared>> -> memref<128x128xf32, #tpu.memory_space<vmem_shared>>
      tpu.enqueue_dma source(%arg7 : memref<128x128xf32, #tpu.memory_space<vmem>>) target(%dma_start3A_185 : memref<128x128xf32, #tpu.memory_space<vmem_shared>>) target_semaphore(%run_scoped3A_181 : memref<!tpu.dma_semaphore, #tpu.memory_space<semaphore_mem>>)
      %dma_wait3A_186 = arith.constant 0 : i32
      %dma_wait3A_187 = tpu.memref_slice %arg11[%add3A_62, %dma_wait3A_186] : memref<10240x128xf32, #tpu.memory_space<vmem_shared>> -> memref<128x128xf32, #tpu.memory_space<vmem_shared>>
      %dma_wait3A_188 = arith.constant 0 : i32
      %dma_wait3A_189 = tpu.memref_slice %arg11[%add3A_62, %dma_wait3A_188] : memref<10240x128xf32, #tpu.memory_space<vmem_shared>> -> memref<128x128xf32, #tpu.memory_space<vmem_shared>>
      tpu.wait_dma2 semaphore(%run_scoped3A_181 : memref<!tpu.dma_semaphore, #tpu.memory_space<semaphore_mem>>) src(%arg7 : memref<128x128xf32, #tpu.memory_space<vmem>>) dst(%dma_wait3A_189 : memref<128x128xf32, #tpu.memory_space<vmem_shared>>)
      tpu.yield
    }) : () -> ()
    %mul3A_63 = arith.constant 640 : i32
    %mul3A_64 = arith.muli %arg1, %mul3A_63 : i32
    %add3A_65 = arith.constant 256 : i32
    %add3A_66 = arith.addi %mul3A_64, %add3A_65 : i32
    "tpu.region"() ({
      %run_scoped3A_181 = tpu.sem_alloc : memref<!tpu.dma_semaphore, #tpu.memory_space<semaphore_mem>>
      %dma_start3A_182 = arith.constant 0 : i32
      %dma_start3A_183 = tpu.memref_slice %arg11[%add3A_66, %dma_start3A_182] : memref<10240x128xf32, #tpu.memory_space<vmem_shared>> -> memref<128x128xf32, #tpu.memory_space<vmem_shared>>
      %dma_start3A_184 = arith.constant 0 : i32
      %dma_start3A_185 = tpu.memref_slice %arg11[%add3A_66, %dma_start3A_184] : memref<10240x128xf32, #tpu.memory_space<vmem_shared>> -> memref<128x128xf32, #tpu.memory_space<vmem_shared>>
      tpu.enqueue_dma source(%arg7 : memref<128x128xf32, #tpu.memory_space<vmem>>) target(%dma_start3A_185 : memref<128x128xf32, #tpu.memory_space<vmem_shared>>) target_semaphore(%run_scoped3A_181 : memref<!tpu.dma_semaphore, #tpu.memory_space<semaphore_mem>>)
      %dma_wait3A_186 = arith.constant 0 : i32
      %dma_wait3A_187 = tpu.memref_slice %arg11[%add3A_66, %dma_wait3A_186] : memref<10240x128xf32, #tpu.memory_space<vmem_shared>> -> memref<128x128xf32, #tpu.memory_space<vmem_shared>>
      %dma_wait3A_188 = arith.constant 0 : i32
      %dma_wait3A_189 = tpu.memref_slice %arg11[%add3A_66, %dma_wait3A_188] : memref<10240x128xf32, #tpu.memory_space<vmem_shared>> -> memref<128x128xf32, #tpu.memory_space<vmem_shared>>
      tpu.wait_dma2 semaphore(%run_scoped3A_181 : memref<!tpu.dma_semaphore, #tpu.memory_space<semaphore_mem>>) src(%arg7 : memref<128x128xf32, #tpu.memory_space<vmem>>) dst(%dma_wait3A_189 : memref<128x128xf32, #tpu.memory_space<vmem_shared>>)
      tpu.yield
    }) : () -> ()
    %mul3A_67 = arith.constant 640 : i32
    %mul3A_68 = arith.muli %arg1, %mul3A_67 : i32
    %add3A_69 = arith.constant 384 : i32
    %add3A_70 = arith.addi %mul3A_68, %add3A_69 : i32
    "tpu.region"() ({
      %run_scoped3A_181 = tpu.sem_alloc : memref<!tpu.dma_semaphore, #tpu.memory_space<semaphore_mem>>
      %dma_start3A_182 = arith.constant 0 : i32
      %dma_start3A_183 = tpu.memref_slice %arg11[%add3A_70, %dma_start3A_182] : memref<10240x128xf32, #tpu.memory_space<vmem_shared>> -> memref<128x128xf32, #tpu.memory_space<vmem_shared>>
      %dma_start3A_184 = arith.constant 0 : i32
      %dma_start3A_185 = tpu.memref_slice %arg11[%add3A_70, %dma_start3A_184] : memref<10240x128xf32, #tpu.memory_space<vmem_shared>> -> memref<128x128xf32, #tpu.memory_space<vmem_shared>>
      tpu.enqueue_dma source(%arg7 : memref<128x128xf32, #tpu.memory_space<vmem>>) target(%dma_start3A_185 : memref<128x128xf32, #tpu.memory_space<vmem_shared>>) target_semaphore(%run_scoped3A_181 : memref<!tpu.dma_semaphore, #tpu.memory_space<semaphore_mem>>)
      %dma_wait3A_186 = arith.constant 0 : i32
      %dma_wait3A_187 = tpu.memref_slice %arg11[%add3A_70, %dma_wait3A_186] : memref<10240x128xf32, #tpu.memory_space<vmem_shared>> -> memref<128x128xf32, #tpu.memory_space<vmem_shared>>
      %dma_wait3A_188 = arith.constant 0 : i32
      %dma_wait3A_189 = tpu.memref_slice %arg11[%add3A_70, %dma_wait3A_188] : memref<10240x128xf32, #tpu.memory_space<vmem_shared>> -> memref<128x128xf32, #tpu.memory_space<vmem_shared>>
      tpu.wait_dma2 semaphore(%run_scoped3A_181 : memref<!tpu.dma_semaphore, #tpu.memory_space<semaphore_mem>>) src(%arg7 : memref<128x128xf32, #tpu.memory_space<vmem>>) dst(%dma_wait3A_189 : memref<128x128xf32, #tpu.memory_space<vmem_shared>>)
      tpu.yield
    }) : () -> ()
    %mul3A_71 = arith.constant 640 : i32
    %mul3A_72 = arith.muli %arg1, %mul3A_71 : i32
    %add3A_73 = arith.constant 512 : i32
    %add3A_74 = arith.addi %mul3A_72, %add3A_73 : i32
    "tpu.region"() ({
      %run_scoped3A_181 = tpu.sem_alloc : memref<!tpu.dma_semaphore, #tpu.memory_space<semaphore_mem>>
      %dma_start3A_182 = arith.constant 0 : i32
      %dma_start3A_183 = tpu.memref_slice %arg11[%add3A_74, %dma_start3A_182] : memref<10240x128xf32, #tpu.memory_space<vmem_shared>> -> memref<128x128xf32, #tpu.memory_space<vmem_shared>>
      %dma_start3A_184 = arith.constant 0 : i32
      %dma_start3A_185 = tpu.memref_slice %arg11[%add3A_74, %dma_start3A_184] : memref<10240x128xf32, #tpu.memory_space<vmem_shared>> -> memref<128x128xf32, #tpu.memory_space<vmem_shared>>
      tpu.enqueue_dma source(%arg7 : memref<128x128xf32, #tpu.memory_space<vmem>>) target(%dma_start3A_185 : memref<128x128xf32, #tpu.memory_space<vmem_shared>>) target_semaphore(%run_scoped3A_181 : memref<!tpu.dma_semaphore, #tpu.memory_space<semaphore_mem>>)
      %dma_wait3A_186 = arith.constant 0 : i32
      %dma_wait3A_187 = tpu.memref_slice %arg11[%add3A_74, %dma_wait3A_186] : memref<10240x128xf32, #tpu.memory_space<vmem_shared>> -> memref<128x128xf32, #tpu.memory_space<vmem_shared>>
      %dma_wait3A_188 = arith.constant 0 : i32
      %dma_wait3A_189 = tpu.memref_slice %arg11[%add3A_74, %dma_wait3A_188] : memref<10240x128xf32, #tpu.memory_space<vmem_shared>> -> memref<128x128xf32, #tpu.memory_space<vmem_shared>>
      tpu.wait_dma2 semaphore(%run_scoped3A_181 : memref<!tpu.dma_semaphore, #tpu.memory_space<semaphore_mem>>) src(%arg7 : memref<128x128xf32, #tpu.memory_space<vmem>>) dst(%dma_wait3A_189 : memref<128x128xf32, #tpu.memory_space<vmem_shared>>)
      tpu.yield
    }) : () -> ()
    %mul3A_75 = arith.constant 640 : i32
    %mul3A_76 = arith.muli %arg1, %mul3A_75 : i32
    "tpu.region"() ({
      %run_scoped3A_181 = tpu.sem_alloc : memref<!tpu.dma_semaphore, #tpu.memory_space<semaphore_mem>>
      %dma_start3A_182 = tpu.memref_slice %arg16[%mul3A_76] : memref<10240xf32, #tpu.memory_space<vmem_shared>> -> memref<640xf32, #tpu.memory_space<vmem_shared>>
      %dma_start3A_183 = tpu.memref_slice %arg16[%mul3A_76] : memref<10240xf32, #tpu.memory_space<vmem_shared>> -> memref<640xf32, #tpu.memory_space<vmem_shared>>
      tpu.enqueue_dma source(%arg15 : memref<640xf32, #tpu.memory_space<vmem>>) target(%dma_start3A_183 : memref<640xf32, #tpu.memory_space<vmem_shared>>) target_semaphore(%run_scoped3A_181 : memref<!tpu.dma_semaphore, #tpu.memory_space<semaphore_mem>>)
      %dma_wait3A_184 = tpu.memref_slice %arg16[%mul3A_76] : memref<10240xf32, #tpu.memory_space<vmem_shared>> -> memref<640xf32, #tpu.memory_space<vmem_shared>>
      %dma_wait3A_185 = tpu.memref_slice %arg16[%mul3A_76] : memref<10240xf32, #tpu.memory_space<vmem_shared>> -> memref<640xf32, #tpu.memory_space<vmem_shared>>
      tpu.wait_dma2 semaphore(%run_scoped3A_181 : memref<!tpu.dma_semaphore, #tpu.memory_space<semaphore_mem>>) src(%arg15 : memref<640xf32, #tpu.memory_space<vmem>>) dst(%dma_wait3A_185 : memref<640xf32, #tpu.memory_space<vmem_shared>>)
      tpu.yield
    }) : () -> ()
    %barrier3A = arith.constant 0 : index
    tpu.barrier barrier_id(%barrier3A)
    %add3A_77 = arith.constant 0 : i32
    %add3A_78 = arith.addi %mul3A_0, %add3A_77 : i32
    "tpu.region"() ({
      %run_scoped3A_181 = tpu.sem_alloc : memref<!tpu.dma_semaphore, #tpu.memory_space<semaphore_mem>>
      %dma_start3A_182 = arith.constant 0 : i32
      %dma_start3A_183 = tpu.memref_slice %arg3[%arg0, %add3A_78, %dma_start3A_182] : memref<2x1280x128xi32, #tpu.memory_space<hbm>> -> memref<1x40x128xi32, #tpu.memory_space<hbm>>
      %dma_start3A_184 = tpu.memref_squeeze %dma_start3A_183 : memref<1x40x128xi32, #tpu.memory_space<hbm>> -> memref<40x128xi32, #tpu.memory_space<hbm>>
      %dma_start3A_185 = arith.constant 0 : i32
      %dma_start3A_186 = tpu.memref_slice %arg3[%arg0, %add3A_78, %dma_start3A_185] : memref<2x1280x128xi32, #tpu.memory_space<hbm>> -> memref<1x40x128xi32, #tpu.memory_space<hbm>>
      %dma_start3A_187 = tpu.memref_squeeze %dma_start3A_186 : memref<1x40x128xi32, #tpu.memory_space<hbm>> -> memref<40x128xi32, #tpu.memory_space<hbm>>
      tpu.enqueue_dma source(%dma_start3A_187 : memref<40x128xi32, #tpu.memory_space<hbm>>) target(%arg9 : memref<40x128xi32, #tpu.memory_space<vmem>>) target_semaphore(%run_scoped3A_181 : memref<!tpu.dma_semaphore, #tpu.memory_space<semaphore_mem>>)
      %dma_wait3A_188 = arith.constant 0 : i32
      %dma_wait3A_189 = tpu.memref_slice %arg3[%arg0, %add3A_78, %dma_wait3A_188] : memref<2x1280x128xi32, #tpu.memory_space<hbm>> -> memref<1x40x128xi32, #tpu.memory_space<hbm>>
      %dma_wait3A_190 = tpu.memref_squeeze %dma_wait3A_189 : memref<1x40x128xi32, #tpu.memory_space<hbm>> -> memref<40x128xi32, #tpu.memory_space<hbm>>
      %dma_wait3A_191 = arith.constant 0 : i32
      %dma_wait3A_192 = tpu.memref_slice %arg3[%arg0, %add3A_78, %dma_wait3A_191] : memref<2x1280x128xi32, #tpu.memory_space<hbm>> -> memref<1x40x128xi32, #tpu.memory_space<hbm>>
      %dma_wait3A_193 = tpu.memref_squeeze %dma_wait3A_192 : memref<1x40x128xi32, #tpu.memory_space<hbm>> -> memref<40x128xi32, #tpu.memory_space<hbm>>
      tpu.wait_dma2 semaphore(%run_scoped3A_181 : memref<!tpu.dma_semaphore, #tpu.memory_space<semaphore_mem>>) src(%dma_wait3A_193 : memref<40x128xi32, #tpu.memory_space<hbm>>) dst(%arg9 : memref<40x128xi32, #tpu.memory_space<vmem>>)
      tpu.yield
    }) : () -> ()
    %add3A_79 = arith.constant 0 : i32
    %add3A_80 = arith.addi %mul3A_0, %add3A_79 : i32
    "tpu.region"() ({
      %run_scoped3A_181 = tpu.sem_alloc : memref<!tpu.dma_semaphore, #tpu.memory_space<semaphore_mem>>
      %dma_start3A_182 = arith.constant 0 : i32
      %dma_start3A_183 = tpu.memref_slice %arg4[%add3A_80, %dma_start3A_182] : memref<1280x128xi32, #tpu.memory_space<hbm>> -> memref<40x128xi32, #tpu.memory_space<hbm>>
      %dma_start3A_184 = arith.constant 0 : i32
      %dma_start3A_185 = tpu.memref_slice %arg4[%add3A_80, %dma_start3A_184] : memref<1280x128xi32, #tpu.memory_space<hbm>> -> memref<40x128xi32, #tpu.memory_space<hbm>>
      tpu.enqueue_dma source(%dma_start3A_185 : memref<40x128xi32, #tpu.memory_space<hbm>>) target(%arg10 : memref<40x128xi32, #tpu.memory_space<vmem>>) target_semaphore(%run_scoped3A_181 : memref<!tpu.dma_semaphore, #tpu.memory_space<semaphore_mem>>)
      %dma_wait3A_186 = arith.constant 0 : i32
      %dma_wait3A_187 = tpu.memref_slice %arg4[%add3A_80, %dma_wait3A_186] : memref<1280x128xi32, #tpu.memory_space<hbm>> -> memref<40x128xi32, #tpu.memory_space<hbm>>
      %dma_wait3A_188 = arith.constant 0 : i32
      %dma_wait3A_189 = tpu.memref_slice %arg4[%add3A_80, %dma_wait3A_188] : memref<1280x128xi32, #tpu.memory_space<hbm>> -> memref<40x128xi32, #tpu.memory_space<hbm>>
      tpu.wait_dma2 semaphore(%run_scoped3A_181 : memref<!tpu.dma_semaphore, #tpu.memory_space<semaphore_mem>>) src(%dma_wait3A_189 : memref<40x128xi32, #tpu.memory_space<hbm>>) dst(%arg10 : memref<40x128xi32, #tpu.memory_space<vmem>>)
      tpu.yield
    }) : () -> ()
    %dma_start3A = arith.constant 0 : i32
    %dma_start3A_81 = arith.constant 0 : i32
    %dma_start3A_82 = tpu.memref_slice %arg9[%dma_start3A, %dma_start3A_81] : memref<40x128xi32, #tpu.memory_space<vmem>> -> memref<1x128xi32, #tpu.memory_space<vmem>>
    %dma_start3A_83 = tpu.memref_squeeze %dma_start3A_82 : memref<1x128xi32, #tpu.memory_space<vmem>> -> memref<128xi32, #tpu.memory_space<vmem>>
    %dma_start3A_84 = arith.constant 0 : i32
    %dma_start3A_85 = arith.constant 0 : i32
    %dma_start3A_86 = tpu.memref_slice %arg2[%dma_start3A_84, %dma_start3A_85] : memref<20000x128xf32, #tpu.memory_space<hbm>> -> memref<20000x128xf32, #tpu.memory_space<hbm>>
    tpu.enqueue_indirect_dma source(%dma_start3A_86 : memref<20000x128xf32, #tpu.memory_space<hbm>>) target(%arg7 : memref<128x128xf32, #tpu.memory_space<vmem>>) offsets(%dma_start3A_83 : memref<128xi32, #tpu.memory_space<vmem>>) semaphore(%arg12 : memref<!tpu.dma_semaphore, #tpu.memory_space<semaphore_mem>>)
    %dma_start3A_87 = arith.constant 1 : i32
    %dma_start3A_88 = arith.constant 0 : i32
    %dma_start3A_89 = tpu.memref_slice %arg9[%dma_start3A_87, %dma_start3A_88] : memref<40x128xi32, #tpu.memory_space<vmem>> -> memref<1x128xi32, #tpu.memory_space<vmem>>
    %dma_start3A_90 = tpu.memref_squeeze %dma_start3A_89 : memref<1x128xi32, #tpu.memory_space<vmem>> -> memref<128xi32, #tpu.memory_space<vmem>>
    %dma_start3A_91 = arith.constant 0 : i32
    %dma_start3A_92 = arith.constant 0 : i32
    %dma_start3A_93 = tpu.memref_slice %arg2[%dma_start3A_91, %dma_start3A_92] : memref<20000x128xf32, #tpu.memory_space<hbm>> -> memref<20000x128xf32, #tpu.memory_space<hbm>>
    tpu.enqueue_indirect_dma source(%dma_start3A_93 : memref<20000x128xf32, #tpu.memory_space<hbm>>) target(%arg8 : memref<128x128xf32, #tpu.memory_space<vmem>>) offsets(%dma_start3A_90 : memref<128xi32, #tpu.memory_space<vmem>>) semaphore(%arg13 : memref<!tpu.dma_semaphore, #tpu.memory_space<semaphore_mem>>)
    %scan3A_94 = arith.constant 0 : i32
    %scan3A_95 = arith.constant 19 : i32
    %scan3A_96 = arith.addi %scan3A_94, %scan3A_95 : i32
    %scan3A_97 = arith.constant 1 : i32
    scf.for %scan3A_181 = %scan3A_94 to %scan3A_96 step %scan3A_97  : i32 {
      %mul3A_182 = arith.constant 2 : i32
      %mul3A_183 = arith.muli %scan3A_181, %mul3A_182 : i32
      %add3A_184 = arith.constant 0 : i32
      %add3A_185 = arith.addi %add3A_184, %mul3A_183 : i32
      %dma_wait3A_186 = arith.constant 0 : i32
      %dma_wait3A_187 = arith.constant 0 : i32
      %dma_wait3A_188 = tpu.memref_slice %arg2[%dma_wait3A_186, %dma_wait3A_187] : memref<20000x128xf32, #tpu.memory_space<hbm>> -> memref<128x128xf32, #tpu.memory_space<hbm>>
      %dma_wait3A_189 = arith.constant 0 : i32
      %dma_wait3A_190 = arith.constant 0 : i32
      %dma_wait3A_191 = tpu.memref_slice %arg2[%dma_wait3A_189, %dma_wait3A_190] : memref<20000x128xf32, #tpu.memory_space<hbm>> -> memref<128x128xf32, #tpu.memory_space<hbm>>
      tpu.wait_dma2 semaphore(%arg12 : memref<!tpu.dma_semaphore, #tpu.memory_space<semaphore_mem>>) src(%dma_wait3A_191 : memref<128x128xf32, #tpu.memory_space<hbm>>) dst(%arg7 : memref<128x128xf32, #tpu.memory_space<vmem>>)
      "tpu.region"() ({
        %run_scoped3A_226 = tpu.sem_alloc : memref<!tpu.dma_semaphore, #tpu.memory_space<semaphore_mem>>
        %dma_start3A_227 = arith.constant 0 : i32
        %dma_start3A_228 = tpu.memref_slice %arg10[%add3A_185, %dma_start3A_227] : memref<40x128xi32, #tpu.memory_space<vmem>> -> memref<1x128xi32, #tpu.memory_space<vmem>>
        %dma_start3A_229 = tpu.memref_squeeze %dma_start3A_228 : memref<1x128xi32, #tpu.memory_space<vmem>> -> memref<128xi32, #tpu.memory_space<vmem>>
        %dma_start3A_230 = arith.constant 0 : i32
        %dma_start3A_231 = arith.constant 0 : i32
        %dma_start3A_232 = tpu.memref_slice %arg11[%dma_start3A_230, %dma_start3A_231] : memref<10240x128xf32, #tpu.memory_space<vmem_shared>> -> memref<10240x128xf32, #tpu.memory_space<vmem_shared>>
        tpu.enqueue_indirect_dma source(%arg7 : memref<128x128xf32, #tpu.memory_space<vmem>>) target(%dma_start3A_232 : memref<10240x128xf32, #tpu.memory_space<vmem_shared>>) offsets(%dma_start3A_229 : memref<128xi32, #tpu.memory_space<vmem>>) semaphore(%run_scoped3A_226 : memref<!tpu.dma_semaphore, #tpu.memory_space<semaphore_mem>>) {add = true}
        %dma_wait3A_233 = arith.constant 0 : i32
        %dma_wait3A_234 = tpu.memref_slice %arg10[%add3A_185, %dma_wait3A_233] : memref<40x128xi32, #tpu.memory_space<vmem>> -> memref<1x128xi32, #tpu.memory_space<vmem>>
        %dma_wait3A_235 = tpu.memref_squeeze %dma_wait3A_234 : memref<1x128xi32, #tpu.memory_space<vmem>> -> memref<128xi32, #tpu.memory_space<vmem>>
        %dma_wait3A_236 = arith.constant 0 : i32
        %dma_wait3A_237 = arith.constant 0 : i32
        %dma_wait3A_238 = tpu.memref_slice %arg11[%dma_wait3A_236, %dma_wait3A_237] : memref<10240x128xf32, #tpu.memory_space<vmem_shared>> -> memref<10240x128xf32, #tpu.memory_space<vmem_shared>>
        tpu.wait_indirect_dma semaphore(%run_scoped3A_226 : memref<!tpu.dma_semaphore, #tpu.memory_space<semaphore_mem>>) src(%arg7 : memref<128x128xf32, #tpu.memory_space<vmem>>) dst(%dma_wait3A_238 : memref<10240x128xf32, #tpu.memory_space<vmem_shared>>)
        tpu.yield
      }) : () -> ()
      %add3A_192 = arith.constant 2 : i32
      %add3A_193 = arith.addi %add3A_185, %add3A_192 : i32
      %dma_start3A_194 = arith.constant 0 : i32
      %dma_start3A_195 = tpu.memref_slice %arg9[%add3A_193, %dma_start3A_194] : memref<40x128xi32, #tpu.memory_space<vmem>> -> memref<1x128xi32, #tpu.memory_space<vmem>>
      %dma_start3A_196 = tpu.memref_squeeze %dma_start3A_195 : memref<1x128xi32, #tpu.memory_space<vmem>> -> memref<128xi32, #tpu.memory_space<vmem>>
      %dma_start3A_197 = arith.constant 0 : i32
      %dma_start3A_198 = arith.constant 0 : i32
      %dma_start3A_199 = tpu.memref_slice %arg2[%dma_start3A_197, %dma_start3A_198] : memref<20000x128xf32, #tpu.memory_space<hbm>> -> memref<20000x128xf32, #tpu.memory_space<hbm>>
      tpu.enqueue_indirect_dma source(%dma_start3A_199 : memref<20000x128xf32, #tpu.memory_space<hbm>>) target(%arg7 : memref<128x128xf32, #tpu.memory_space<vmem>>) offsets(%dma_start3A_196 : memref<128xi32, #tpu.memory_space<vmem>>) semaphore(%arg12 : memref<!tpu.dma_semaphore, #tpu.memory_space<semaphore_mem>>)
      %eq3A_200 = arith.constant 0 : i32
      %eq3A_201 = arith.cmpi eq, %arg0, %eq3A_200 : i32
      %convert_element_type3A_202 = arith.extui %eq3A_201 : i1 to i32
      %cond3A_203 = arith.constant 0 : i32
      %cond3A_204 = arith.cmpi ne, %convert_element_type3A_202, %cond3A_203 : i32
      scf.if %cond3A_204 {
        %dma_start3A_226 = arith.constant 0 : i32
        %dma_start3A_227 = tpu.memref_slice %arg10[%add3A_185, %dma_start3A_226] : memref<40x128xi32, #tpu.memory_space<vmem>> -> memref<1x128xi32, #tpu.memory_space<vmem>>
        %dma_start3A_228 = tpu.memref_squeeze %dma_start3A_227 : memref<1x128xi32, #tpu.memory_space<vmem>> -> memref<128xi32, #tpu.memory_space<vmem>>
        %dma_start3A_229 = arith.constant 0 : i32
        %dma_start3A_230 = tpu.memref_slice %arg16[%dma_start3A_229] : memref<10240xf32, #tpu.memory_space<vmem_shared>> -> memref<10240xf32, #tpu.memory_space<vmem_shared>>
        tpu.enqueue_indirect_dma source(%arg14 : memref<128xf32, #tpu.memory_space<vmem>>) target(%dma_start3A_230 : memref<10240xf32, #tpu.memory_space<vmem_shared>>) offsets(%dma_start3A_228 : memref<128xi32, #tpu.memory_space<vmem>>) semaphore(%arg17 : memref<!tpu.dma_semaphore, #tpu.memory_space<semaphore_mem>>) {add = true}
      } else {
      }
      %dma_wait3A_205 = arith.constant 0 : i32
      %dma_wait3A_206 = arith.constant 0 : i32
      %dma_wait3A_207 = tpu.memref_slice %arg2[%dma_wait3A_205, %dma_wait3A_206] : memref<20000x128xf32, #tpu.memory_space<hbm>> -> memref<128x128xf32, #tpu.memory_space<hbm>>
      %dma_wait3A_208 = arith.constant 0 : i32
      %dma_wait3A_209 = arith.constant 0 : i32
      %dma_wait3A_210 = tpu.memref_slice %arg2[%dma_wait3A_208, %dma_wait3A_209] : memref<20000x128xf32, #tpu.memory_space<hbm>> -> memref<128x128xf32, #tpu.memory_space<hbm>>
      tpu.wait_dma2 semaphore(%arg13 : memref<!tpu.dma_semaphore, #tpu.memory_space<semaphore_mem>>) src(%dma_wait3A_210 : memref<128x128xf32, #tpu.memory_space<hbm>>) dst(%arg8 : memref<128x128xf32, #tpu.memory_space<vmem>>)
      %add3A_211 = arith.constant 1 : i32
      %add3A_212 = arith.addi %add3A_185, %add3A_211 : i32
      "tpu.region"() ({
        %run_scoped3A_226 = tpu.sem_alloc : memref<!tpu.dma_semaphore, #tpu.memory_space<semaphore_mem>>
        %dma_start3A_227 = arith.constant 0 : i32
        %dma_start3A_228 = tpu.memref_slice %arg10[%add3A_212, %dma_start3A_227] : memref<40x128xi32, #tpu.memory_space<vmem>> -> memref<1x128xi32, #tpu.memory_space<vmem>>
        %dma_start3A_229 = tpu.memref_squeeze %dma_start3A_228 : memref<1x128xi32, #tpu.memory_space<vmem>> -> memref<128xi32, #tpu.memory_space<vmem>>
        %dma_start3A_230 = arith.constant 0 : i32
        %dma_start3A_231 = arith.constant 0 : i32
        %dma_start3A_232 = tpu.memref_slice %arg11[%dma_start3A_230, %dma_start3A_231] : memref<10240x128xf32, #tpu.memory_space<vmem_shared>> -> memref<10240x128xf32, #tpu.memory_space<vmem_shared>>
        tpu.enqueue_indirect_dma source(%arg8 : memref<128x128xf32, #tpu.memory_space<vmem>>) target(%dma_start3A_232 : memref<10240x128xf32, #tpu.memory_space<vmem_shared>>) offsets(%dma_start3A_229 : memref<128xi32, #tpu.memory_space<vmem>>) semaphore(%run_scoped3A_226 : memref<!tpu.dma_semaphore, #tpu.memory_space<semaphore_mem>>) {add = true}
        %dma_wait3A_233 = arith.constant 0 : i32
        %dma_wait3A_234 = tpu.memref_slice %arg10[%add3A_212, %dma_wait3A_233] : memref<40x128xi32, #tpu.memory_space<vmem>> -> memref<1x128xi32, #tpu.memory_space<vmem>>
        %dma_wait3A_235 = tpu.memref_squeeze %dma_wait3A_234 : memref<1x128xi32, #tpu.memory_space<vmem>> -> memref<128xi32, #tpu.memory_space<vmem>>
        %dma_wait3A_236 = arith.constant 0 : i32
        %dma_wait3A_237 = arith.constant 0 : i32
        %dma_wait3A_238 = tpu.memref_slice %arg11[%dma_wait3A_236, %dma_wait3A_237] : memref<10240x128xf32, #tpu.memory_space<vmem_shared>> -> memref<10240x128xf32, #tpu.memory_space<vmem_shared>>
        tpu.wait_indirect_dma semaphore(%run_scoped3A_226 : memref<!tpu.dma_semaphore, #tpu.memory_space<semaphore_mem>>) src(%arg8 : memref<128x128xf32, #tpu.memory_space<vmem>>) dst(%dma_wait3A_238 : memref<10240x128xf32, #tpu.memory_space<vmem_shared>>)
        tpu.yield
      }) : () -> ()
      %add3A_213 = arith.constant 3 : i32
      %add3A_214 = arith.addi %add3A_185, %add3A_213 : i32
      %dma_start3A_215 = arith.constant 0 : i32
      %dma_start3A_216 = tpu.memref_slice %arg9[%add3A_214, %dma_start3A_215] : memref<40x128xi32, #tpu.memory_space<vmem>> -> memref<1x128xi32, #tpu.memory_space<vmem>>
      %dma_start3A_217 = tpu.memref_squeeze %dma_start3A_216 : memref<1x128xi32, #tpu.memory_space<vmem>> -> memref<128xi32, #tpu.memory_space<vmem>>
      %dma_start3A_218 = arith.constant 0 : i32
      %dma_start3A_219 = arith.constant 0 : i32
      %dma_start3A_220 = tpu.memref_slice %arg2[%dma_start3A_218, %dma_start3A_219] : memref<20000x128xf32, #tpu.memory_space<hbm>> -> memref<20000x128xf32, #tpu.memory_space<hbm>>
      tpu.enqueue_indirect_dma source(%dma_start3A_220 : memref<20000x128xf32, #tpu.memory_space<hbm>>) target(%arg8 : memref<128x128xf32, #tpu.memory_space<vmem>>) offsets(%dma_start3A_217 : memref<128xi32, #tpu.memory_space<vmem>>) semaphore(%arg13 : memref<!tpu.dma_semaphore, #tpu.memory_space<semaphore_mem>>)
      %eq3A_221 = arith.constant 1 : i32
      %eq3A_222 = arith.cmpi eq, %arg0, %eq3A_221 : i32
      %convert_element_type3A_223 = arith.extui %eq3A_222 : i1 to i32
      %cond3A_224 = arith.constant 0 : i32
      %cond3A_225 = arith.cmpi ne, %convert_element_type3A_223, %cond3A_224 : i32
      scf.if %cond3A_225 {
        %add3A_226 = arith.constant 1 : i32
        %add3A_227 = arith.addi %add3A_185, %add3A_226 : i32
        %dma_start3A_228 = arith.constant 0 : i32
        %dma_start3A_229 = tpu.memref_slice %arg10[%add3A_227, %dma_start3A_228] : memref<40x128xi32, #tpu.memory_space<vmem>> -> memref<1x128xi32, #tpu.memory_space<vmem>>
        %dma_start3A_230 = tpu.memref_squeeze %dma_start3A_229 : memref<1x128xi32, #tpu.memory_space<vmem>> -> memref<128xi32, #tpu.memory_space<vmem>>
        %dma_start3A_231 = arith.constant 0 : i32
        %dma_start3A_232 = tpu.memref_slice %arg16[%dma_start3A_231] : memref<10240xf32, #tpu.memory_space<vmem_shared>> -> memref<10240xf32, #tpu.memory_space<vmem_shared>>
        tpu.enqueue_indirect_dma source(%arg14 : memref<128xf32, #tpu.memory_space<vmem>>) target(%dma_start3A_232 : memref<10240xf32, #tpu.memory_space<vmem_shared>>) offsets(%dma_start3A_230 : memref<128xi32, #tpu.memory_space<vmem>>) semaphore(%arg17 : memref<!tpu.dma_semaphore, #tpu.memory_space<semaphore_mem>>) {add = true}
      } else {
      }
    }
    %scan3A_98 = arith.constant 19 : i32
    %dma_wait3A = arith.constant 0 : i32
    %dma_wait3A_99 = arith.constant 0 : i32
    %dma_wait3A_100 = tpu.memref_slice %arg2[%dma_wait3A, %dma_wait3A_99] : memref<20000x128xf32, #tpu.memory_space<hbm>> -> memref<128x128xf32, #tpu.memory_space<hbm>>
    %dma_wait3A_101 = arith.constant 0 : i32
    %dma_wait3A_102 = arith.constant 0 : i32
    %dma_wait3A_103 = tpu.memref_slice %arg2[%dma_wait3A_101, %dma_wait3A_102] : memref<20000x128xf32, #tpu.memory_space<hbm>> -> memref<128x128xf32, #tpu.memory_space<hbm>>
    tpu.wait_dma2 semaphore(%arg12 : memref<!tpu.dma_semaphore, #tpu.memory_space<semaphore_mem>>) src(%dma_wait3A_103 : memref<128x128xf32, #tpu.memory_space<hbm>>) dst(%arg7 : memref<128x128xf32, #tpu.memory_space<vmem>>)
    %run_scoped3A = arith.constant 38 : i32
    "tpu.region"() ({
      %run_scoped3A_181 = tpu.sem_alloc : memref<!tpu.dma_semaphore, #tpu.memory_space<semaphore_mem>>
      %dma_start3A_182 = arith.constant 0 : i32
      %dma_start3A_183 = tpu.memref_slice %arg10[%run_scoped3A, %dma_start3A_182] : memref<40x128xi32, #tpu.memory_space<vmem>> -> memref<1x128xi32, #tpu.memory_space<vmem>>
      %dma_start3A_184 = tpu.memref_squeeze %dma_start3A_183 : memref<1x128xi32, #tpu.memory_space<vmem>> -> memref<128xi32, #tpu.memory_space<vmem>>
      %dma_start3A_185 = arith.constant 0 : i32
      %dma_start3A_186 = arith.constant 0 : i32
      %dma_start3A_187 = tpu.memref_slice %arg11[%dma_start3A_185, %dma_start3A_186] : memref<10240x128xf32, #tpu.memory_space<vmem_shared>> -> memref<10240x128xf32, #tpu.memory_space<vmem_shared>>
      tpu.enqueue_indirect_dma source(%arg7 : memref<128x128xf32, #tpu.memory_space<vmem>>) target(%dma_start3A_187 : memref<10240x128xf32, #tpu.memory_space<vmem_shared>>) offsets(%dma_start3A_184 : memref<128xi32, #tpu.memory_space<vmem>>) semaphore(%run_scoped3A_181 : memref<!tpu.dma_semaphore, #tpu.memory_space<semaphore_mem>>) {add = true}
      %dma_wait3A_188 = arith.constant 0 : i32
      %dma_wait3A_189 = tpu.memref_slice %arg10[%run_scoped3A, %dma_wait3A_188] : memref<40x128xi32, #tpu.memory_space<vmem>> -> memref<1x128xi32, #tpu.memory_space<vmem>>
      %dma_wait3A_190 = tpu.memref_squeeze %dma_wait3A_189 : memref<1x128xi32, #tpu.memory_space<vmem>> -> memref<128xi32, #tpu.memory_space<vmem>>
      %dma_wait3A_191 = arith.constant 0 : i32
      %dma_wait3A_192 = arith.constant 0 : i32
      %dma_wait3A_193 = tpu.memref_slice %arg11[%dma_wait3A_191, %dma_wait3A_192] : memref<10240x128xf32, #tpu.memory_space<vmem_shared>> -> memref<10240x128xf32, #tpu.memory_space<vmem_shared>>
      tpu.wait_indirect_dma semaphore(%run_scoped3A_181 : memref<!tpu.dma_semaphore, #tpu.memory_space<semaphore_mem>>) src(%arg7 : memref<128x128xf32, #tpu.memory_space<vmem>>) dst(%dma_wait3A_193 : memref<10240x128xf32, #tpu.memory_space<vmem_shared>>)
      tpu.yield
    }) : () -> ()
    %dma_wait3A_104 = arith.constant 0 : i32
    %dma_wait3A_105 = arith.constant 0 : i32
    %dma_wait3A_106 = tpu.memref_slice %arg2[%dma_wait3A_104, %dma_wait3A_105] : memref<20000x128xf32, #tpu.memory_space<hbm>> -> memref<128x128xf32, #tpu.memory_space<hbm>>
    %dma_wait3A_107 = arith.constant 0 : i32
    %dma_wait3A_108 = arith.constant 0 : i32
    %dma_wait3A_109 = tpu.memref_slice %arg2[%dma_wait3A_107, %dma_wait3A_108] : memref<20000x128xf32, #tpu.memory_space<hbm>> -> memref<128x128xf32, #tpu.memory_space<hbm>>
    tpu.wait_dma2 semaphore(%arg13 : memref<!tpu.dma_semaphore, #tpu.memory_space<semaphore_mem>>) src(%dma_wait3A_109 : memref<128x128xf32, #tpu.memory_space<hbm>>) dst(%arg8 : memref<128x128xf32, #tpu.memory_space<vmem>>)
    %run_scoped3A_110 = arith.constant 39 : i32
    "tpu.region"() ({
      %run_scoped3A_181 = tpu.sem_alloc : memref<!tpu.dma_semaphore, #tpu.memory_space<semaphore_mem>>
      %dma_start3A_182 = arith.constant 0 : i32
      %dma_start3A_183 = tpu.memref_slice %arg10[%run_scoped3A_110, %dma_start3A_182] : memref<40x128xi32, #tpu.memory_space<vmem>> -> memref<1x128xi32, #tpu.memory_space<vmem>>
      %dma_start3A_184 = tpu.memref_squeeze %dma_start3A_183 : memref<1x128xi32, #tpu.memory_space<vmem>> -> memref<128xi32, #tpu.memory_space<vmem>>
      %dma_start3A_185 = arith.constant 0 : i32
      %dma_start3A_186 = arith.constant 0 : i32
      %dma_start3A_187 = tpu.memref_slice %arg11[%dma_start3A_185, %dma_start3A_186] : memref<10240x128xf32, #tpu.memory_space<vmem_shared>> -> memref<10240x128xf32, #tpu.memory_space<vmem_shared>>
      tpu.enqueue_indirect_dma source(%arg8 : memref<128x128xf32, #tpu.memory_space<vmem>>) target(%dma_start3A_187 : memref<10240x128xf32, #tpu.memory_space<vmem_shared>>) offsets(%dma_start3A_184 : memref<128xi32, #tpu.memory_space<vmem>>) semaphore(%run_scoped3A_181 : memref<!tpu.dma_semaphore, #tpu.memory_space<semaphore_mem>>) {add = true}
      %dma_wait3A_188 = arith.constant 0 : i32
      %dma_wait3A_189 = tpu.memref_slice %arg10[%run_scoped3A_110, %dma_wait3A_188] : memref<40x128xi32, #tpu.memory_space<vmem>> -> memref<1x128xi32, #tpu.memory_space<vmem>>
      %dma_wait3A_190 = tpu.memref_squeeze %dma_wait3A_189 : memref<1x128xi32, #tpu.memory_space<vmem>> -> memref<128xi32, #tpu.memory_space<vmem>>
      %dma_wait3A_191 = arith.constant 0 : i32
      %dma_wait3A_192 = arith.constant 0 : i32
      %dma_wait3A_193 = tpu.memref_slice %arg11[%dma_wait3A_191, %dma_wait3A_192] : memref<10240x128xf32, #tpu.memory_space<vmem_shared>> -> memref<10240x128xf32, #tpu.memory_space<vmem_shared>>
      tpu.wait_indirect_dma semaphore(%run_scoped3A_181 : memref<!tpu.dma_semaphore, #tpu.memory_space<semaphore_mem>>) src(%arg8 : memref<128x128xf32, #tpu.memory_space<vmem>>) dst(%dma_wait3A_193 : memref<10240x128xf32, #tpu.memory_space<vmem_shared>>)
      tpu.yield
    }) : () -> ()
    %eq3A = arith.constant 0 : i32
    %eq3A_111 = arith.cmpi eq, %arg0, %eq3A : i32
    %convert_element_type3A = arith.extui %eq3A_111 : i1 to i32
    %cond3A = arith.constant 0 : i32
    %cond3A_112 = arith.cmpi ne, %convert_element_type3A, %cond3A : i32
    scf.if %cond3A_112 {
      %dma_start3A_181 = arith.constant 38 : i32
      %dma_start3A_182 = arith.constant 0 : i32
      %dma_start3A_183 = tpu.memref_slice %arg10[%dma_start3A_181, %dma_start3A_182] : memref<40x128xi32, #tpu.memory_space<vmem>> -> memref<1x128xi32, #tpu.memory_space<vmem>>
      %dma_start3A_184 = tpu.memref_squeeze %dma_start3A_183 : memref<1x128xi32, #tpu.memory_space<vmem>> -> memref<128xi32, #tpu.memory_space<vmem>>
      %dma_start3A_185 = arith.constant 0 : i32
      %dma_start3A_186 = tpu.memref_slice %arg16[%dma_start3A_185] : memref<10240xf32, #tpu.memory_space<vmem_shared>> -> memref<10240xf32, #tpu.memory_space<vmem_shared>>
      tpu.enqueue_indirect_dma source(%arg14 : memref<128xf32, #tpu.memory_space<vmem>>) target(%dma_start3A_186 : memref<10240xf32, #tpu.memory_space<vmem_shared>>) offsets(%dma_start3A_184 : memref<128xi32, #tpu.memory_space<vmem>>) semaphore(%arg17 : memref<!tpu.dma_semaphore, #tpu.memory_space<semaphore_mem>>) {add = true}
    } else {
    }
    %eq3A_113 = arith.constant 1 : i32
    %eq3A_114 = arith.cmpi eq, %arg0, %eq3A_113 : i32
    %convert_element_type3A_115 = arith.extui %eq3A_114 : i1 to i32
    %cond3A_116 = arith.constant 0 : i32
    %cond3A_117 = arith.cmpi ne, %convert_element_type3A_115, %cond3A_116 : i32
    scf.if %cond3A_117 {
      %dma_start3A_181 = arith.constant 39 : i32
      %dma_start3A_182 = arith.constant 0 : i32
      %dma_start3A_183 = tpu.memref_slice %arg10[%dma_start3A_181, %dma_start3A_182] : memref<40x128xi32, #tpu.memory_space<vmem>> -> memref<1x128xi32, #tpu.memory_space<vmem>>
      %dma_start3A_184 = tpu.memref_squeeze %dma_start3A_183 : memref<1x128xi32, #tpu.memory_space<vmem>> -> memref<128xi32, #tpu.memory_space<vmem>>
      %dma_start3A_185 = arith.constant 0 : i32
      %dma_start3A_186 = tpu.memref_slice %arg16[%dma_start3A_185] : memref<10240xf32, #tpu.memory_space<vmem_shared>> -> memref<10240xf32, #tpu.memory_space<vmem_shared>>
      tpu.enqueue_indirect_dma source(%arg14 : memref<128xf32, #tpu.memory_space<vmem>>) target(%dma_start3A_186 : memref<10240xf32, #tpu.memory_space<vmem_shared>>) offsets(%dma_start3A_184 : memref<128xi32, #tpu.memory_space<vmem>>) semaphore(%arg17 : memref<!tpu.dma_semaphore, #tpu.memory_space<semaphore_mem>>) {add = true}
    } else {
    }
    %scan3A_118 = arith.constant 0 : i32
    %scan3A_119 = arith.constant 20 : i32
    %scan3A_120 = arith.addi %scan3A_118, %scan3A_119 : i32
    %scan3A_121 = arith.constant 1 : i32
    scf.for %scan3A_181 = %scan3A_118 to %scan3A_120 step %scan3A_121  : i32 {
      %mul3A_182 = arith.constant 1 : i32
      %mul3A_183 = arith.muli %scan3A_181, %mul3A_182 : i32
      %add3A_184 = arith.constant 0 : i32
      %add3A_185 = arith.addi %add3A_184, %mul3A_183 : i32
      %dma_wait3A_186 = arith.constant 0 : i32
      %dma_wait3A_187 = tpu.memref_slice %arg16[%dma_wait3A_186] : memref<10240xf32, #tpu.memory_space<vmem_shared>> -> memref<128xf32, #tpu.memory_space<vmem_shared>>
      %dma_wait3A_188 = arith.constant 0 : i32
      %dma_wait3A_189 = tpu.memref_slice %arg16[%dma_wait3A_188] : memref<10240xf32, #tpu.memory_space<vmem_shared>> -> memref<128xf32, #tpu.memory_space<vmem_shared>>
      tpu.wait_dma2 semaphore(%arg17 : memref<!tpu.dma_semaphore, #tpu.memory_space<semaphore_mem>>) src(%arg14 : memref<128xf32, #tpu.memory_space<vmem>>) dst(%dma_wait3A_189 : memref<128xf32, #tpu.memory_space<vmem_shared>>)
    }
    %scan3A_122 = arith.constant 20 : i32
    %add3A_123 = arith.constant 40 : i32
    %add3A_124 = arith.addi %mul3A_0, %add3A_123 : i32
    "tpu.region"() ({
      %run_scoped3A_181 = tpu.sem_alloc : memref<!tpu.dma_semaphore, #tpu.memory_space<semaphore_mem>>
      %dma_start3A_182 = arith.constant 0 : i32
      %dma_start3A_183 = tpu.memref_slice %arg3[%arg0, %add3A_124, %dma_start3A_182] : memref<2x1280x128xi32, #tpu.memory_space<hbm>> -> memref<1x40x128xi32, #tpu.memory_space<hbm>>
      %dma_start3A_184 = tpu.memref_squeeze %dma_start3A_183 : memref<1x40x128xi32, #tpu.memory_space<hbm>> -> memref<40x128xi32, #tpu.memory_space<hbm>>
      %dma_start3A_185 = arith.constant 0 : i32
      %dma_start3A_186 = tpu.memref_slice %arg3[%arg0, %add3A_124, %dma_start3A_185] : memref<2x1280x128xi32, #tpu.memory_space<hbm>> -> memref<1x40x128xi32, #tpu.memory_space<hbm>>
      %dma_start3A_187 = tpu.memref_squeeze %dma_start3A_186 : memref<1x40x128xi32, #tpu.memory_space<hbm>> -> memref<40x128xi32, #tpu.memory_space<hbm>>
      tpu.enqueue_dma source(%dma_start3A_187 : memref<40x128xi32, #tpu.memory_space<hbm>>) target(%arg9 : memref<40x128xi32, #tpu.memory_space<vmem>>) target_semaphore(%run_scoped3A_181 : memref<!tpu.dma_semaphore, #tpu.memory_space<semaphore_mem>>)
      %dma_wait3A_188 = arith.constant 0 : i32
      %dma_wait3A_189 = tpu.memref_slice %arg3[%arg0, %add3A_124, %dma_wait3A_188] : memref<2x1280x128xi32, #tpu.memory_space<hbm>> -> memref<1x40x128xi32, #tpu.memory_space<hbm>>
      %dma_wait3A_190 = tpu.memref_squeeze %dma_wait3A_189 : memref<1x40x128xi32, #tpu.memory_space<hbm>> -> memref<40x128xi32, #tpu.memory_space<hbm>>
      %dma_wait3A_191 = arith.constant 0 : i32
      %dma_wait3A_192 = tpu.memref_slice %arg3[%arg0, %add3A_124, %dma_wait3A_191] : memref<2x1280x128xi32, #tpu.memory_space<hbm>> -> memref<1x40x128xi32, #tpu.memory_space<hbm>>
      %dma_wait3A_193 = tpu.memref_squeeze %dma_wait3A_192 : memref<1x40x128xi32, #tpu.memory_space<hbm>> -> memref<40x128xi32, #tpu.memory_space<hbm>>
      tpu.wait_dma2 semaphore(%run_scoped3A_181 : memref<!tpu.dma_semaphore, #tpu.memory_space<semaphore_mem>>) src(%dma_wait3A_193 : memref<40x128xi32, #tpu.memory_space<hbm>>) dst(%arg9 : memref<40x128xi32, #tpu.memory_space<vmem>>)
      tpu.yield
    }) : () -> ()
    %add3A_125 = arith.constant 40 : i32
    %add3A_126 = arith.addi %mul3A_0, %add3A_125 : i32
    "tpu.region"() ({
      %run_scoped3A_181 = tpu.sem_alloc : memref<!tpu.dma_semaphore, #tpu.memory_space<semaphore_mem>>
      %dma_start3A_182 = arith.constant 0 : i32
      %dma_start3A_183 = tpu.memref_slice %arg4[%add3A_126, %dma_start3A_182] : memref<1280x128xi32, #tpu.memory_space<hbm>> -> memref<40x128xi32, #tpu.memory_space<hbm>>
      %dma_start3A_184 = arith.constant 0 : i32
      %dma_start3A_185 = tpu.memref_slice %arg4[%add3A_126, %dma_start3A_184] : memref<1280x128xi32, #tpu.memory_space<hbm>> -> memref<40x128xi32, #tpu.memory_space<hbm>>
      tpu.enqueue_dma source(%dma_start3A_185 : memref<40x128xi32, #tpu.memory_space<hbm>>) target(%arg10 : memref<40x128xi32, #tpu.memory_space<vmem>>) target_semaphore(%run_scoped3A_181 : memref<!tpu.dma_semaphore, #tpu.memory_space<semaphore_mem>>)
      %dma_wait3A_186 = arith.constant 0 : i32
      %dma_wait3A_187 = tpu.memref_slice %arg4[%add3A_126, %dma_wait3A_186] : memref<1280x128xi32, #tpu.memory_space<hbm>> -> memref<40x128xi32, #tpu.memory_space<hbm>>
      %dma_wait3A_188 = arith.constant 0 : i32
      %dma_wait3A_189 = tpu.memref_slice %arg4[%add3A_126, %dma_wait3A_188] : memref<1280x128xi32, #tpu.memory_space<hbm>> -> memref<40x128xi32, #tpu.memory_space<hbm>>
      tpu.wait_dma2 semaphore(%run_scoped3A_181 : memref<!tpu.dma_semaphore, #tpu.memory_space<semaphore_mem>>) src(%dma_wait3A_189 : memref<40x128xi32, #tpu.memory_space<hbm>>) dst(%arg10 : memref<40x128xi32, #tpu.memory_space<vmem>>)
      tpu.yield
    }) : () -> ()
    %dma_start3A_127 = arith.constant 0 : i32
    %dma_start3A_128 = arith.constant 0 : i32
    %dma_start3A_129 = tpu.memref_slice %arg9[%dma_start3A_127, %dma_start3A_128] : memref<40x128xi32, #tpu.memory_space<vmem>> -> memref<1x128xi32, #tpu.memory_space<vmem>>
    %dma_start3A_130 = tpu.memref_squeeze %dma_start3A_129 : memref<1x128xi32, #tpu.memory_space<vmem>> -> memref<128xi32, #tpu.memory_space<vmem>>
    %dma_start3A_131 = arith.constant 0 : i32
    %dma_start3A_132 = arith.constant 0 : i32
    %dma_start3A_133 = tpu.memref_slice %arg2[%dma_start3A_131, %dma_start3A_132] : memref<20000x128xf32, #tpu.memory_space<hbm>> -> memref<20000x128xf32, #tpu.memory_space<hbm>>
    tpu.enqueue_indirect_dma source(%dma_start3A_133 : memref<20000x128xf32, #tpu.memory_space<hbm>>) target(%arg7 : memref<128x128xf32, #tpu.memory_space<vmem>>) offsets(%dma_start3A_130 : memref<128xi32, #tpu.memory_space<vmem>>) semaphore(%arg12 : memref<!tpu.dma_semaphore, #tpu.memory_space<semaphore_mem>>)
    %dma_start3A_134 = arith.constant 1 : i32
    %dma_start3A_135 = arith.constant 0 : i32
    %dma_start3A_136 = tpu.memref_slice %arg9[%dma_start3A_134, %dma_start3A_135] : memref<40x128xi32, #tpu.memory_space<vmem>> -> memref<1x128xi32, #tpu.memory_space<vmem>>
    %dma_start3A_137 = tpu.memref_squeeze %dma_start3A_136 : memref<1x128xi32, #tpu.memory_space<vmem>> -> memref<128xi32, #tpu.memory_space<vmem>>
    %dma_start3A_138 = arith.constant 0 : i32
    %dma_start3A_139 = arith.constant 0 : i32
    %dma_start3A_140 = tpu.memref_slice %arg2[%dma_start3A_138, %dma_start3A_139] : memref<20000x128xf32, #tpu.memory_space<hbm>> -> memref<20000x128xf32, #tpu.memory_space<hbm>>
    tpu.enqueue_indirect_dma source(%dma_start3A_140 : memref<20000x128xf32, #tpu.memory_space<hbm>>) target(%arg8 : memref<128x128xf32, #tpu.memory_space<vmem>>) offsets(%dma_start3A_137 : memref<128xi32, #tpu.memory_space<vmem>>) semaphore(%arg13 : memref<!tpu.dma_semaphore, #tpu.memory_space<semaphore_mem>>)
    %scan3A_141 = arith.constant 0 : i32
    %scan3A_142 = arith.constant 19 : i32
    %scan3A_143 = arith.addi %scan3A_141, %scan3A_142 : i32
    %scan3A_144 = arith.constant 1 : i32
    scf.for %scan3A_181 = %scan3A_141 to %scan3A_143 step %scan3A_144  : i32 {
      %mul3A_182 = arith.constant 2 : i32
      %mul3A_183 = arith.muli %scan3A_181, %mul3A_182 : i32
      %add3A_184 = arith.constant 0 : i32
      %add3A_185 = arith.addi %add3A_184, %mul3A_183 : i32
      %dma_wait3A_186 = arith.constant 0 : i32
      %dma_wait3A_187 = arith.constant 0 : i32
      %dma_wait3A_188 = tpu.memref_slice %arg2[%dma_wait3A_186, %dma_wait3A_187] : memref<20000x128xf32, #tpu.memory_space<hbm>> -> memref<128x128xf32, #tpu.memory_space<hbm>>
      %dma_wait3A_189 = arith.constant 0 : i32
      %dma_wait3A_190 = arith.constant 0 : i32
      %dma_wait3A_191 = tpu.memref_slice %arg2[%dma_wait3A_189, %dma_wait3A_190] : memref<20000x128xf32, #tpu.memory_space<hbm>> -> memref<128x128xf32, #tpu.memory_space<hbm>>
      tpu.wait_dma2 semaphore(%arg12 : memref<!tpu.dma_semaphore, #tpu.memory_space<semaphore_mem>>) src(%dma_wait3A_191 : memref<128x128xf32, #tpu.memory_space<hbm>>) dst(%arg7 : memref<128x128xf32, #tpu.memory_space<vmem>>)
      "tpu.region"() ({
        %run_scoped3A_226 = tpu.sem_alloc : memref<!tpu.dma_semaphore, #tpu.memory_space<semaphore_mem>>
        %dma_start3A_227 = arith.constant 0 : i32
        %dma_start3A_228 = tpu.memref_slice %arg10[%add3A_185, %dma_start3A_227] : memref<40x128xi32, #tpu.memory_space<vmem>> -> memref<1x128xi32, #tpu.memory_space<vmem>>
        %dma_start3A_229 = tpu.memref_squeeze %dma_start3A_228 : memref<1x128xi32, #tpu.memory_space<vmem>> -> memref<128xi32, #tpu.memory_space<vmem>>
        %dma_start3A_230 = arith.constant 0 : i32
        %dma_start3A_231 = arith.constant 0 : i32
        %dma_start3A_232 = tpu.memref_slice %arg11[%dma_start3A_230, %dma_start3A_231] : memref<10240x128xf32, #tpu.memory_space<vmem_shared>> -> memref<10240x128xf32, #tpu.memory_space<vmem_shared>>
        tpu.enqueue_indirect_dma source(%arg7 : memref<128x128xf32, #tpu.memory_space<vmem>>) target(%dma_start3A_232 : memref<10240x128xf32, #tpu.memory_space<vmem_shared>>) offsets(%dma_start3A_229 : memref<128xi32, #tpu.memory_space<vmem>>) semaphore(%run_scoped3A_226 : memref<!tpu.dma_semaphore, #tpu.memory_space<semaphore_mem>>) {add = true}
        %dma_wait3A_233 = arith.constant 0 : i32
        %dma_wait3A_234 = tpu.memref_slice %arg10[%add3A_185, %dma_wait3A_233] : memref<40x128xi32, #tpu.memory_space<vmem>> -> memref<1x128xi32, #tpu.memory_space<vmem>>
        %dma_wait3A_235 = tpu.memref_squeeze %dma_wait3A_234 : memref<1x128xi32, #tpu.memory_space<vmem>> -> memref<128xi32, #tpu.memory_space<vmem>>
        %dma_wait3A_236 = arith.constant 0 : i32
        %dma_wait3A_237 = arith.constant 0 : i32
        %dma_wait3A_238 = tpu.memref_slice %arg11[%dma_wait3A_236, %dma_wait3A_237] : memref<10240x128xf32, #tpu.memory_space<vmem_shared>> -> memref<10240x128xf32, #tpu.memory_space<vmem_shared>>
        tpu.wait_indirect_dma semaphore(%run_scoped3A_226 : memref<!tpu.dma_semaphore, #tpu.memory_space<semaphore_mem>>) src(%arg7 : memref<128x128xf32, #tpu.memory_space<vmem>>) dst(%dma_wait3A_238 : memref<10240x128xf32, #tpu.memory_space<vmem_shared>>)
        tpu.yield
      }) : () -> ()
      %add3A_192 = arith.constant 2 : i32
      %add3A_193 = arith.addi %add3A_185, %add3A_192 : i32
      %dma_start3A_194 = arith.constant 0 : i32
      %dma_start3A_195 = tpu.memref_slice %arg9[%add3A_193, %dma_start3A_194] : memref<40x128xi32, #tpu.memory_space<vmem>> -> memref<1x128xi32, #tpu.memory_space<vmem>>
      %dma_start3A_196 = tpu.memref_squeeze %dma_start3A_195 : memref<1x128xi32, #tpu.memory_space<vmem>> -> memref<128xi32, #tpu.memory_space<vmem>>
      %dma_start3A_197 = arith.constant 0 : i32
      %dma_start3A_198 = arith.constant 0 : i32
      %dma_start3A_199 = tpu.memref_slice %arg2[%dma_start3A_197, %dma_start3A_198] : memref<20000x128xf32, #tpu.memory_space<hbm>> -> memref<20000x128xf32, #tpu.memory_space<hbm>>
      tpu.enqueue_indirect_dma source(%dma_start3A_199 : memref<20000x128xf32, #tpu.memory_space<hbm>>) target(%arg7 : memref<128x128xf32, #tpu.memory_space<vmem>>) offsets(%dma_start3A_196 : memref<128xi32, #tpu.memory_space<vmem>>) semaphore(%arg12 : memref<!tpu.dma_semaphore, #tpu.memory_space<semaphore_mem>>)
      %eq3A_200 = arith.constant 0 : i32
      %eq3A_201 = arith.cmpi eq, %arg0, %eq3A_200 : i32
      %convert_element_type3A_202 = arith.extui %eq3A_201 : i1 to i32
      %cond3A_203 = arith.constant 0 : i32
      %cond3A_204 = arith.cmpi ne, %convert_element_type3A_202, %cond3A_203 : i32
      scf.if %cond3A_204 {
        %dma_start3A_226 = arith.constant 0 : i32
        %dma_start3A_227 = tpu.memref_slice %arg10[%add3A_185, %dma_start3A_226] : memref<40x128xi32, #tpu.memory_space<vmem>> -> memref<1x128xi32, #tpu.memory_space<vmem>>
        %dma_start3A_228 = tpu.memref_squeeze %dma_start3A_227 : memref<1x128xi32, #tpu.memory_space<vmem>> -> memref<128xi32, #tpu.memory_space<vmem>>
        %dma_start3A_229 = arith.constant 0 : i32
        %dma_start3A_230 = tpu.memref_slice %arg16[%dma_start3A_229] : memref<10240xf32, #tpu.memory_space<vmem_shared>> -> memref<10240xf32, #tpu.memory_space<vmem_shared>>
        tpu.enqueue_indirect_dma source(%arg14 : memref<128xf32, #tpu.memory_space<vmem>>) target(%dma_start3A_230 : memref<10240xf32, #tpu.memory_space<vmem_shared>>) offsets(%dma_start3A_228 : memref<128xi32, #tpu.memory_space<vmem>>) semaphore(%arg17 : memref<!tpu.dma_semaphore, #tpu.memory_space<semaphore_mem>>) {add = true}
      } else {
      }
      %dma_wait3A_205 = arith.constant 0 : i32
      %dma_wait3A_206 = arith.constant 0 : i32
      %dma_wait3A_207 = tpu.memref_slice %arg2[%dma_wait3A_205, %dma_wait3A_206] : memref<20000x128xf32, #tpu.memory_space<hbm>> -> memref<128x128xf32, #tpu.memory_space<hbm>>
      %dma_wait3A_208 = arith.constant 0 : i32
      %dma_wait3A_209 = arith.constant 0 : i32
      %dma_wait3A_210 = tpu.memref_slice %arg2[%dma_wait3A_208, %dma_wait3A_209] : memref<20000x128xf32, #tpu.memory_space<hbm>> -> memref<128x128xf32, #tpu.memory_space<hbm>>
      tpu.wait_dma2 semaphore(%arg13 : memref<!tpu.dma_semaphore, #tpu.memory_space<semaphore_mem>>) src(%dma_wait3A_210 : memref<128x128xf32, #tpu.memory_space<hbm>>) dst(%arg8 : memref<128x128xf32, #tpu.memory_space<vmem>>)
      %add3A_211 = arith.constant 1 : i32
      %add3A_212 = arith.addi %add3A_185, %add3A_211 : i32
      "tpu.region"() ({
        %run_scoped3A_226 = tpu.sem_alloc : memref<!tpu.dma_semaphore, #tpu.memory_space<semaphore_mem>>
        %dma_start3A_227 = arith.constant 0 : i32
        %dma_start3A_228 = tpu.memref_slice %arg10[%add3A_212, %dma_start3A_227] : memref<40x128xi32, #tpu.memory_space<vmem>> -> memref<1x128xi32, #tpu.memory_space<vmem>>
        %dma_start3A_229 = tpu.memref_squeeze %dma_start3A_228 : memref<1x128xi32, #tpu.memory_space<vmem>> -> memref<128xi32, #tpu.memory_space<vmem>>
        %dma_start3A_230 = arith.constant 0 : i32
        %dma_start3A_231 = arith.constant 0 : i32
        %dma_start3A_232 = tpu.memref_slice %arg11[%dma_start3A_230, %dma_start3A_231] : memref<10240x128xf32, #tpu.memory_space<vmem_shared>> -> memref<10240x128xf32, #tpu.memory_space<vmem_shared>>
        tpu.enqueue_indirect_dma source(%arg8 : memref<128x128xf32, #tpu.memory_space<vmem>>) target(%dma_start3A_232 : memref<10240x128xf32, #tpu.memory_space<vmem_shared>>) offsets(%dma_start3A_229 : memref<128xi32, #tpu.memory_space<vmem>>) semaphore(%run_scoped3A_226 : memref<!tpu.dma_semaphore, #tpu.memory_space<semaphore_mem>>) {add = true}
        %dma_wait3A_233 = arith.constant 0 : i32
        %dma_wait3A_234 = tpu.memref_slice %arg10[%add3A_212, %dma_wait3A_233] : memref<40x128xi32, #tpu.memory_space<vmem>> -> memref<1x128xi32, #tpu.memory_space<vmem>>
        %dma_wait3A_235 = tpu.memref_squeeze %dma_wait3A_234 : memref<1x128xi32, #tpu.memory_space<vmem>> -> memref<128xi32, #tpu.memory_space<vmem>>
        %dma_wait3A_236 = arith.constant 0 : i32
        %dma_wait3A_237 = arith.constant 0 : i32
        %dma_wait3A_238 = tpu.memref_slice %arg11[%dma_wait3A_236, %dma_wait3A_237] : memref<10240x128xf32, #tpu.memory_space<vmem_shared>> -> memref<10240x128xf32, #tpu.memory_space<vmem_shared>>
        tpu.wait_indirect_dma semaphore(%run_scoped3A_226 : memref<!tpu.dma_semaphore, #tpu.memory_space<semaphore_mem>>) src(%arg8 : memref<128x128xf32, #tpu.memory_space<vmem>>) dst(%dma_wait3A_238 : memref<10240x128xf32, #tpu.memory_space<vmem_shared>>)
        tpu.yield
      }) : () -> ()
      %add3A_213 = arith.constant 3 : i32
      %add3A_214 = arith.addi %add3A_185, %add3A_213 : i32
      %dma_start3A_215 = arith.constant 0 : i32
      %dma_start3A_216 = tpu.memref_slice %arg9[%add3A_214, %dma_start3A_215] : memref<40x128xi32, #tpu.memory_space<vmem>> -> memref<1x128xi32, #tpu.memory_space<vmem>>
      %dma_start3A_217 = tpu.memref_squeeze %dma_start3A_216 : memref<1x128xi32, #tpu.memory_space<vmem>> -> memref<128xi32, #tpu.memory_space<vmem>>
      %dma_start3A_218 = arith.constant 0 : i32
      %dma_start3A_219 = arith.constant 0 : i32
      %dma_start3A_220 = tpu.memref_slice %arg2[%dma_start3A_218, %dma_start3A_219] : memref<20000x128xf32, #tpu.memory_space<hbm>> -> memref<20000x128xf32, #tpu.memory_space<hbm>>
      tpu.enqueue_indirect_dma source(%dma_start3A_220 : memref<20000x128xf32, #tpu.memory_space<hbm>>) target(%arg8 : memref<128x128xf32, #tpu.memory_space<vmem>>) offsets(%dma_start3A_217 : memref<128xi32, #tpu.memory_space<vmem>>) semaphore(%arg13 : memref<!tpu.dma_semaphore, #tpu.memory_space<semaphore_mem>>)
      %eq3A_221 = arith.constant 1 : i32
      %eq3A_222 = arith.cmpi eq, %arg0, %eq3A_221 : i32
      %convert_element_type3A_223 = arith.extui %eq3A_222 : i1 to i32
      %cond3A_224 = arith.constant 0 : i32
      %cond3A_225 = arith.cmpi ne, %convert_element_type3A_223, %cond3A_224 : i32
      scf.if %cond3A_225 {
        %add3A_226 = arith.constant 1 : i32
        %add3A_227 = arith.addi %add3A_185, %add3A_226 : i32
        %dma_start3A_228 = arith.constant 0 : i32
        %dma_start3A_229 = tpu.memref_slice %arg10[%add3A_227, %dma_start3A_228] : memref<40x128xi32, #tpu.memory_space<vmem>> -> memref<1x128xi32, #tpu.memory_space<vmem>>
        %dma_start3A_230 = tpu.memref_squeeze %dma_start3A_229 : memref<1x128xi32, #tpu.memory_space<vmem>> -> memref<128xi32, #tpu.memory_space<vmem>>
        %dma_start3A_231 = arith.constant 0 : i32
        %dma_start3A_232 = tpu.memref_slice %arg16[%dma_start3A_231] : memref<10240xf32, #tpu.memory_space<vmem_shared>> -> memref<10240xf32, #tpu.memory_space<vmem_shared>>
        tpu.enqueue_indirect_dma source(%arg14 : memref<128xf32, #tpu.memory_space<vmem>>) target(%dma_start3A_232 : memref<10240xf32, #tpu.memory_space<vmem_shared>>) offsets(%dma_start3A_230 : memref<128xi32, #tpu.memory_space<vmem>>) semaphore(%arg17 : memref<!tpu.dma_semaphore, #tpu.memory_space<semaphore_mem>>) {add = true}
      } else {
      }
    }
    %scan3A_145 = arith.constant 19 : i32
    %dma_wait3A_146 = arith.constant 0 : i32
    %dma_wait3A_147 = arith.constant 0 : i32
    %dma_wait3A_148 = tpu.memref_slice %arg2[%dma_wait3A_146, %dma_wait3A_147] : memref<20000x128xf32, #tpu.memory_space<hbm>> -> memref<128x128xf32, #tpu.memory_space<hbm>>
    %dma_wait3A_149 = arith.constant 0 : i32
    %dma_wait3A_150 = arith.constant 0 : i32
    %dma_wait3A_151 = tpu.memref_slice %arg2[%dma_wait3A_149, %dma_wait3A_150] : memref<20000x128xf32, #tpu.memory_space<hbm>> -> memref<128x128xf32, #tpu.memory_space<hbm>>
    tpu.wait_dma2 semaphore(%arg12 : memref<!tpu.dma_semaphore, #tpu.memory_space<semaphore_mem>>) src(%dma_wait3A_151 : memref<128x128xf32, #tpu.memory_space<hbm>>) dst(%arg7 : memref<128x128xf32, #tpu.memory_space<vmem>>)
    %run_scoped3A_152 = arith.constant 38 : i32
    "tpu.region"() ({
      %run_scoped3A_181 = tpu.sem_alloc : memref<!tpu.dma_semaphore, #tpu.memory_space<semaphore_mem>>
      %dma_start3A_182 = arith.constant 0 : i32
      %dma_start3A_183 = tpu.memref_slice %arg10[%run_scoped3A_152, %dma_start3A_182] : memref<40x128xi32, #tpu.memory_space<vmem>> -> memref<1x128xi32, #tpu.memory_space<vmem>>
      %dma_start3A_184 = tpu.memref_squeeze %dma_start3A_183 : memref<1x128xi32, #tpu.memory_space<vmem>> -> memref<128xi32, #tpu.memory_space<vmem>>
      %dma_start3A_185 = arith.constant 0 : i32
      %dma_start3A_186 = arith.constant 0 : i32
      %dma_start3A_187 = tpu.memref_slice %arg11[%dma_start3A_185, %dma_start3A_186] : memref<10240x128xf32, #tpu.memory_space<vmem_shared>> -> memref<10240x128xf32, #tpu.memory_space<vmem_shared>>
      tpu.enqueue_indirect_dma source(%arg7 : memref<128x128xf32, #tpu.memory_space<vmem>>) target(%dma_start3A_187 : memref<10240x128xf32, #tpu.memory_space<vmem_shared>>) offsets(%dma_start3A_184 : memref<128xi32, #tpu.memory_space<vmem>>) semaphore(%run_scoped3A_181 : memref<!tpu.dma_semaphore, #tpu.memory_space<semaphore_mem>>) {add = true}
      %dma_wait3A_188 = arith.constant 0 : i32
      %dma_wait3A_189 = tpu.memref_slice %arg10[%run_scoped3A_152, %dma_wait3A_188] : memref<40x128xi32, #tpu.memory_space<vmem>> -> memref<1x128xi32, #tpu.memory_space<vmem>>
      %dma_wait3A_190 = tpu.memref_squeeze %dma_wait3A_189 : memref<1x128xi32, #tpu.memory_space<vmem>> -> memref<128xi32, #tpu.memory_space<vmem>>
      %dma_wait3A_191 = arith.constant 0 : i32
      %dma_wait3A_192 = arith.constant 0 : i32
      %dma_wait3A_193 = tpu.memref_slice %arg11[%dma_wait3A_191, %dma_wait3A_192] : memref<10240x128xf32, #tpu.memory_space<vmem_shared>> -> memref<10240x128xf32, #tpu.memory_space<vmem_shared>>
      tpu.wait_indirect_dma semaphore(%run_scoped3A_181 : memref<!tpu.dma_semaphore, #tpu.memory_space<semaphore_mem>>) src(%arg7 : memref<128x128xf32, #tpu.memory_space<vmem>>) dst(%dma_wait3A_193 : memref<10240x128xf32, #tpu.memory_space<vmem_shared>>)
      tpu.yield
    }) : () -> ()
    %dma_wait3A_153 = arith.constant 0 : i32
    %dma_wait3A_154 = arith.constant 0 : i32
    %dma_wait3A_155 = tpu.memref_slice %arg2[%dma_wait3A_153, %dma_wait3A_154] : memref<20000x128xf32, #tpu.memory_space<hbm>> -> memref<128x128xf32, #tpu.memory_space<hbm>>
    %dma_wait3A_156 = arith.constant 0 : i32
    %dma_wait3A_157 = arith.constant 0 : i32
    %dma_wait3A_158 = tpu.memref_slice %arg2[%dma_wait3A_156, %dma_wait3A_157] : memref<20000x128xf32, #tpu.memory_space<hbm>> -> memref<128x128xf32, #tpu.memory_space<hbm>>
    tpu.wait_dma2 semaphore(%arg13 : memref<!tpu.dma_semaphore, #tpu.memory_space<semaphore_mem>>) src(%dma_wait3A_158 : memref<128x128xf32, #tpu.memory_space<hbm>>) dst(%arg8 : memref<128x128xf32, #tpu.memory_space<vmem>>)
    %run_scoped3A_159 = arith.constant 39 : i32
    "tpu.region"() ({
      %run_scoped3A_181 = tpu.sem_alloc : memref<!tpu.dma_semaphore, #tpu.memory_space<semaphore_mem>>
      %dma_start3A_182 = arith.constant 0 : i32
      %dma_start3A_183 = tpu.memref_slice %arg10[%run_scoped3A_159, %dma_start3A_182] : memref<40x128xi32, #tpu.memory_space<vmem>> -> memref<1x128xi32, #tpu.memory_space<vmem>>
      %dma_start3A_184 = tpu.memref_squeeze %dma_start3A_183 : memref<1x128xi32, #tpu.memory_space<vmem>> -> memref<128xi32, #tpu.memory_space<vmem>>
      %dma_start3A_185 = arith.constant 0 : i32
      %dma_start3A_186 = arith.constant 0 : i32
      %dma_start3A_187 = tpu.memref_slice %arg11[%dma_start3A_185, %dma_start3A_186] : memref<10240x128xf32, #tpu.memory_space<vmem_shared>> -> memref<10240x128xf32, #tpu.memory_space<vmem_shared>>
      tpu.enqueue_indirect_dma source(%arg8 : memref<128x128xf32, #tpu.memory_space<vmem>>) target(%dma_start3A_187 : memref<10240x128xf32, #tpu.memory_space<vmem_shared>>) offsets(%dma_start3A_184 : memref<128xi32, #tpu.memory_space<vmem>>) semaphore(%run_scoped3A_181 : memref<!tpu.dma_semaphore, #tpu.memory_space<semaphore_mem>>) {add = true}
      %dma_wait3A_188 = arith.constant 0 : i32
      %dma_wait3A_189 = tpu.memref_slice %arg10[%run_scoped3A_159, %dma_wait3A_188] : memref<40x128xi32, #tpu.memory_space<vmem>> -> memref<1x128xi32, #tpu.memory_space<vmem>>
      %dma_wait3A_190 = tpu.memref_squeeze %dma_wait3A_189 : memref<1x128xi32, #tpu.memory_space<vmem>> -> memref<128xi32, #tpu.memory_space<vmem>>
      %dma_wait3A_191 = arith.constant 0 : i32
      %dma_wait3A_192 = arith.constant 0 : i32
      %dma_wait3A_193 = tpu.memref_slice %arg11[%dma_wait3A_191, %dma_wait3A_192] : memref<10240x128xf32, #tpu.memory_space<vmem_shared>> -> memref<10240x128xf32, #tpu.memory_space<vmem_shared>>
      tpu.wait_indirect_dma semaphore(%run_scoped3A_181 : memref<!tpu.dma_semaphore, #tpu.memory_space<semaphore_mem>>) src(%arg8 : memref<128x128xf32, #tpu.memory_space<vmem>>) dst(%dma_wait3A_193 : memref<10240x128xf32, #tpu.memory_space<vmem_shared>>)
      tpu.yield
    }) : () -> ()
    %eq3A_160 = arith.constant 0 : i32
    %eq3A_161 = arith.cmpi eq, %arg0, %eq3A_160 : i32
    %convert_element_type3A_162 = arith.extui %eq3A_161 : i1 to i32
    %cond3A_163 = arith.constant 0 : i32
    %cond3A_164 = arith.cmpi ne, %convert_element_type3A_162, %cond3A_163 : i32
    scf.if %cond3A_164 {
      %dma_start3A_181 = arith.constant 38 : i32
      %dma_start3A_182 = arith.constant 0 : i32
      %dma_start3A_183 = tpu.memref_slice %arg10[%dma_start3A_181, %dma_start3A_182] : memref<40x128xi32, #tpu.memory_space<vmem>> -> memref<1x128xi32, #tpu.memory_space<vmem>>
      %dma_start3A_184 = tpu.memref_squeeze %dma_start3A_183 : memref<1x128xi32, #tpu.memory_space<vmem>> -> memref<128xi32, #tpu.memory_space<vmem>>
      %dma_start3A_185 = arith.constant 0 : i32
      %dma_start3A_186 = tpu.memref_slice %arg16[%dma_start3A_185] : memref<10240xf32, #tpu.memory_space<vmem_shared>> -> memref<10240xf32, #tpu.memory_space<vmem_shared>>
      tpu.enqueue_indirect_dma source(%arg14 : memref<128xf32, #tpu.memory_space<vmem>>) target(%dma_start3A_186 : memref<10240xf32, #tpu.memory_space<vmem_shared>>) offsets(%dma_start3A_184 : memref<128xi32, #tpu.memory_space<vmem>>) semaphore(%arg17 : memref<!tpu.dma_semaphore, #tpu.memory_space<semaphore_mem>>) {add = true}
    } else {
    }
    %eq3A_165 = arith.constant 1 : i32
    %eq3A_166 = arith.cmpi eq, %arg0, %eq3A_165 : i32
    %convert_element_type3A_167 = arith.extui %eq3A_166 : i1 to i32
    %cond3A_168 = arith.constant 0 : i32
    %cond3A_169 = arith.cmpi ne, %convert_element_type3A_167, %cond3A_168 : i32
    scf.if %cond3A_169 {
      %dma_start3A_181 = arith.constant 39 : i32
      %dma_start3A_182 = arith.constant 0 : i32
      %dma_start3A_183 = tpu.memref_slice %arg10[%dma_start3A_181, %dma_start3A_182] : memref<40x128xi32, #tpu.memory_space<vmem>> -> memref<1x128xi32, #tpu.memory_space<vmem>>
      %dma_start3A_184 = tpu.memref_squeeze %dma_start3A_183 : memref<1x128xi32, #tpu.memory_space<vmem>> -> memref<128xi32, #tpu.memory_space<vmem>>
      %dma_start3A_185 = arith.constant 0 : i32
      %dma_start3A_186 = tpu.memref_slice %arg16[%dma_start3A_185] : memref<10240xf32, #tpu.memory_space<vmem_shared>> -> memref<10240xf32, #tpu.memory_space<vmem_shared>>
      tpu.enqueue_indirect_dma source(%arg14 : memref<128xf32, #tpu.memory_space<vmem>>) target(%dma_start3A_186 : memref<10240xf32, #tpu.memory_space<vmem_shared>>) offsets(%dma_start3A_184 : memref<128xi32, #tpu.memory_space<vmem>>) semaphore(%arg17 : memref<!tpu.dma_semaphore, #tpu.memory_space<semaphore_mem>>) {add = true}
    } else {
    }
    %scan3A_170 = arith.constant 0 : i32
    %scan3A_171 = arith.constant 20 : i32
    %scan3A_172 = arith.addi %scan3A_170, %scan3A_171 : i32
    %scan3A_173 = arith.constant 1 : i32
    scf.for %scan3A_181 = %scan3A_170 to %scan3A_172 step %scan3A_173  : i32 {
      %mul3A_182 = arith.constant 1 : i32
      %mul3A_183 = arith.muli %scan3A_181, %mul3A_182 : i32
      %add3A_184 = arith.constant 0 : i32
      %add3A_185 = arith.addi %add3A_184, %mul3A_183 : i32
      %dma_wait3A_186 = arith.constant 0 : i32
      %dma_wait3A_187 = tpu.memref_slice %arg16[%dma_wait3A_186] : memref<10240xf32, #tpu.memory_space<vmem_shared>> -> memref<128xf32, #tpu.memory_space<vmem_shared>>
      %dma_wait3A_188 = arith.constant 0 : i32
      %dma_wait3A_189 = tpu.memref_slice %arg16[%dma_wait3A_188] : memref<10240xf32, #tpu.memory_space<vmem_shared>> -> memref<128xf32, #tpu.memory_space<vmem_shared>>
      tpu.wait_dma2 semaphore(%arg17 : memref<!tpu.dma_semaphore, #tpu.memory_space<semaphore_mem>>) src(%arg14 : memref<128xf32, #tpu.memory_space<vmem>>) dst(%dma_wait3A_189 : memref<128xf32, #tpu.memory_space<vmem_shared>>)
    }
    %scan3A_174 = arith.constant 20 : i32
    %barrier3A_175 = arith.constant 0 : index
    tpu.barrier barrier_id(%barrier3A_175)
    %mul3A_176 = arith.constant 640 : i32
    %mul3A_177 = arith.muli %arg1, %mul3A_176 : i32
    "tpu.region"() ({
      %run_scoped3A_181 = tpu.sem_alloc : memref<!tpu.dma_semaphore, #tpu.memory_space<semaphore_mem>>
      %dma_start3A_182 = arith.constant 0 : i32
      %dma_start3A_183 = tpu.memref_slice %arg5[%arg0, %mul3A_177, %dma_start3A_182] : memref<2x10240x128xf32, #tpu.memory_space<hbm>> -> memref<1x640x128xf32, #tpu.memory_space<hbm>>
      %dma_start3A_184 = tpu.memref_squeeze %dma_start3A_183 : memref<1x640x128xf32, #tpu.memory_space<hbm>> -> memref<640x128xf32, #tpu.memory_space<hbm>>
      %dma_start3A_185 = arith.constant 0 : i32
      %dma_start3A_186 = tpu.memref_slice %arg11[%mul3A_177, %dma_start3A_185] : memref<10240x128xf32, #tpu.memory_space<vmem_shared>> -> memref<640x128xf32, #tpu.memory_space<vmem_shared>>
      tpu.enqueue_dma source(%dma_start3A_186 : memref<640x128xf32, #tpu.memory_space<vmem_shared>>) target(%dma_start3A_184 : memref<640x128xf32, #tpu.memory_space<hbm>>) target_semaphore(%run_scoped3A_181 : memref<!tpu.dma_semaphore, #tpu.memory_space<semaphore_mem>>)
      %dma_wait3A_187 = arith.constant 0 : i32
      %dma_wait3A_188 = tpu.memref_slice %arg5[%arg0, %mul3A_177, %dma_wait3A_187] : memref<2x10240x128xf32, #tpu.memory_space<hbm>> -> memref<1x640x128xf32, #tpu.memory_space<hbm>>
      %dma_wait3A_189 = tpu.memref_squeeze %dma_wait3A_188 : memref<1x640x128xf32, #tpu.memory_space<hbm>> -> memref<640x128xf32, #tpu.memory_space<hbm>>
      %dma_wait3A_190 = arith.constant 0 : i32
      %dma_wait3A_191 = tpu.memref_slice %arg11[%mul3A_177, %dma_wait3A_190] : memref<10240x128xf32, #tpu.memory_space<vmem_shared>> -> memref<640x128xf32, #tpu.memory_space<vmem_shared>>
      tpu.wait_dma2 semaphore(%run_scoped3A_181 : memref<!tpu.dma_semaphore, #tpu.memory_space<semaphore_mem>>) src(%dma_wait3A_191 : memref<640x128xf32, #tpu.memory_space<vmem_shared>>) dst(%dma_wait3A_189 : memref<640x128xf32, #tpu.memory_space<hbm>>)
      tpu.yield
    }) : () -> ()
    %mul3A_178 = arith.constant 10240 : i32
    %mul3A_179 = arith.muli %arg0, %mul3A_178 : i32
    %add3A_180 = arith.addi %mul3A_179, %mul3A_177 : i32
    "tpu.region"() ({
      %run_scoped3A_181 = tpu.sem_alloc : memref<!tpu.dma_semaphore, #tpu.memory_space<semaphore_mem>>
      %dma_start3A_182 = tpu.memref_slice %arg6[%add3A_180] : memref<20480xf32, #tpu.memory_space<hbm>> -> memref<640xf32, #tpu.memory_space<hbm>>
      %dma_start3A_183 = tpu.memref_slice %arg16[%mul3A_177] : memref<10240xf32, #tpu.memory_space<vmem_shared>> -> memref<640xf32, #tpu.memory_space<vmem_shared>>
      tpu.enqueue_dma source(%dma_start3A_183 : memref<640xf32, #tpu.memory_space<vmem_shared>>) target(%dma_start3A_182 : memref<640xf32, #tpu.memory_space<hbm>>) target_semaphore(%run_scoped3A_181 : memref<!tpu.dma_semaphore, #tpu.memory_space<semaphore_mem>>)
      %dma_wait3A_184 = tpu.memref_slice %arg6[%add3A_180] : memref<20480xf32, #tpu.memory_space<hbm>> -> memref<640xf32, #tpu.memory_space<hbm>>
      %dma_wait3A_185 = tpu.memref_slice %arg16[%mul3A_177] : memref<10240xf32, #tpu.memory_space<vmem_shared>> -> memref<640xf32, #tpu.memory_space<vmem_shared>>
      tpu.wait_dma2 semaphore(%run_scoped3A_181 : memref<!tpu.dma_semaphore, #tpu.memory_space<semaphore_mem>>) src(%dma_wait3A_185 : memref<640xf32, #tpu.memory_space<vmem_shared>>) dst(%dma_wait3A_184 : memref<640xf32, #tpu.memory_space<hbm>>)
      tpu.yield
    }) : () -> ()
    return
  }
}

module attributes {stable_mosaic.version = 14 : i64} {
  func.func @_k1_body(%arg0: i32, %arg1: memref<2000x256xf32, #tpu.memory_space<vmem>>, %arg2: memref<256x256xf32, #tpu.memory_space<vmem>>, %arg3: memref<2000x256xf32, #tpu.memory_space<vmem>>) attributes {dimension_semantics = [#tpu.dimension_semantics<arbitrary>], iteration_bounds = array<i64: 5>, scalar_prefetch = 0 : i64, scratch_operands = 0 : i64, tpu.core_type = #tpu.core_type<tc>, window_params = [{transform_indices = @transform_0, window_bounds = array<i64: 2000, 256>}, {pipeline_mode = #tpu.pipeline_mode<synchronous>, transform_indices = @transform_1, window_bounds = array<i64: 256, 256>}, {transform_indices = @transform_2, window_bounds = array<i64: 2000, 256>}]} {
    %get3A = arith.constant 0 : index
    %get3A_0 = arith.constant 0 : index
    %get3A_1 = vector.load %arg1[%get3A, %get3A_0] : memref<2000x256xf32, #tpu.memory_space<vmem>>, vector<2000x256xf32>
    %get3A_2 = arith.constant 0 : index
    %get3A_3 = arith.constant 0 : index
    %get3A_4 = vector.load %arg2[%get3A_2, %get3A_3] : memref<256x256xf32, #tpu.memory_space<vmem>>, vector<256x256xf32>
    %dot_general3A = arith.constant dense<0.000000e+00> : vector<2000x256xf32>
    %dot_general3A_5 = tpu.matmul %get3A_1, %get3A_4, %dot_general3A {dimension_numbers = #tpu.dot_dimension_numbers<[1], [0], [0], [1], [0, 0, 1, 1], [], []>, transpose_lhs_hint = false} : vector<2000x256xf32>, vector<256x256xf32>, vector<2000x256xf32> -> vector<2000x256xf32>
    %swap3A = arith.constant 0 : index
    %swap3A_6 = arith.constant 0 : index
    %swap3A_7 = vector.load %arg3[%swap3A, %swap3A_6] : memref<2000x256xf32, #tpu.memory_space<vmem>>, vector<2000x256xf32>
    tpu.vector_store %arg3[%swap3A, %swap3A_6], %dot_general3A_5 {strides = array<i32>} : memref<2000x256xf32, #tpu.memory_space<vmem>>, vector<2000x256xf32>,
    return
  }
  func.func @transform_0(%arg0: i32) -> (i32, i32) {
    %c0_i32 = arith.constant 0 : i32
    %c0_i32_0 = arith.constant 0 : i32
    return %arg0, %c0_i32 : i32, i32
  }
  func.func @transform_1(%arg0: i32) -> (i32, i32) {
    %c0_i32 = arith.constant 0 : i32
    %c0_i32_0 = arith.constant 0 : i32
    %c0_i32_1 = arith.constant 0 : i32
    return %c0_i32, %c0_i32_0 : i32, i32
  }
  func.func @transform_2(%arg0: i32) -> (i32, i32) {
    %c0_i32 = arith.constant 0 : i32
    %c0_i32_0 = arith.constant 0 : i32
    return %arg0, %c0_i32 : i32, i32
  }
}

module attributes {stable_mosaic.version = 14 : i64} {
  func.func @_k2_body(%arg0: i32, %arg1: memref<2000x256xf32, #tpu.memory_space<vmem>>, %arg2: memref<2000x256xf32, #tpu.memory_space<vmem>>, %arg3: memref<2000x128xf32, #tpu.memory_space<vmem>>, %arg4: memref<2000x128xf32, #tpu.memory_space<vmem>>, %arg5: memref<2000x1xf32, #tpu.memory_space<vmem>>, %arg6: memref<2000x1xf32, #tpu.memory_space<vmem>>, %arg7: memref<256x256xf32, #tpu.memory_space<vmem>>, %arg8: memref<256x256xf32, #tpu.memory_space<vmem>>, %arg9: memref<1x256xf32, #tpu.memory_space<vmem>>, %arg10: memref<1x256xf32, #tpu.memory_space<vmem>>, %arg11: memref<2000x256xf32, #tpu.memory_space<vmem>>) attributes {dimension_semantics = [#tpu.dimension_semantics<arbitrary>], iteration_bounds = array<i64: 5>, scalar_prefetch = 0 : i64, scratch_operands = 0 : i64, tpu.core_type = #tpu.core_type<tc>, window_params = [{transform_indices = @transform_0, window_bounds = array<i64: 2000, 256>}, {transform_indices = @transform_1, window_bounds = array<i64: 2000, 256>}, {transform_indices = @transform_2, window_bounds = array<i64: 2000, 128>}, {transform_indices = @transform_3, window_bounds = array<i64: 2000, 128>}, {transform_indices = @transform_4, window_bounds = array<i64: 2000, 1>}, {transform_indices = @transform_5, window_bounds = array<i64: 2000, 1>}, {pipeline_mode = #tpu.pipeline_mode<synchronous>, transform_indices = @transform_6, window_bounds = array<i64: 256, 256>}, {pipeline_mode = #tpu.pipeline_mode<synchronous>, transform_indices = @transform_7, window_bounds = array<i64: 256, 256>}, {pipeline_mode = #tpu.pipeline_mode<synchronous>, transform_indices = @transform_8, window_bounds = array<i64: 1, 256>}, {pipeline_mode = #tpu.pipeline_mode<synchronous>, transform_indices = @transform_9, window_bounds = array<i64: 1, 256>}, {transform_indices = @transform_10, window_bounds = array<i64: 2000, 256>}]} {
    %get3A = arith.constant 0 : index
    %get3A_0 = arith.constant 0 : index
    %get3A_1 = vector.load %arg5[%get3A, %get3A_0] : memref<2000x1xf32, #tpu.memory_space<vmem>>, vector<2000x1xf32>
    %get3A_2 = arith.constant 0 : index
    %get3A_3 = arith.constant 0 : index
    %get3A_4 = vector.load %arg6[%get3A_2, %get3A_3] : memref<2000x1xf32, #tpu.memory_space<vmem>>, vector<2000x1xf32>
    %add3A = arith.addf %get3A_1, %get3A_4 : vector<2000x1xf32>
    %add3A_5 = arith.constant 1.000000e+00 : f32
    %add3A_6 = vector.broadcast %add3A_5 : f32 to vector<2000x1xf32>
    %add3A_7 = arith.addf %add3A, %add3A_6 : vector<2000x1xf32>
    %div3A = arith.constant 1.000000e+00 : f32
    %div3A_8 = vector.broadcast %div3A : f32 to vector<2000x1xf32>
    %div3A_9 = arith.divf %div3A_8, %add3A_7 : vector<2000x1xf32>
    %get3A_10 = arith.constant 0 : index
    %get3A_11 = arith.constant 0 : index
    %get3A_12 = vector.load %arg3[%get3A_10, %get3A_11] : memref<2000x128xf32, #tpu.memory_space<vmem>>, vector<2000x128xf32>
    %get3A_13 = arith.constant 0 : index
    %get3A_14 = arith.constant 0 : index
    %get3A_15 = vector.load %arg4[%get3A_13, %get3A_14] : memref<2000x128xf32, #tpu.memory_space<vmem>>, vector<2000x128xf32>
    %concatenate3A = tpu.concatenate %get3A_12, %get3A_15 in 1 : vector<2000x128xf32>, vector<2000x128xf32> -> vector<2000x256xf32>
    %get3A_16 = arith.constant 0 : index
    %get3A_17 = arith.constant 0 : index
    %get3A_18 = vector.load %arg2[%get3A_16, %get3A_17] : memref<2000x256xf32, #tpu.memory_space<vmem>>, vector<2000x256xf32>
    %add3A_19 = arith.addf %concatenate3A, %get3A_18 : vector<2000x256xf32>
    %mul3A = vector.broadcast %div3A_9 : vector<2000x1xf32> to vector<2000x256xf32>
    %mul3A_20 = arith.mulf %add3A_19, %mul3A : vector<2000x256xf32>
    %get3A_21 = arith.constant 0 : index
    %get3A_22 = arith.constant 0 : index
    %get3A_23 = vector.load %arg1[%get3A_21, %get3A_22] : memref<2000x256xf32, #tpu.memory_space<vmem>>, vector<2000x256xf32>
    %get3A_24 = arith.constant 0 : index
    %get3A_25 = arith.constant 0 : index
    %get3A_26 = vector.load %arg7[%get3A_24, %get3A_25] : memref<256x256xf32, #tpu.memory_space<vmem>>, vector<256x256xf32>
    %dot_general3A = arith.constant dense<0.000000e+00> : vector<2000x256xf32>
    %dot_general3A_27 = tpu.matmul %mul3A_20, %get3A_26, %dot_general3A {dimension_numbers = #tpu.dot_dimension_numbers<[1], [0], [0], [1], [0, 0, 1, 1], [], []>, transpose_lhs_hint = false} : vector<2000x256xf32>, vector<256x256xf32>, vector<2000x256xf32> -> vector<2000x256xf32>
    %add3A_28 = arith.addf %get3A_23, %dot_general3A_27 : vector<2000x256xf32>
    %get3A_29 = arith.constant 0 : index
    %get3A_30 = arith.constant 0 : index
    %get3A_31 = vector.load %arg8[%get3A_29, %get3A_30] : memref<256x256xf32, #tpu.memory_space<vmem>>, vector<256x256xf32>
    %dot_general3A_32 = arith.constant dense<0.000000e+00> : vector<2000x256xf32>
    %dot_general3A_33 = tpu.matmul %add3A_28, %get3A_31, %dot_general3A_32 {dimension_numbers = #tpu.dot_dimension_numbers<[1], [0], [0], [1], [0, 0, 1, 1], [], []>, transpose_lhs_hint = false} : vector<2000x256xf32>, vector<256x256xf32>, vector<2000x256xf32> -> vector<2000x256xf32>
    %max3A = arith.constant 0.000000e+00 : f32
    %max3A_34 = vector.broadcast %max3A : f32 to vector<2000x256xf32>
    %max3A_35 = arith.maximumf %dot_general3A_33, %max3A_34 : vector<2000x256xf32>
    %get3A_36 = arith.constant 0 : index
    %get3A_37 = arith.constant 0 : index
    %get3A_38 = vector.load %arg9[%get3A_36, %get3A_37] : memref<1x256xf32, #tpu.memory_space<vmem>>, vector<1x256xf32>
    %mul3A_39 = vector.broadcast %get3A_38 : vector<1x256xf32> to vector<2000x256xf32>
    %mul3A_40 = arith.mulf %max3A_35, %mul3A_39 : vector<2000x256xf32>
    %get3A_41 = arith.constant 0 : index
    %get3A_42 = arith.constant 0 : index
    %get3A_43 = vector.load %arg10[%get3A_41, %get3A_42] : memref<1x256xf32, #tpu.memory_space<vmem>>, vector<1x256xf32>
    %add3A_44 = vector.broadcast %get3A_43 : vector<1x256xf32> to vector<2000x256xf32>
    %add3A_45 = arith.addf %mul3A_40, %add3A_44 : vector<2000x256xf32>
    %swap3A = arith.constant 0 : index
    %swap3A_46 = arith.constant 0 : index
    %swap3A_47 = vector.load %arg11[%swap3A, %swap3A_46] : memref<2000x256xf32, #tpu.memory_space<vmem>>, vector<2000x256xf32>
    tpu.vector_store %arg11[%swap3A, %swap3A_46], %add3A_45 {strides = array<i32>} : memref<2000x256xf32, #tpu.memory_space<vmem>>, vector<2000x256xf32>,
    return
  }
  func.func @transform_0(%arg0: i32) -> (i32, i32) {
    %c0_i32 = arith.constant 0 : i32
    %c0_i32_0 = arith.constant 0 : i32
    return %arg0, %c0_i32 : i32, i32
  }
  func.func @transform_1(%arg0: i32) -> (i32, i32) {
    %c0_i32 = arith.constant 0 : i32
    %c0_i32_0 = arith.constant 0 : i32
    return %arg0, %c0_i32 : i32, i32
  }
  func.func @transform_2(%arg0: i32) -> (i32, i32) {
    %c0_i32 = arith.constant 0 : i32
    %c0_i32_0 = arith.constant 0 : i32
    return %arg0, %c0_i32 : i32, i32
  }
  func.func @transform_3(%arg0: i32) -> (i32, i32) {
    %c0_i32 = arith.constant 0 : i32
    %c0_i32_0 = arith.constant 0 : i32
    return %arg0, %c0_i32 : i32, i32
  }
  func.func @transform_4(%arg0: i32) -> (i32, i32) {
    %c0_i32 = arith.constant 0 : i32
    %c0_i32_0 = arith.constant 0 : i32
    return %arg0, %c0_i32 : i32, i32
  }
  func.func @transform_5(%arg0: i32) -> (i32, i32) {
    %c0_i32 = arith.constant 0 : i32
    %c0_i32_0 = arith.constant 0 : i32
    return %arg0, %c0_i32 : i32, i32
  }
  func.func @transform_6(%arg0: i32) -> (i32, i32) {
    %c0_i32 = arith.constant 0 : i32
    %c0_i32_0 = arith.constant 0 : i32
    %c0_i32_1 = arith.constant 0 : i32
    return %c0_i32, %c0_i32_0 : i32, i32
  }
  func.func @transform_7(%arg0: i32) -> (i32, i32) {
    %c0_i32 = arith.constant 0 : i32
    %c0_i32_0 = arith.constant 0 : i32
    %c0_i32_1 = arith.constant 0 : i32
    return %c0_i32, %c0_i32_0 : i32, i32
  }
  func.func @transform_8(%arg0: i32) -> (i32, i32) {
    %c0_i32 = arith.constant 0 : i32
    %c0_i32_0 = arith.constant 0 : i32
    %c0_i32_1 = arith.constant 0 : i32
    return %c0_i32, %c0_i32_0 : i32, i32
  }
  func.func @transform_9(%arg0: i32) -> (i32, i32) {
    %c0_i32 = arith.constant 0 : i32
    %c0_i32_0 = arith.constant 0 : i32
    %c0_i32_1 = arith.constant 0 : i32
    return %c0_i32, %c0_i32_0 : i32, i32
  }
  func.func @transform_10(%arg0: i32) -> (i32, i32) {
    %c0_i32 = arith.constant 0 : i32
    %c0_i32_0 = arith.constant 0 : i32
    return %arg0, %c0_i32 : i32, i32
  }
}

module attributes {stable_mosaic.version = 14 : i64} {
  func.func @_k3_body(%arg0: i32, %arg1: memref<2000x256xf32, #tpu.memory_space<vmem>>, %arg2: memref<2000x128xf32, #tpu.memory_space<vmem>>, %arg3: memref<2000x128xf32, #tpu.memory_space<vmem>>, %arg4: memref<2000x1xf32, #tpu.memory_space<vmem>>, %arg5: memref<2000x1xf32, #tpu.memory_space<vmem>>, %arg6: memref<256x256xf32, #tpu.memory_space<vmem>>, %arg7: memref<256x128xf32, #tpu.memory_space<vmem>>, %arg8: memref<256x128xf32, #tpu.memory_space<vmem>>, %arg9: memref<1x128xf32, #tpu.memory_space<vmem>>, %arg10: memref<1x256xf32, #tpu.memory_space<vmem>>, %arg11: memref<1x256xf32, #tpu.memory_space<vmem>>, %arg12: memref<2000x128xf32, #tpu.memory_space<vmem>>) attributes {dimension_semantics = [#tpu.dimension_semantics<arbitrary>], iteration_bounds = array<i64: 5>, scalar_prefetch = 0 : i64, scratch_operands = 0 : i64, tpu.core_type = #tpu.core_type<tc>, window_params = [{transform_indices = @transform_0, window_bounds = array<i64: 2000, 256>}, {transform_indices = @transform_1, window_bounds = array<i64: 2000, 128>}, {transform_indices = @transform_2, window_bounds = array<i64: 2000, 128>}, {transform_indices = @transform_3, window_bounds = array<i64: 2000, 1>}, {transform_indices = @transform_4, window_bounds = array<i64: 2000, 1>}, {pipeline_mode = #tpu.pipeline_mode<synchronous>, transform_indices = @transform_5, window_bounds = array<i64: 256, 256>}, {pipeline_mode = #tpu.pipeline_mode<synchronous>, transform_indices = @transform_6, window_bounds = array<i64: 256, 128>}, {pipeline_mode = #tpu.pipeline_mode<synchronous>, transform_indices = @transform_7, window_bounds = array<i64: 256, 128>}, {pipeline_mode = #tpu.pipeline_mode<synchronous>, transform_indices = @transform_8, window_bounds = array<i64: 1, 128>}, {pipeline_mode = #tpu.pipeline_mode<synchronous>, transform_indices = @transform_9, window_bounds = array<i64: 1, 256>}, {pipeline_mode = #tpu.pipeline_mode<synchronous>, transform_indices = @transform_10, window_bounds = array<i64: 1, 256>}, {transform_indices = @transform_11, window_bounds = array<i64: 2000, 128>}]} {
    %get3A = arith.constant 0 : index
    %get3A_0 = arith.constant 0 : index
    %get3A_1 = vector.load %arg4[%get3A, %get3A_0] : memref<2000x1xf32, #tpu.memory_space<vmem>>, vector<2000x1xf32>
    %get3A_2 = arith.constant 0 : index
    %get3A_3 = arith.constant 0 : index
    %get3A_4 = vector.load %arg5[%get3A_2, %get3A_3] : memref<2000x1xf32, #tpu.memory_space<vmem>>, vector<2000x1xf32>
    %add3A = arith.addf %get3A_1, %get3A_4 : vector<2000x1xf32>
    %add3A_5 = arith.constant 1.000000e+00 : f32
    %add3A_6 = vector.broadcast %add3A_5 : f32 to vector<2000x1xf32>
    %add3A_7 = arith.addf %add3A, %add3A_6 : vector<2000x1xf32>
    %div3A = arith.constant 1.000000e+00 : f32
    %div3A_8 = vector.broadcast %div3A : f32 to vector<2000x1xf32>
    %div3A_9 = arith.divf %div3A_8, %add3A_7 : vector<2000x1xf32>
    %get3A_10 = arith.constant 0 : index
    %get3A_11 = arith.constant 0 : index
    %get3A_12 = vector.load %arg1[%get3A_10, %get3A_11] : memref<2000x256xf32, #tpu.memory_space<vmem>>, vector<2000x256xf32>
    %get3A_13 = arith.constant 0 : index
    %get3A_14 = arith.constant 0 : index
    %get3A_15 = vector.load %arg2[%get3A_13, %get3A_14] : memref<2000x128xf32, #tpu.memory_space<vmem>>, vector<2000x128xf32>
    %get3A_16 = arith.constant 0 : index
    %get3A_17 = arith.constant 0 : index
    %get3A_18 = vector.load %arg3[%get3A_16, %get3A_17] : memref<2000x128xf32, #tpu.memory_space<vmem>>, vector<2000x128xf32>
    %concatenate3A = tpu.concatenate %get3A_15, %get3A_18 in 1 : vector<2000x128xf32>, vector<2000x128xf32> -> vector<2000x256xf32>
    %add3A_19 = arith.addf %concatenate3A, %get3A_12 : vector<2000x256xf32>
    %mul3A = vector.broadcast %div3A_9 : vector<2000x1xf32> to vector<2000x256xf32>
    %mul3A_20 = arith.mulf %add3A_19, %mul3A : vector<2000x256xf32>
    %get3A_21 = arith.constant 0 : index
    %get3A_22 = arith.constant 0 : index
    %get3A_23 = vector.load %arg6[%get3A_21, %get3A_22] : memref<256x256xf32, #tpu.memory_space<vmem>>, vector<256x256xf32>
    %dot_general3A = arith.constant dense<0.000000e+00> : vector<2000x256xf32>
    %dot_general3A_24 = tpu.matmul %mul3A_20, %get3A_23, %dot_general3A {dimension_numbers = #tpu.dot_dimension_numbers<[1], [0], [0], [1], [0, 0, 1, 1], [], []>, transpose_lhs_hint = false} : vector<2000x256xf32>, vector<256x256xf32>, vector<2000x256xf32> -> vector<2000x256xf32>
    %max3A = arith.constant 0.000000e+00 : f32
    %max3A_25 = vector.broadcast %max3A : f32 to vector<2000x256xf32>
    %max3A_26 = arith.maximumf %dot_general3A_24, %max3A_25 : vector<2000x256xf32>
    %get3A_27 = arith.constant 0 : index
    %get3A_28 = arith.constant 0 : index
    %get3A_29 = vector.load %arg10[%get3A_27, %get3A_28] : memref<1x256xf32, #tpu.memory_space<vmem>>, vector<1x256xf32>
    %mul3A_30 = vector.broadcast %get3A_29 : vector<1x256xf32> to vector<2000x256xf32>
    %mul3A_31 = arith.mulf %max3A_26, %mul3A_30 : vector<2000x256xf32>
    %get3A_32 = arith.constant 0 : index
    %get3A_33 = arith.constant 0 : index
    %get3A_34 = vector.load %arg11[%get3A_32, %get3A_33] : memref<1x256xf32, #tpu.memory_space<vmem>>, vector<1x256xf32>
    %add3A_35 = vector.broadcast %get3A_34 : vector<1x256xf32> to vector<2000x256xf32>
    %add3A_36 = arith.addf %mul3A_31, %add3A_35 : vector<2000x256xf32>
    %get3A_37 = arith.constant 0 : index
    %get3A_38 = arith.constant 0 : index
    %get3A_39 = vector.load %arg7[%get3A_37, %get3A_38] : memref<256x128xf32, #tpu.memory_space<vmem>>, vector<256x128xf32>
    %dot_general3A_40 = arith.constant dense<0.000000e+00> : vector<2000x128xf32>
    %dot_general3A_41 = tpu.matmul %get3A_12, %get3A_39, %dot_general3A_40 {dimension_numbers = #tpu.dot_dimension_numbers<[1], [0], [0], [1], [0, 0, 1, 1], [], []>, transpose_lhs_hint = false} : vector<2000x256xf32>, vector<256x128xf32>, vector<2000x128xf32> -> vector<2000x128xf32>
    %get3A_42 = arith.constant 0 : index
    %get3A_43 = arith.constant 0 : index
    %get3A_44 = vector.load %arg8[%get3A_42, %get3A_43] : memref<256x128xf32, #tpu.memory_space<vmem>>, vector<256x128xf32>
    %dot_general3A_45 = arith.constant dense<0.000000e+00> : vector<2000x128xf32>
    %dot_general3A_46 = tpu.matmul %add3A_36, %get3A_44, %dot_general3A_45 {dimension_numbers = #tpu.dot_dimension_numbers<[1], [0], [0], [1], [0, 0, 1, 1], [], []>, transpose_lhs_hint = false} : vector<2000x256xf32>, vector<256x128xf32>, vector<2000x128xf32> -> vector<2000x128xf32>
    %add3A_47 = arith.addf %dot_general3A_41, %dot_general3A_46 : vector<2000x128xf32>
    %get3A_48 = arith.constant 0 : index
    %get3A_49 = arith.constant 0 : index
    %get3A_50 = vector.load %arg9[%get3A_48, %get3A_49] : memref<1x128xf32, #tpu.memory_space<vmem>>, vector<1x128xf32>
    %add3A_51 = vector.broadcast %get3A_50 : vector<1x128xf32> to vector<2000x128xf32>
    %add3A_52 = arith.addf %add3A_47, %add3A_51 : vector<2000x128xf32>
    %iota3A = tpu.iota {dimensions = array<i32: 1>} : vector<2000x128xi32>
    %lt3A = arith.constant 40 : i32
    %lt3A_53 = vector.broadcast %lt3A : i32 to vector<2000x128xi32>
    %lt3A_54 = arith.cmpi slt, %iota3A, %lt3A_53 : vector<2000x128xi32>
    %jit3A = arith.constant -1.000000e+30 : f32
    %broadcast_in_dim3A = vector.broadcast %jit3A : f32 to vector<2000x128xf32>
    %select_n3A = arith.select %lt3A_54, %add3A_52, %broadcast_in_dim3A : vector<2000x128xi1>, vector<2000x128xf32>
    %reduce_max3A = arith.constant dense<0xFF800000> : vector<2000xf32>
    %reduce_max3A_55 = vector.multi_reduction <maximumf>, %select_n3A, %reduce_max3A [1] : vector<2000x128xf32> to vector<2000xf32>
    %broadcast_in_dim3A_56 = vector.shape_cast %reduce_max3A_55 : vector<2000xf32> to vector<2000x1xf32>
    %sub3A = vector.broadcast %broadcast_in_dim3A_56 : vector<2000x1xf32> to vector<2000x128xf32>
    %sub3A_57 = arith.subf %select_n3A, %sub3A : vector<2000x128xf32>
    %exp3A = math.exp %sub3A_57 : vector<2000x128xf32>
    %jit3A_58 = arith.constant 0.000000e+00 : f32
    %broadcast_in_dim3A_59 = vector.broadcast %jit3A_58 : f32 to vector<2000x128xf32>
    %select_n3A_60 = arith.select %lt3A_54, %exp3A, %broadcast_in_dim3A_59 : vector<2000x128xi1>, vector<2000x128xf32>
    %reduce_sum3A = arith.constant dense<0.000000e+00> : vector<2000xf32>
    %reduce_sum3A_61 = vector.multi_reduction <add>, %select_n3A_60, %reduce_sum3A [1] : vector<2000x128xf32> to vector<2000xf32>
    %broadcast_in_dim3A_62 = vector.shape_cast %reduce_sum3A_61 : vector<2000xf32> to vector<2000x1xf32>
    %log3A = math.log %broadcast_in_dim3A_62 : vector<2000x1xf32>
    %sub3A_63 = vector.broadcast %broadcast_in_dim3A_56 : vector<2000x1xf32> to vector<2000x128xf32>
    %sub3A_64 = arith.subf %select_n3A, %sub3A_63 : vector<2000x128xf32>
    %sub3A_65 = vector.broadcast %log3A : vector<2000x1xf32> to vector<2000x128xf32>
    %sub3A_66 = arith.subf %sub3A_64, %sub3A_65 : vector<2000x128xf32>
    %swap3A = arith.constant 0 : index
    %swap3A_67 = arith.constant 0 : index
    %swap3A_68 = vector.load %arg12[%swap3A, %swap3A_67] : memref<2000x128xf32, #tpu.memory_space<vmem>>, vector<2000x128xf32>
    tpu.vector_store %arg12[%swap3A, %swap3A_67], %sub3A_66 {strides = array<i32>} : memref<2000x128xf32, #tpu.memory_space<vmem>>, vector<2000x128xf32>,
    return
  }
  func.func @transform_0(%arg0: i32) -> (i32, i32) {
    %c0_i32 = arith.constant 0 : i32
    %c0_i32_0 = arith.constant 0 : i32
    return %arg0, %c0_i32 : i32, i32
  }
  func.func @transform_1(%arg0: i32) -> (i32, i32) {
    %c0_i32 = arith.constant 0 : i32
    %c0_i32_0 = arith.constant 0 : i32
    return %arg0, %c0_i32 : i32, i32
  }
  func.func @transform_2(%arg0: i32) -> (i32, i32) {
    %c0_i32 = arith.constant 0 : i32
    %c0_i32_0 = arith.constant 0 : i32
    return %arg0, %c0_i32 : i32, i32
  }
  func.func @transform_3(%arg0: i32) -> (i32, i32) {
    %c0_i32 = arith.constant 0 : i32
    %c0_i32_0 = arith.constant 0 : i32
    return %arg0, %c0_i32 : i32, i32
  }
  func.func @transform_4(%arg0: i32) -> (i32, i32) {
    %c0_i32 = arith.constant 0 : i32
    %c0_i32_0 = arith.constant 0 : i32
    return %arg0, %c0_i32 : i32, i32
  }
  func.func @transform_5(%arg0: i32) -> (i32, i32) {
    %c0_i32 = arith.constant 0 : i32
    %c0_i32_0 = arith.constant 0 : i32
    %c0_i32_1 = arith.constant 0 : i32
    return %c0_i32, %c0_i32_0 : i32, i32
  }
  func.func @transform_6(%arg0: i32) -> (i32, i32) {
    %c0_i32 = arith.constant 0 : i32
    %c0_i32_0 = arith.constant 0 : i32
    %c0_i32_1 = arith.constant 0 : i32
    return %c0_i32, %c0_i32_0 : i32, i32
  }
  func.func @transform_7(%arg0: i32) -> (i32, i32) {
    %c0_i32 = arith.constant 0 : i32
    %c0_i32_0 = arith.constant 0 : i32
    %c0_i32_1 = arith.constant 0 : i32
    return %c0_i32, %c0_i32_0 : i32, i32
  }
  func.func @transform_8(%arg0: i32) -> (i32, i32) {
    %c0_i32 = arith.constant 0 : i32
    %c0_i32_0 = arith.constant 0 : i32
    %c0_i32_1 = arith.constant 0 : i32
    return %c0_i32, %c0_i32_0 : i32, i32
  }
  func.func @transform_9(%arg0: i32) -> (i32, i32) {
    %c0_i32 = arith.constant 0 : i32
    %c0_i32_0 = arith.constant 0 : i32
    %c0_i32_1 = arith.constant 0 : i32
    return %c0_i32, %c0_i32_0 : i32, i32
  }
  func.func @transform_10(%arg0: i32) -> (i32, i32) {
    %c0_i32 = arith.constant 0 : i32
    %c0_i32_0 = arith.constant 0 : i32
    %c0_i32_1 = arith.constant 0 : i32
    return %c0_i32, %c0_i32_0 : i32, i32
  }
  func.func @transform_11(%arg0: i32) -> (i32, i32) {
    %c0_i32 = arith.constant 0 : i32
    %c0_i32_0 = arith.constant 0 : i32
    return %arg0, %c0_i32 : i32, i32
  }
}

</mosaic_0001>

<sc_bundles>
// kernel: kernel.10.cloned.1.call-start
scs
__scs_entry_jumppad:
0x0: {  	(pc) =	sbr.rel $0x88, $3  }
0x1: {  	(tag) =	ssettag $0x0;
	lr =	simm.s32 $0x1  }
0x2: {  	[smem:$0x3F91] =	sst lr;
	_ =	strace $0xD0000000  }
0x3: {  	_ = 	snop  }
0x4: {  	_ = 	snop  }
0x5: {  	_ = 	snop  }
0x6: {  	_ = 	snop  }
0x7: {  	_ = 	snop  }
__scs_overlays_trampoline_lowered:
0x8: {  	[smem:$0x3FA0] =	sst s0  }
0x9: {  	[smem:$0x3FA1] =	sst s1  }
0xa: {  	[smem:$0x3FA2] =	sst s2  }
0xb: {  	[smem:$0x3FA3] =	sst s3  }
0xc: {  	[smem:$0x3FA4] =	sst s4  }
0xd: {  	[smem:$0x3FA5] =	sst s5  }
0xe: {  	[smem:$0x3FA6] =	sst s6  }
0xf: {  	[smem:$0x3FA7] =	sst s7  }
0x10: {  	[smem:$0x3FA8] =	sst s8  }
0x11: {  	[smem:$0x3FA9] =	sst s9;
	s0 =	simm.s32 @!p0 $0x0  }
0x12: {  	s1 =	sld [smem:$0x3F8F];
	s0 =	simm.s32 @p0 $0x1  }
0x13: {  	[smem:$0x3FAA] =	sst s0;
	s0 =	simm.s32 @!p1 $0x0  }
0x14: {  	s2 =	sld [smem:$0x3F8E];
	s0 =	simm.s32 @p1 $0x1  }
0x15: {  	[smem:$0x3FAB] =	sst s0;
	s0 =	simm.s32 @!p2 $0x0  }
0x16: {  	s3 =	sld [smem:$0x3FDB];
	s0 =	simm.s32 @p2 $0x1  }
0x17: {  	s4 =	simm.s32 $0x1BF5;
	[smem:$0x3FAD] =	sst s0  }
0x18: {  	s0 =	sld [smem:$0x3F90];
	_ =	swait.ge [sflag:s4], $0x0  }
0x19: {  	s7 =	sld [smem:$0x3F91]  }
0x1a: {  	s8 =	sadd.s32 $0xFFFFE003, lr  }
0x1b: {  	s9 =	sadd.s32 $0xFFFFFEF7, lr;
	s5 =	simm.s32 $0xFFFFFFFF;
	p2 =	slt.u32 s8, $0xFFFFF086  }
0x1c: {  	p1 =	slt.u32 s9, $0xF7A;
	s5 =	simm.s32 @!p2 $0x0  }
0x1d: {  	s5 =	simm.s32 @p1 $0x1;
	p0 =	seq.s32 s7, s2  }
0x1e: {  	s7 =	smul.u32 @!p0 $0xF7A, s2;
	p2 =	seq.s32 @!p0 s5, $0x0  }
0x1f: {  	s9 =	smul.u32 $0xF7A, s1;
	s8 =	simm.s32 @!p0 $0x1BF5;
	p2 =	por !p2, p0  }
0x20: {  	[sflag:s8] =	ssyncset.s32 @!p0 $0xFFFFF086;
	s6 =	sadd.s32 @!p0 s3, s7;
	s7 =	simm.s32 @!p0 $0x108  }
0x21: {  	s3 =	sadd.s32 s3, s9;
	s6 =	sadd.s32 @!p0 $0x88, s6;
	s7 =	simm.s32 @p2 $0x1082  }
0x22: {  	[simem:s7], [sflag:s8] =	dma.local @!p0 [hbm:s6], $0xF7A  }
0x23: {  	s9 =	sor.u32 $0xD0000000, s2;
	s6 =	simm.s32 $0x108;
	_ =	swait.ge @!p0 [sflag:s8], $0x0  }
0x24: {  	s3 =	sadd.s32 $0x88, s3;
	s6 =	simm.s32 @!p1 $0x1082;
	[sflag:s4] =	ssyncset.s32 $0xFFFFF086  }
0x25: {  	[simem:s6], [sflag:s4] =	dma.local [hbm:s3], $0xF7A  }
0x26: {  	[smem:$0x3F91] =	sst s1;
	(tag) =	ssettag s2;
	_ =	strace s9  }
0x27: {  	s1 =	sld [smem:$0x3FA1]  }
0x28: {  	s2 =	sld [smem:$0x3FA2]  }
0x29: {  	s4 =	sld [smem:$0x3FA4]  }
0x2a: {  	p0 =	seq.s32 s5, $0x0;
	s5 =	sld [smem:$0x3FA5]  }
0x2b: {  	s6 =	sld [smem:$0x3FA6]  }
0x2c: {  	s7 =	sld [smem:$0x3FA7]  }
0x2d: {  	s3 =	simm.s32 $0x108;
	s8 =	sld [smem:$0x3FA8]  }
0x2e: {  	s3 =	simm.s32 @!p0 $0x1082;
	s9 =	sld [smem:$0x3FA9]  }
0x2f: {  	lr =	sadd.s32 s0, s3;
	s0 =	sld [smem:$0x3FA0]  }
0x30: {  	s3 =	sld [smem:$0x3FA3]  }
0x31: {  	[smem:$0x3FAC] =	sst s10  }
0x32: {  	s10 =	sld [smem:$0x3FAA];
	_ =	sdelay $0x3  }
0x33: {  	p0 =	seq.s32 s10, $0x1;
	s10 =	sld [smem:$0x3FAC];
	_ =	sdelay $0x3  }
0x34: {  	[smem:$0x3FAC] =	sst s10  }
0x35: {  	s10 =	sld [smem:$0x3FAB];
	_ =	sdelay $0x3  }
0x36: {  	p1 =	seq.s32 s10, $0x1;
	s10 =	sld [smem:$0x3FAC];
	_ =	sdelay $0x3  }
0x37: {  	[smem:$0x3FAC] =	sst s10  }
0x38: {  	s10 =	sld [smem:$0x3FAD]  }
0x39: {  	_ = 	snop;
	(pc) =	sbr.ind lr, $3  }
0x3a: {  	_ = 	snop  }
0x3b: {  	_ = 	snop  }
0x3c: {  	p2 =	seq.s32 s10, $0x1;
	s10 =	sld [smem:$0x3FAC]  }
0x3d: {  	_ =	shalt  }
0x3e: {  	_ =	shalt  }
0x3f: {  	_ =	shalt  }
0x40: {  	_ =	shalt  }
0x41: {  	_ =	shalt  }
0x42: {  	_ =	shalt  }
0x43: {  	_ =	shalt  }
0x44: {  	_ =	shalt  }
0x45: {  	_ =	shalt  }
0x46: {  	_ =	shalt  }
0x47: {  	_ =	shalt  }
0x48: {  	_ =	shalt  }
0x49: {  	_ =	shalt  }
0x4a: {  	_ =	shalt  }
0x4b: {  	_ =	shalt  }
0x4c: {  	_ =	shalt  }
0x4d: {  	_ =	shalt  }
0x4e: {  	_ =	shalt  }
0x4f: {  	_ =	shalt  }
0x50: {  	_ =	shalt  }
0x51: {  	_ =	shalt  }
0x52: {  	_ =	shalt  }
0x53: {  	_ =	shalt  }
0x54: {  	_ =	shalt  }
0x55: {  	_ =	shalt  }
0x56: {  	_ =	shalt  }
0x57: {  	_ =	shalt  }
0x58: {  	_ =	shalt  }
0x59: {  	_ =	shalt  }
0x5a: {  	_ =	shalt  }
0x5b: {  	_ =	shalt  }
0x5c: {  	_ =	shalt  }
0x5d: {  	_ =	shalt  }
0x5e: {  	_ =	shalt  }
0x5f: {  	_ =	shalt  }
0x60: {  	_ =	shalt  }
0x61: {  	_ =	shalt  }
0x62: {  	_ =	shalt  }
0x63: {  	_ =	shalt  }
0x64: {  	_ =	shalt  }
0x65: {  	_ =	shalt  }
0x66: {  	_ =	shalt  }
0x67: {  	_ =	shalt  }
0x68: {  	_ =	shalt  }
0x69: {  	_ =	shalt  }
0x6a: {  	_ =	shalt  }
0x6b: {  	_ =	shalt  }
0x6c: {  	_ =	shalt  }
0x6d: {  	_ =	shalt  }
0x6e: {  	_ =	shalt  }
0x6f: {  	_ =	shalt  }
0x70: {  	_ =	shalt  }
0x71: {  	_ =	shalt  }
0x72: {  	_ =	shalt  }
0x73: {  	_ =	shalt  }
0x74: {  	_ =	shalt  }
0x75: {  	_ =	shalt  }
0x76: {  	_ =	shalt  }
0x77: {  	_ =	shalt  }
0x78: {  	_ =	shalt  }
0x79: {  	_ =	shalt  }
0x7a: {  	_ =	shalt  }
0x7b: {  	_ =	shalt  }
0x7c: {  	_ =	shalt  }
0x7d: {  	_ =	shalt  }
0x7e: {  	_ =	shalt  }
0x7f: {  	_ =	shalt  }
0x80: {  	_ =	shalt  }
0x81: {  	_ =	shalt  }
0x82: {  	_ =	shalt  }
0x83: {  	_ =	shalt  }
0x84: {  	_ =	shalt  }
0x85: {  	_ =	shalt  }
0x86: {  	_ =	shalt  }
0x87: {  	_ =	shalt  }
.Lfunc_end0:
.L_simem_size_0:
called_computation.1_lowered:
.L_overlay_start_0:
0x88: {  	s2 =	sld [smem:$0x3FD9]  }
0x89: {  	s3 =	sld [smem:$0x3FFE];
	_ =	sdelay $0x1  }
0x8a: {  	s1 =	srdreg.scid  }
0x8b: {  	s0 =	sand.u32 $0x1, s1  }
0x8c: {  	s17 =	sshll.u32 s0, $0xA;
	s2 =	sadd.s32 s3, s2  }
0x8d: {  	s2 =	sadd.s32 s2, s17  }
0x8e: {  	[smem:$0x3FB8] =	sst s2  }
0x8f: {  	_ = 	snop  }
0x90: {  	s2 =	sld [smem:$0x3FD0];
	(tm) =	ssettm $0x1  }
0x91: {  	s18 =	sld [smem:$0x3FFB];
	_ =	sdelay $0x3  }
0x92: {  	_ =	strace s18  }
0x93: {  	s3 =	sld [smem:$0x3FFC];
	_ =	sdelay $0x3  }
0x94: {  	_ =	strace s3  }
0x95: {  	s3 =	sld [smem:$0x3FFD];
	_ =	sdelay $0x3  }
0x96: {  	_ =	strace s3  }
0x97: {  	_ =	strace $0x8FFFFFFF  }
0x98: {  	s19 =	sld [smem:$0x3FDB];
	_ =	sdelay $0x1  }
0x99: {  	s4 =	simm.s32 $_scs_section_size  }
0x9a: {  	s5 =	simm.s32 $_size__tile_overlayer_lowered;
	s6 =	simm.s32 $_tile_overlayer_lowered  }
0x9b: {  	s22 =	simm.s32 $0x1BFF;
	s21 =	sshll.u32 s6, $0x1;
	s3 =	sadd.s32 s4, s19  }
0x9c: {  	s7 =	simm.s32 $0x0;
	s20 =	sshll.u32 s5, $0x1;
	s5 =	sadd.s32 s21, s3  }
0x9d: {  	[timem:s7], [sflag:s22] =	dma.local [hbm:s5], s20  }
0x9e: {  	_ =	swait.ge [sflag:s22], s20  }
0x9f: {  	s4 =	ssub.s32 $0x0, s20;
	[sflag:s22] =	ssyncset.done $0x0  }
0xa0: {  	[sflag:s22] =	ssyncadd.s32 s4;
	_ =	sdelay $0x1  }
0xa1: {  	s23 =	simm.s32 $0x1B8B  }
0xa2: {  	_ =	swait.ge [sflag:s23], $0x1  }
0xa3: {  	[sflag:s23] =	ssyncset.done $0x0  }
0xa4: {  	s25 =	simm.s32 $0x1B8E;
	s24 =	sld [smem:$0x3FFE];
	[sflag:s23] =	ssyncadd.s32 $0xFFFFFFFF  }
0xa5: {  	s26 =	simm.s32 $execute0_lowered;
	[smem:$0x3FD2] =	sst s25  }
0xa6: {  	s5 =	sshll.u32 s26, $0x1;
	_ =	strace $0x80000049;
	[dreg:$0x1] =	wrdreg $0xFFFFFFFF  }
0xa7: {  	s28 =	simm.s32 $_size_execute0_lowered;
	s3 =	sadd.s32 s3, s5;
	[dreg:$0x0] =	wrdreg $0x0  }
0xa8: {  	s5 =	sshll.u32 s28, $0x1;
	[dreg:$0x2] =	wrdreg s3  }
0xa9: {  	[dreg:$0x3] =	wrdreg s5  }
0xaa: {  	[dreg:$0x4] =	wrdreg $0xC0  }
0xab: {  	_ =	task [dreg:s7], $0x5FFFF  }
0xac: {  	[dreg:$0x1] =	wrdreg $0xFFFFFFFF  }
0xad: {  	[dreg:$0x0] =	wrdreg $0x60  }
0xae: {  	[dreg:$0x2] =	wrdreg s24  }
0xaf: {  	[dreg:$0x3] =	wrdreg s2  }
0xb0: {  	[dreg:$0x4] =	wrdreg $0xA8000  }
0xb1: {  	[dreg:$0x5] =	wrdreg $0x9  }
0xb2: {  	_ =	task.clear_ibuf [dreg:s7], $0x6FFFF;
	_ =	strace $0x90000049  }
0xb3: {  	s29 =	simm.s32 $0x9;
	_ =	strace $0x8000004B  }
0xb4: {  	_ =	swait.ge [sflag:s29], $0x1  }
0xb5: {  	[sflag:s29] =	ssyncadd.s32 $0xFFFFFFFF  }
0xb6: {  	_ =	strace $0x9000004B  }
0xb7: {  	_ =	sfence  }
0xb8: {  	s30 =	sld [smem:$0x0];
	_ =	sdelay $0x2  }
0xb9: {  	s31 =	sshll.u32 s1, $0xD;
	s1 =	sshrl.u32 s1, $0x2  }
0xba: {  	s3 =	sand.u32 $0x4000, s31;
	s1 =	sadd.s32 s1, s30  }
0xbb: {  	s0 =	sor.u32 s3, s0;
	s1 =	sshll.u32 s1, $0x11  }
0xbc: {  	s0 =	sor.u32 s1, s0  }
0xbd: {  	s0 =	sadd.s32 $0x8F2B, s0  }
0xbe: {  	[sflag:s0] =	ssyncadd.remote.s32 $0x1  }
0xbf: {  	_ =	sfence.sel $0xFFFF  }
0xc0: {  	[dreg:$0x0] =	wrdreg $0xFFFFFFFF;
	(pc) =	sbr.abs _section_cstart, $3  }
0xc1: {  	[dreg:$0x1] =	wrdreg $0xFFFFFFFF  }
0xc2: {  	_ =	task.clear_ibuf [dreg:s7], $0x2FFFF;
	_ =	strace $0x9FFFFFFF  }
0xc3: {  	(tm) =	ssettm $0x7FFFFFFF  }
tec
execute0_lowered:
.L_overlay_start_1:
0x0: {  	(tag) =	ssettag $0x1  }
0x1: {  	s6 =	rddreg [dreg:$0x0]  }
0x2: {  	s12 =	rddreg [dreg:$0x1];
	s0 =	srdreg.scid  }
0x3: {  	s2 =	rddreg [dreg:$0x2];
	s1 =	stileid.u32  }
0x4: {  	s3 =	simm.s32 $0x0;
	s19 =	simm.s32 $0x80;
	s20 =	simm.s32 $0x8080  }
0x5: {  	s21 =	simm.s32 $0x4000;
	s22 =	simm.s32 $0x1;
	s23 =	simm.s32 $0x2  }
0x6: {  	s24 =	simm.s32 $0xA700;
	s25 =	simm.s32 $0xA780;
	s7 =	smul.u32 $0x14000, s1  }
0x7: {  	s5 =	sand.u32 $0x1, s0;
	s0 =	rddreg [dreg:$0x3];
	s8 =	smul.u32 $0x50000, s1  }
0x8: {  	s26 =	simm.s32 $0x0;
	[smem:$0x7FF] =	sst s3;
	s14 =	smul.u32 $0x2800, s1  }
0x9: {  	s13 =	sadd.s32 $0x4000, s6;
	s4 =	smul.u32 $0x140000, s5;
	_ =	strace $0x8000004A  }
0xa: {  	s9 =	ssub.s32 $0x2, s5;
	s11 =	smul.u32 $0x28000, s5;
	s8 =	sshrl.u32 s8, $0x2  }
0xb: {  	s10 =	sshrl.u32 s9, $0x1;
	s17 =	sadd.s32 $0x1400, s14;
	s7 =	sadd.s32 s7, s4  }
0xc: {  	s4 =	sadd.s32 $0x7F200, s6;
	s5 =	sadd.s32 s8, s2;
	s16 =	ssub.s32 s9, s10  }
0xd: {  	s30 =	sadd.s32 s14, s11;
	s14 =	sshrl.u32 s14, $0x3;
	s18 =	sadd.s32 s11, s17  }
0xe: {  	s17 =	sshrl.u32 s17, $0x3;
	s7 =	sshrl.u32 s7, $0x3;
	s8 =	sadd.s32 $0xC000, s5  }
0xf: {  	s9 =	sadd.s32 $0x10000, s5;
	s10 =	sshrl.u32 s30, $0x3;
	s11 =	sadd.s32 s13, s14  }
0x10: {  	s31 =	sshrl.u32 s18, $0x3;
	s13 =	sadd.s32 s13, s17;
	s17 =	simm.s32 $0x8000  }
0x11: {  	s18 =	simm.s32 $0x9400;
	s15 =	sadd.s32 s7, s6;
	s6 =	sadd.s32 $0x4000, s5  }
0x12: {  	s7 =	sadd.s32 $0x8000, s5;
	s10 =	sadd.s32 s12, s10;
	s12 =	sadd.s32 s12, s31  }
0x13: {  	v0 =	vimm.f32 $0.0e+00;
	s14 =	sadd.s32 $0xCD400, s15;
	s15 =	smax.u32 s16, $0x1;
	s16 =	simm.s32 $0x3  }
.LBB2_1:
0x14: {  	s28 =	simm.s32 $0x0;
	s29 =	simm.s32 $0x200  }
.LBB2_2:
0x15: {  	p0 =	sne.s32 s29, $0xFE00;
	[tilespmem:s28+$0x70] =	vst v0  }
0x16: {  	[tilespmem:s28+$0x0] =	vst v0  }
0x17: {  	[tilespmem:s28+$0x10] =	vst v0  }
.Ltmp0:
0x18: {  	[tilespmem:s28+$0x20] =	vst v0;
	(pc) =	sbr.rel @p0 .LBB2_2-.Ltmp0, $4  }
0x19: {  	[tilespmem:s28+$0x30] =	vst v0  }
0x1a: {  	[tilespmem:s28+$0x40] =	vst v0  }
0x1b: {  	[tilespmem:s28+$0x50] =	vst v0  }
0x1c: {  	[tilespmem:s28+$0x60] =	vst v0;
	s28 =	sshra.s32 s29, $0x2;
	s29 =	sadd.s32 $0x200, s29  }
0x1d: {  	[tilespmem:s28+$0x70] =	vst v0  }
0x1e: {  	[tilespmem:s28+$0x0] =	vst v0  }
0x1f: {  	[tilespmem:s28+$0x10] =	vst v0  }
0x20: {  	[tilespmem:s28+$0x20] =	vst v0  }
0x21: {  	[tilespmem:s28+$0x30] =	vst v0  }
0x22: {  	[tilespmem:s28+$0x40] =	vst v0  }
0x23: {  	[tilespmem:s28+$0x50] =	vst v0  }
0x24: {  	[tilespmem:s28+$0x60] =	vst v0;
	s28 =	simm.s32 $0x0  }
0x25: {  	[spmem:s5] =	stream.linear.scatter [tilespmem:s28], [sflag:$0x3], $0x4000, $0x38;
	[tilespmem:$0x1E800] =	vst v63  }
0x26: {  	_ =	swait.ge [sflag:s16], $0x4000  }
0x27: {  	[sflag:s16] =	ssyncset.done $0x0  }
0x28: {  	[sflag:s16] =	ssyncadd.s32 $0xFFFFC000  }
0x29: {  	[spmem:s6] =	stream.linear.scatter [tilespmem:s28], [sflag:$0x3], $0x4000, $0x38;
	[tilespmem:$0x1E800] =	vst v63  }
0x2a: {  	_ =	swait.ge [sflag:s16], $0x4000  }
0x2b: {  	[sflag:s16] =	ssyncset.done $0x0  }
0x2c: {  	[sflag:s16] =	ssyncadd.s32 $0xFFFFC000  }
0x2d: {  	[spmem:s7] =	stream.linear.scatter [tilespmem:s28], [sflag:$0x3], $0x4000, $0x38;
	[tilespmem:$0x1E800] =	vst v63  }
0x2e: {  	_ =	swait.ge [sflag:s16], $0x4000  }
0x2f: {  	[sflag:s16] =	ssyncset.done $0x0  }
0x30: {  	[sflag:s16] =	ssyncadd.s32 $0xFFFFC000  }
0x31: {  	[spmem:s8] =	stream.linear.scatter [tilespmem:s28], [sflag:$0x3], $0x4000, $0x38;
	[tilespmem:$0x1E800] =	vst v63  }
0x32: {  	_ =	swait.ge [sflag:s16], $0x4000  }
0x33: {  	[sflag:s16] =	ssyncset.done $0x0  }
0x34: {  	[sflag:s16] =	ssyncadd.s32 $0xFFFFC000  }
0x35: {  	[spmem:s9] =	stream.linear.scatter [tilespmem:s28], [sflag:$0x3], $0x4000, $0x38;
	[tilespmem:$0x1E800] =	vst v63  }
0x36: {  	_ =	swait.ge [sflag:s16], $0x4000  }
0x37: {  	[sflag:s16] =	ssyncset.done $0x0  }
0x38: {  	[sflag:s16] =	ssyncadd.s32 $0xFFFFC000  }
0x39: {  	[bflag:$0x0] =	sbarrier.arrive $0xFFFF  }
0x3a: {  	[tilespmem:s17], [sflag:$0x3] =	stream.linear.gather [hbm4b:s10+s28], $0x1400, $0x38;
	[tilespmem:$0x1E800] =	vst v63  }
0x3b: {  	_ =	swait.ge [sflag:s16], $0x1400  }
0x3c: {  	[sflag:s16] =	ssyncset.done $0x0  }
0x3d: {  	[sflag:s16] =	ssyncadd.s32 $0xFFFFEC00  }
0x3e: {  	[tilespmem:s18], [sflag:$0x3] =	stream.linear.gather [hbm4b:s11+s28], $0x1400, $0x38;
	[tilespmem:$0x1E800] =	vst v63  }
0x3f: {  	_ =	swait.ge [sflag:s16], $0x1400  }
0x40: {  	[sflag:s16] =	ssyncset.done $0x0  }
0x41: {  	[sflag:s16] =	ssyncadd.s32 $0xFFFFEC00  }
0x42: {  	[tilespmem:s28], [sflag:$0x1] =	stream.indirect.gather [hbm4b:s4+s19], $0x80, s17, s19, $0xb8;
	[tilespmem:$0x1E800] =	vst v63  }
0x43: {  	_ = 	snop  }
0x44: {  	[tilespmem:s21], [sflag:$0x2] =	stream.indirect.gather [hbm4b:s4+s19], $0x80, s20, s19, $0xb8;
	[tilespmem:$0x1E800] =	vst v63  }
0x45: {  	_ =	swait.ge [sflag:s22], $0x4000  }
0x46: {  	[sflag:s22] =	ssyncset.done $0x0  }
0x47: {  	s28 =	simm.s32 $0x9400;
	[sflag:s22] =	ssyncadd.s32 $0xFFFFC000  }
0x48: {  	[spmem:s2] =	stream.indirect.scatter.add.f32 [tilespmem:s3], [sflag:$0x3], $0x80, s28, s19, $0xb8;
	[tilespmem:$0x1E800] =	vst v63  }
0x49: {  	_ =	swait.ge [sflag:s16], $0x4000  }
0x4a: {  	[sflag:s16] =	ssyncset.done $0x0  }
0x4b: {  	s28 =	simm.s32 $0x8100;
	[sflag:s16] =	ssyncadd.s32 $0xFFFFC000  }
0x4c: {  	[tilespmem:s3], [sflag:$0x1] =	stream.indirect.gather [hbm4b:s4+s19], $0x80, s28, s19, $0xb8;
	[tilespmem:$0x1E800] =	vst v63  }
0x4d: {  	_ =	swait.ge [sflag:s23], $0x4000  }
0x4e: {  	[sflag:s23] =	ssyncset.done $0x0  }
0x4f: {  	s28 =	simm.s32 $0x9480;
	[sflag:s23] =	ssyncadd.s32 $0xFFFFC000  }
0x50: {  	[spmem:s2] =	stream.indirect.scatter.add.f32 [tilespmem:s21], [sflag:$0x3], $0x80, s28, s19, $0xb8;
	[tilespmem:$0x1E800] =	vst v63  }
0x51: {  	_ =	swait.ge [sflag:s16], $0x4000  }
0x52: {  	[sflag:s16] =	ssyncset.done $0x0  }
0x53: {  	s29 =	simm.s32 $0x8180;
	s28 =	simm.s32 $0x400;
	[sflag:s16] =	ssyncadd.s32 $0xFFFFC000  }
.LBB2_4:
0x54: {  	[tilespmem:s21], [sflag:$0x2] =	stream.indirect.gather [hbm4b:s4+s19], $0x80, s29, s19, $0xb8;
	[tilespmem:$0x1E800] =	vst v63  }
0x55: {  	s29 =	smov.u32 s28  }
0x56: {  	p0 =	sne.s32 s28, $0x4800;
	s28 =	sadd.s32 $0x400, s28;
	_ =	swait.ge [sflag:s22], $0x4000  }
0x57: {  	s29 =	sshra.s32 s29, $0x2;
	[sflag:s22] =	ssyncset.done $0x0  }
0x58: {  	s30 =	sadd.s32 $0x9400, s29;
	[sflag:s22] =	ssyncadd.s32 $0xFFFFC000  }
0x59: {  	[spmem:s2] =	stream.indirect.scatter.add.f32 [tilespmem:s3], [sflag:$0x3], $0x80, s30, s19, $0xb8;
	[tilespmem:$0x1E800] =	vst v63  }
0x5a: {  	_ =	swait.ge [sflag:s16], $0x4000  }
0x5b: {  	[sflag:s16] =	ssyncset.done $0x0  }
0x5c: {  	s30 =	sadd.s32 $0x8100, s29;
	[sflag:s16] =	ssyncadd.s32 $0xFFFFC000  }
0x5d: {  	[tilespmem:s3], [sflag:$0x1] =	stream.indirect.gather [hbm4b:s4+s19], $0x80, s30, s19, $0xb8;
	[tilespmem:$0x1E800] =	vst v63  }
0x5e: {  	_ =	swait.ge [sflag:s23], $0x4000  }
0x5f: {  	[sflag:s23] =	ssyncset.done $0x0  }
.Ltmp1:
0x60: {  	s30 =	sadd.s32 $0x9480, s29;
	[sflag:s23] =	ssyncadd.s32 $0xFFFFC000;
	(pc) =	sbr.rel @p0 .LBB2_4-.Ltmp1, $4  }
0x61: {  	[spmem:s2] =	stream.indirect.scatter.add.f32 [tilespmem:s21], [sflag:$0x3], $0x80, s30, s19, $0xb8;
	[tilespmem:$0x1E800] =	vst v63  }
0x62: {  	_ =	swait.ge [sflag:s16], $0x4000  }
0x63: {  	[sflag:s16] =	ssyncset.done $0x0  }
0x64: {  	s29 =	sadd.s32 $0x8180, s29;
	[sflag:s16] =	ssyncadd.s32 $0xFFFFC000  }
0x65: {  	[tilespmem:s21], [sflag:$0x2] =	stream.indirect.gather [hbm4b:s4+s19], $0x80, s29, s19, $0xb8;
	[tilespmem:$0x1E800] =	vst v63  }
0x66: {  	_ =	swait.ge [sflag:s22], $0x4000  }
0x67: {  	[sflag:s22] =	ssyncset.done $0x0  }
0x68: {  	s28 =	simm.s32 $0x0;
	[sflag:s22] =	ssyncadd.s32 $0xFFFFC000  }
0x69: {  	[spmem:s2] =	stream.indirect.scatter.add.f32 [tilespmem:s28], [sflag:$0x3], $0x80, s24, s19, $0xb8;
	[tilespmem:$0x1E800] =	vst v63  }
0x6a: {  	_ =	swait.ge [sflag:s16], $0x4000  }
0x6b: {  	[sflag:s16] =	ssyncset.done $0x0  }
0x6c: {  	[sflag:s16] =	ssyncadd.s32 $0xFFFFC000  }
0x6d: {  	_ =	swait.ge [sflag:s23], $0x4000  }
0x6e: {  	[sflag:s23] =	ssyncset.done $0x0  }
0x6f: {  	[sflag:s23] =	ssyncadd.s32 $0xFFFFC000  }
0x70: {  	[spmem:s2] =	stream.indirect.scatter.add.f32 [tilespmem:s21], [sflag:$0x3], $0x80, s25, s19, $0xb8;
	[tilespmem:$0x1E800] =	vst v63  }
0x71: {  	_ =	swait.ge [sflag:s16], $0x4000  }
0x72: {  	[sflag:s16] =	ssyncset.done $0x0  }
0x73: {  	[sflag:s16] =	ssyncadd.s32 $0xFFFFC000  }
0x74: {  	[tilespmem:s17], [sflag:$0x3] =	stream.linear.gather [hbm4b:s12+s28], $0x1400, $0x38;
	[tilespmem:$0x1E800] =	vst v63  }
0x75: {  	_ =	swait.ge [sflag:s16], $0x1400  }
0x76: {  	[sflag:s16] =	ssyncset.done $0x0  }
0x77: {  	[sflag:s16] =	ssyncadd.s32 $0xFFFFEC00  }
0x78: {  	[tilespmem:s18], [sflag:$0x3] =	stream.linear.gather [hbm4b:s13+s28], $0x1400, $0x38;
	[tilespmem:$0x1E800] =	vst v63  }
0x79: {  	_ =	swait.ge [sflag:s16], $0x1400  }
0x7a: {  	[sflag:s16] =	ssyncset.done $0x0  }
0x7b: {  	[sflag:s16] =	ssyncadd.s32 $0xFFFFEC00  }
0x7c: {  	[tilespmem:s28], [sflag:$0x1] =	stream.indirect.gather [hbm4b:s4+s19], $0x80, s17, s19, $0xb8;
	[tilespmem:$0x1E800] =	vst v63  }
0x7d: {  	_ = 	snop  }
0x7e: {  	[tilespmem:s21], [sflag:$0x2] =	stream.indirect.gather [hbm4b:s4+s19], $0x80, s20, s19, $0xb8;
	[tilespmem:$0x1E800] =	vst v63  }
0x7f: {  	_ =	swait.ge [sflag:s22], $0x4000  }
0x80: {  	[sflag:s22] =	ssyncset.done $0x0  }
0x81: {  	s28 =	simm.s32 $0x9400;
	[sflag:s22] =	ssyncadd.s32 $0xFFFFC000  }
0x82: {  	[spmem:s2] =	stream.indirect.scatter.add.f32 [tilespmem:s3], [sflag:$0x3], $0x80, s28, s19, $0xb8;
	[tilespmem:$0x1E800] =	vst v63  }
0x83: {  	_ =	swait.ge [sflag:s16], $0x4000  }
0x84: {  	[sflag:s16] =	ssyncset.done $0x0  }
0x85: {  	s28 =	simm.s32 $0x8100;
	[sflag:s16] =	ssyncadd.s32 $0xFFFFC000  }
0x86: {  	[tilespmem:s3], [sflag:$0x1] =	stream.indirect.gather [hbm4b:s4+s19], $0x80, s28, s19, $0xb8;
	[tilespmem:$0x1E800] =	vst v63  }
0x87: {  	_ =	swait.ge [sflag:s23], $0x4000  }
0x88: {  	[sflag:s23] =	ssyncset.done $0x0  }
0x89: {  	s28 =	simm.s32 $0x9480;
	[sflag:s23] =	ssyncadd.s32 $0xFFFFC000  }
0x8a: {  	[spmem:s2] =	stream.indirect.scatter.add.f32 [tilespmem:s21], [sflag:$0x3], $0x80, s28, s19, $0xb8;
	[tilespmem:$0x1E800] =	vst v63  }
0x8b: {  	_ =	swait.ge [sflag:s16], $0x4000  }
0x8c: {  	[sflag:s16] =	ssyncset.done $0x0  }
0x8d: {  	s29 =	simm.s32 $0x8180;
	s28 =	simm.s32 $0x400;
	[sflag:s16] =	ssyncadd.s32 $0xFFFFC000  }
.LBB2_6:
0x8e: {  	[tilespmem:s21], [sflag:$0x2] =	stream.indirect.gather [hbm4b:s4+s19], $0x80, s29, s19, $0xb8;
	[tilespmem:$0x1E800] =	vst v63  }
0x8f: {  	s29 =	smov.u32 s28  }
0x90: {  	p0 =	sne.s32 s28, $0x4800;
	s28 =	sadd.s32 $0x400, s28;
	_ =	swait.ge [sflag:s22], $0x4000  }
0x91: {  	s29 =	sshra.s32 s29, $0x2;
	[sflag:s22] =	ssyncset.done $0x0  }
0x92: {  	s30 =	sadd.s32 $0x9400, s29;
	[sflag:s22] =	ssyncadd.s32 $0xFFFFC000  }
0x93: {  	[spmem:s2] =	stream.indirect.scatter.add.f32 [tilespmem:s3], [sflag:$0x3], $0x80, s30, s19, $0xb8;
	[tilespmem:$0x1E800] =	vst v63  }
0x94: {  	_ =	swait.ge [sflag:s16], $0x4000  }
0x95: {  	[sflag:s16] =	ssyncset.done $0x0  }
0x96: {  	s30 =	sadd.s32 $0x8100, s29;
	[sflag:s16] =	ssyncadd.s32 $0xFFFFC000  }
0x97: {  	[tilespmem:s3], [sflag:$0x1] =	stream.indirect.gather [hbm4b:s4+s19], $0x80, s30, s19, $0xb8;
	[tilespmem:$0x1E800] =	vst v63  }
0x98: {  	_ =	swait.ge [sflag:s23], $0x4000  }
0x99: {  	[sflag:s23] =	ssyncset.done $0x0  }
.Ltmp2:
0x9a: {  	s30 =	sadd.s32 $0x9480, s29;
	[sflag:s23] =	ssyncadd.s32 $0xFFFFC000;
	(pc) =	sbr.rel @p0 .LBB2_6-.Ltmp2, $4  }
0x9b: {  	[spmem:s2] =	stream.indirect.scatter.add.f32 [tilespmem:s21], [sflag:$0x3], $0x80, s30, s19, $0xb8;
	[tilespmem:$0x1E800] =	vst v63  }
0x9c: {  	_ =	swait.ge [sflag:s16], $0x4000  }
0x9d: {  	[sflag:s16] =	ssyncset.done $0x0  }
0x9e: {  	s29 =	sadd.s32 $0x8180, s29;
	[sflag:s16] =	ssyncadd.s32 $0xFFFFC000  }
0x9f: {  	[tilespmem:s21], [sflag:$0x2] =	stream.indirect.gather [hbm4b:s4+s19], $0x80, s29, s19, $0xb8;
	[tilespmem:$0x1E800] =	vst v63  }
0xa0: {  	_ =	swait.ge [sflag:s22], $0x4000  }
0xa1: {  	[sflag:s22] =	ssyncset.done $0x0  }
0xa2: {  	[sflag:s22] =	ssyncadd.s32 $0xFFFFC000  }
0xa3: {  	[spmem:s2] =	stream.indirect.scatter.add.f32 [tilespmem:s3], [sflag:$0x3], $0x80, s24, s19, $0xb8;
	[tilespmem:$0x1E800] =	vst v63  }
0xa4: {  	_ =	swait.ge [sflag:s16], $0x4000  }
0xa5: {  	[sflag:s16] =	ssyncset.done $0x0  }
0xa6: {  	[sflag:s16] =	ssyncadd.s32 $0xFFFFC000  }
0xa7: {  	_ =	swait.ge [sflag:s23], $0x4000  }
0xa8: {  	[sflag:s23] =	ssyncset.done $0x0  }
0xa9: {  	[sflag:s23] =	ssyncadd.s32 $0xFFFFC000  }
0xaa: {  	[spmem:s2] =	stream.indirect.scatter.add.f32 [tilespmem:s21], [sflag:$0x3], $0x80, s25, s19, $0xb8;
	[tilespmem:$0x1E800] =	vst v63  }
0xab: {  	_ =	swait.ge [sflag:s16], $0x4000  }
0xac: {  	s28 =	sshll.u32 s1, $0x6;
	s26 =	sadd.s32 $0x1, s26;
	[sflag:s16] =	ssyncset.done $0x0  }
0xad: {  	s31 =	sshrl.u32 s5, $0x3;
	p0 =	sne.s32 s26, s15;
	[sflag:s16] =	ssyncadd.s32 $0xFFFFC000  }
.Ltmp3:
0xae: {  	s28 =	sor.u32 $0x1C03, s28;
	[bflag:$0x0] =	sbarrier.arrive $0xFFFF;
	(pc) =	sbr.rel @p0 .LBB2_1-.Ltmp3, $4  }
0xaf: {  	[hbm:s14], [sflag:s28] =	dma.local [spmem:s31], $0x2800  }
0xb0: {  	_ =	swait.ge [sflag:s16], $0x2800  }
0xb1: {  	[sflag:s16] =	ssyncset.done $0x0  }
0xb2: {  	[sflag:s16] =	ssyncadd.s32 $0xFFFFD800  }
0xb3: {  	_ =	sfence.sel $0x180000  }
0xb4: {  	[bflag:$0x0] =	sbarrier.arrive $0xFFFF  }
0xb5: {  	p0 =	sne.s32 s1, $0x0;
	_ =	strace $0x9000004A  }
0xb6: {  	s0 =	sadd.s32 @!p0 $0x100000, s0;
	[bflag:$0x2] =	sbarrier.arrive $0xFFFF  }
0xb7: {  	[sflag:s0] =	ssyncadd.tile.s32 @!p0 $0x1;
	_ =	shalt  }
.Lfunc_end2:
_tile_overlayer_lowered:
.L_overlay_start_2:
0xb8: {  	(tag) =	ssettag $0x2  }
0xb9: {  	s0 =	rddreg [dreg:$0x0];
	s2 =	stileid.u32  }
0xba: {  	s1 =	rddreg [dreg:$0x1];
	p0 =	sne.s32 s2, $0x0  }
0xbb: {  	s3 =	rddreg [dreg:$0x2];
	[bflag:$0x3] =	sbarrier.arrive $0xFFFF;
	s2 =	simm.s32 @!p0 $0x1C03  }
0xbc: {  	[timem:s3], [sflag:s2] =	dma.local @!p0 [hbm:s0], s1  }
0xbd: {  	s0 =	simm.s32 @!p0 $0x3  }
0xbe: {  	_ =	swait.ge @!p0 [sflag:s0], s1  }
0xbf: {  	s1 =	ssub.s32 @!p0 $0x0, s1;
	[sflag:s0] =	ssyncset.done @!p0 $0x0  }
0xc0: {  	[sflag:s0] =	ssyncadd.s32 @!p0 s1  }
0xc1: {  	[bflag:$0x3] =	sbarrier.arrive $0xFFFF  }
0xc2: {  	_ =	shalt  }

// kernel: kernel.7.cloned.1.call-start
scs
__scs_entry_jumppad:
0x0: {  	(pc) =	sbr.rel $0x88, $3  }
0x1: {  	(tag) =	ssettag $0x0;
	lr =	simm.s32 $0x1  }
0x2: {  	[smem:$0x3F91] =	sst lr;
	_ =	strace $0xD0000000  }
0x3: {  	_ = 	snop  }
0x4: {  	_ = 	snop  }
0x5: {  	_ = 	snop  }
0x6: {  	_ = 	snop  }
0x7: {  	_ = 	snop  }
__scs_overlays_trampoline_lowered:
0x8: {  	[smem:$0x3FA0] =	sst s0  }
0x9: {  	[smem:$0x3FA1] =	sst s1  }
0xa: {  	[smem:$0x3FA2] =	sst s2  }
0xb: {  	[smem:$0x3FA3] =	sst s3  }
0xc: {  	[smem:$0x3FA4] =	sst s4  }
0xd: {  	[smem:$0x3FA5] =	sst s5  }
0xe: {  	[smem:$0x3FA6] =	sst s6  }
0xf: {  	[smem:$0x3FA7] =	sst s7  }
0x10: {  	[smem:$0x3FA8] =	sst s8  }
0x11: {  	[smem:$0x3FA9] =	sst s9;
	s0 =	simm.s32 @!p0 $0x0  }
0x12: {  	s1 =	sld [smem:$0x3F8F];
	s0 =	simm.s32 @p0 $0x1  }
0x13: {  	[smem:$0x3FAA] =	sst s0;
	s0 =	simm.s32 @!p1 $0x0  }
0x14: {  	s2 =	sld [smem:$0x3F8E];
	s0 =	simm.s32 @p1 $0x1  }
0x15: {  	[smem:$0x3FAB] =	sst s0;
	s0 =	simm.s32 @!p2 $0x0  }
0x16: {  	s3 =	sld [smem:$0x3FDB];
	s0 =	simm.s32 @p2 $0x1  }
0x17: {  	s4 =	simm.s32 $0x1BF5;
	[smem:$0x3FAD] =	sst s0  }
0x18: {  	s0 =	sld [smem:$0x3F90];
	_ =	swait.ge [sflag:s4], $0x0  }
0x19: {  	s7 =	sld [smem:$0x3F91]  }
0x1a: {  	s8 =	sadd.s32 $0xFFFFE003, lr  }
0x1b: {  	s9 =	sadd.s32 $0xFFFFFEF7, lr;
	s5 =	simm.s32 $0xFFFFFFFF;
	p2 =	slt.u32 s8, $0xFFFFF086  }
0x1c: {  	p1 =	slt.u32 s9, $0xF7A;
	s5 =	simm.s32 @!p2 $0x0  }
0x1d: {  	s5 =	simm.s32 @p1 $0x1;
	p0 =	seq.s32 s7, s2  }
0x1e: {  	s7 =	smul.u32 @!p0 $0xF7A, s2;
	p2 =	seq.s32 @!p0 s5, $0x0  }
0x1f: {  	s9 =	smul.u32 $0xF7A, s1;
	s8 =	simm.s32 @!p0 $0x1BF5;
	p2 =	por !p2, p0  }
0x20: {  	[sflag:s8] =	ssyncset.s32 @!p0 $0xFFFFF086;
	s6 =	sadd.s32 @!p0 s3, s7;
	s7 =	simm.s32 @!p0 $0x108  }
0x21: {  	s3 =	sadd.s32 s3, s9;
	s6 =	sadd.s32 @!p0 $0x88, s6;
	s7 =	simm.s32 @p2 $0x1082  }
0x22: {  	[simem:s7], [sflag:s8] =	dma.local @!p0 [hbm:s6], $0xF7A  }
0x23: {  	s9 =	sor.u32 $0xD0000000, s2;
	s6 =	simm.s32 $0x108;
	_ =	swait.ge @!p0 [sflag:s8], $0x0  }
0x24: {  	s3 =	sadd.s32 $0x88, s3;
	s6 =	simm.s32 @!p1 $0x1082;
	[sflag:s4] =	ssyncset.s32 $0xFFFFF086  }
0x25: {  	[simem:s6], [sflag:s4] =	dma.local [hbm:s3], $0xF7A  }
0x26: {  	[smem:$0x3F91] =	sst s1;
	(tag) =	ssettag s2;
	_ =	strace s9  }
0x27: {  	s1 =	sld [smem:$0x3FA1]  }
0x28: {  	s2 =	sld [smem:$0x3FA2]  }
0x29: {  	s4 =	sld [smem:$0x3FA4]  }
0x2a: {  	p0 =	seq.s32 s5, $0x0;
	s5 =	sld [smem:$0x3FA5]  }
0x2b: {  	s6 =	sld [smem:$0x3FA6]  }
0x2c: {  	s7 =	sld [smem:$0x3FA7]  }
0x2d: {  	s3 =	simm.s32 $0x108;
	s8 =	sld [smem:$0x3FA8]  }
0x2e: {  	s3 =	simm.s32 @!p0 $0x1082;
	s9 =	sld [smem:$0x3FA9]  }
0x2f: {  	lr =	sadd.s32 s0, s3;
	s0 =	sld [smem:$0x3FA0]  }
0x30: {  	s3 =	sld [smem:$0x3FA3]  }
0x31: {  	[smem:$0x3FAC] =	sst s10  }
0x32: {  	s10 =	sld [smem:$0x3FAA];
	_ =	sdelay $0x3  }
0x33: {  	p0 =	seq.s32 s10, $0x1;
	s10 =	sld [smem:$0x3FAC];
	_ =	sdelay $0x3  }
0x34: {  	[smem:$0x3FAC] =	sst s10  }
0x35: {  	s10 =	sld [smem:$0x3FAB];
	_ =	sdelay $0x3  }
0x36: {  	p1 =	seq.s32 s10, $0x1;
	s10 =	sld [smem:$0x3FAC];
	_ =	sdelay $0x3  }
0x37: {  	[smem:$0x3FAC] =	sst s10  }
0x38: {  	s10 =	sld [smem:$0x3FAD]  }
0x39: {  	_ = 	snop;
	(pc) =	sbr.ind lr, $3  }
0x3a: {  	_ = 	snop  }
0x3b: {  	_ = 	snop  }
0x3c: {  	p2 =	seq.s32 s10, $0x1;
	s10 =	sld [smem:$0x3FAC]  }
0x3d: {  	_ =	shalt  }
0x3e: {  	_ =	shalt  }
0x3f: {  	_ =	shalt  }
0x40: {  	_ =	shalt  }
0x41: {  	_ =	shalt  }
0x42: {  	_ =	shalt  }
0x43: {  	_ =	shalt  }
0x44: {  	_ =	shalt  }
0x45: {  	_ =	shalt  }
0x46: {  	_ =	shalt  }
0x47: {  	_ =	shalt  }
0x48: {  	_ =	shalt  }
0x49: {  	_ =	shalt  }
0x4a: {  	_ =	shalt  }
0x4b: {  	_ =	shalt  }
0x4c: {  	_ =	shalt  }
0x4d: {  	_ =	shalt  }
0x4e: {  	_ =	shalt  }
0x4f: {  	_ =	shalt  }
0x50: {  	_ =	shalt  }
0x51: {  	_ =	shalt  }
0x52: {  	_ =	shalt  }
0x53: {  	_ =	shalt  }
0x54: {  	_ =	shalt  }
0x55: {  	_ =	shalt  }
0x56: {  	_ =	shalt  }
0x57: {  	_ =	shalt  }
0x58: {  	_ =	shalt  }
0x59: {  	_ =	shalt  }
0x5a: {  	_ =	shalt  }
0x5b: {  	_ =	shalt  }
0x5c: {  	_ =	shalt  }
0x5d: {  	_ =	shalt  }
0x5e: {  	_ =	shalt  }
0x5f: {  	_ =	shalt  }
0x60: {  	_ =	shalt  }
0x61: {  	_ =	shalt  }
0x62: {  	_ =	shalt  }
0x63: {  	_ =	shalt  }
0x64: {  	_ =	shalt  }
0x65: {  	_ =	shalt  }
0x66: {  	_ =	shalt  }
0x67: {  	_ =	shalt  }
0x68: {  	_ =	shalt  }
0x69: {  	_ =	shalt  }
0x6a: {  	_ =	shalt  }
0x6b: {  	_ =	shalt  }
0x6c: {  	_ =	shalt  }
0x6d: {  	_ =	shalt  }
0x6e: {  	_ =	shalt  }
0x6f: {  	_ =	shalt  }
0x70: {  	_ =	shalt  }
0x71: {  	_ =	shalt  }
0x72: {  	_ =	shalt  }
0x73: {  	_ =	shalt  }
0x74: {  	_ =	shalt  }
0x75: {  	_ =	shalt  }
0x76: {  	_ =	shalt  }
0x77: {  	_ =	shalt  }
0x78: {  	_ =	shalt  }
0x79: {  	_ =	shalt  }
0x7a: {  	_ =	shalt  }
0x7b: {  	_ =	shalt  }
0x7c: {  	_ =	shalt  }
0x7d: {  	_ =	shalt  }
0x7e: {  	_ =	shalt  }
0x7f: {  	_ =	shalt  }
0x80: {  	_ =	shalt  }
0x81: {  	_ =	shalt  }
0x82: {  	_ =	shalt  }
0x83: {  	_ =	shalt  }
0x84: {  	_ =	shalt  }
0x85: {  	_ =	shalt  }
0x86: {  	_ =	shalt  }
0x87: {  	_ =	shalt  }
.Lfunc_end0:
.L_simem_size_0:
called_computation_lowered:
.L_overlay_start_0:
0x88: {  	s2 =	sld [smem:$0x3FD9]  }
0x89: {  	s3 =	sld [smem:$0x3FFE];
	_ =	sdelay $0x1  }
0x8a: {  	s1 =	srdreg.scid  }
0x8b: {  	s0 =	sand.u32 $0x1, s1  }
0x8c: {  	s17 =	sshll.u32 s0, $0xA;
	s2 =	sadd.s32 s3, s2  }
0x8d: {  	s2 =	sadd.s32 s2, s17  }
0x8e: {  	[smem:$0x3FB8] =	sst s2  }
0x8f: {  	_ = 	snop  }
0x90: {  	s2 =	sld [smem:$0x3FD0];
	(tm) =	ssettm $0x1  }
0x91: {  	s18 =	sld [smem:$0x3FFB];
	_ =	sdelay $0x3  }
0x92: {  	_ =	strace s18  }
0x93: {  	s3 =	sld [smem:$0x3FFC];
	_ =	sdelay $0x3  }
0x94: {  	_ =	strace s3  }
0x95: {  	s3 =	sld [smem:$0x3FFD];
	_ =	sdelay $0x3  }
0x96: {  	_ =	strace s3  }
0x97: {  	_ =	strace $0x8FFFFFFF  }
0x98: {  	s19 =	sld [smem:$0x3FDB];
	_ =	sdelay $0x1  }
0x99: {  	s4 =	simm.s32 $_scs_section_size  }
0x9a: {  	s5 =	simm.s32 $_size__tile_overlayer_lowered;
	s6 =	simm.s32 $_tile_overlayer_lowered  }
0x9b: {  	s22 =	simm.s32 $0x1BFF;
	s21 =	sshll.u32 s6, $0x1;
	s3 =	sadd.s32 s4, s19  }
0x9c: {  	s7 =	simm.s32 $0x0;
	s20 =	sshll.u32 s5, $0x1;
	s5 =	sadd.s32 s21, s3  }
0x9d: {  	[timem:s7], [sflag:s22] =	dma.local [hbm:s5], s20  }
0x9e: {  	_ =	swait.ge [sflag:s22], s20  }
0x9f: {  	s4 =	ssub.s32 $0x0, s20;
	[sflag:s22] =	ssyncset.done $0x0  }
0xa0: {  	[sflag:s22] =	ssyncadd.s32 s4;
	_ =	sdelay $0x1  }
0xa1: {  	s23 =	simm.s32 $0x1B8B  }
0xa2: {  	_ =	swait.ge [sflag:s23], $0x1  }
0xa3: {  	[sflag:s23] =	ssyncset.done $0x0  }
0xa4: {  	s25 =	simm.s32 $0x1B8E;
	s24 =	sld [smem:$0x3FFE];
	[sflag:s23] =	ssyncadd.s32 $0xFFFFFFFF  }
0xa5: {  	s26 =	simm.s32 $execute0_lowered;
	[smem:$0x3FD2] =	sst s25  }
0xa6: {  	s5 =	sshll.u32 s26, $0x1;
	_ =	strace $0x80000046;
	[dreg:$0x1] =	wrdreg $0xFFFFFFFF  }
0xa7: {  	s28 =	simm.s32 $_size_execute0_lowered;
	s3 =	sadd.s32 s3, s5;
	[dreg:$0x0] =	wrdreg $0x0  }
0xa8: {  	s5 =	sshll.u32 s28, $0x1;
	[dreg:$0x2] =	wrdreg s3  }
0xa9: {  	[dreg:$0x3] =	wrdreg s5  }
0xaa: {  	[dreg:$0x4] =	wrdreg $0xC0  }
0xab: {  	_ =	task [dreg:s7], $0x5FFFF  }
0xac: {  	[dreg:$0x1] =	wrdreg $0xFFFFFFFF  }
0xad: {  	[dreg:$0x0] =	wrdreg $0x60  }
0xae: {  	[dreg:$0x2] =	wrdreg s24  }
0xaf: {  	[dreg:$0x3] =	wrdreg s2  }
0xb0: {  	[dreg:$0x4] =	wrdreg $0xA8000  }
0xb1: {  	[dreg:$0x5] =	wrdreg $0x1EB000  }
0xb2: {  	[dreg:$0x6] =	wrdreg $0x9  }
0xb3: {  	_ =	task.clear_ibuf [dreg:s7], $0x7FFFF;
	_ =	strace $0x90000046  }
0xb4: {  	s29 =	simm.s32 $0x9;
	_ =	strace $0x80000048  }
0xb5: {  	_ =	swait.ge [sflag:s29], $0x1  }
0xb6: {  	[sflag:s29] =	ssyncadd.s32 $0xFFFFFFFF  }
0xb7: {  	_ =	strace $0x90000048  }
0xb8: {  	_ =	sfence  }
0xb9: {  	s30 =	sld [smem:$0x0];
	_ =	sdelay $0x2  }
0xba: {  	s31 =	sshll.u32 s1, $0xD;
	s1 =	sshrl.u32 s1, $0x2  }
0xbb: {  	s3 =	sand.u32 $0x4000, s31;
	s1 =	sadd.s32 s1, s30  }
0xbc: {  	s0 =	sor.u32 s3, s0;
	s1 =	sshll.u32 s1, $0x11  }
0xbd: {  	s0 =	sor.u32 s1, s0  }
0xbe: {  	s0 =	sadd.s32 $0x8F2B, s0  }
0xbf: {  	[sflag:s0] =	ssyncadd.remote.s32 $0x1  }
0xc0: {  	_ =	sfence.sel $0xFFFF  }
0xc1: {  	[dreg:$0x0] =	wrdreg $0xFFFFFFFF;
	(pc) =	sbr.abs _section_cstart, $3  }
0xc2: {  	[dreg:$0x1] =	wrdreg $0xFFFFFFFF  }
0xc3: {  	_ =	task.clear_ibuf [dreg:s7], $0x2FFFF;
	_ =	strace $0x9FFFFFFF  }
0xc4: {  	(tm) =	ssettm $0x7FFFFFFF  }
0xc5: {  	_ =	shalt  }
tec
execute0_lowered:
.L_overlay_start_1:
0x0: {  	(tag) =	ssettag $0x1  }
0x1: {  	s0 =	rddreg [dreg:$0x0]  }
0x2: {  	s1 =	rddreg [dreg:$0x1]  }
0x3: {  	s3 =	srdreg.scid;
	s11 =	stileid.u32  }
0x4: {  	s2 =	rddreg [dreg:$0x2];
	s8 =	smul.u32 $0x14000, s11  }
0x5: {  	s4 =	simm.s32 $0x0;
	s28 =	simm.s32 $0x4000;
	s9 =	smul.u32 $0x280, s11  }
0x6: {  	s29 =	simm.s32 $0x1;
	s30 =	simm.s32 $0x2;
	s26 =	smul.u32 $0x50000, s11  }
0x7: {  	s7 =	sand.u32 $0x1, s3;
	s3 =	rddreg [dreg:$0x3];
	s19 =	smul.u32 $0x2800, s11  }
0x8: {  	s31 =	simm.s32 $0xA780;
	[smem:$0x7FF] =	sst s4;
	s6 =	smul.u32 $0x140000, s7  }
0x9: {  	s5 =	sadd.s32 $0x9000, s0;
	s12 =	sadd.s32 $0x4000, s0;
	s10 =	smul.u32 $0x2800, s7  }
0xa: {  	_ =	strace $0x80000047;
	s15 =	ssub.s32 $0x2, s7;
	p0 =	seq.s32 s7, $0x0  }
0xb: {  	p1 =	sne.s32 s7, $0x0;
	s16 =	sshrl.u32 s26, $0x2;
	s17 =	sshrl.u32 s15, $0x1  }
0xc: {  	s11 =	sadd.s32 s9, s3;
	s6 =	sadd.s32 s8, s6;
	s25 =	sadd.s32 s9, s10  }
0xd: {  	s8 =	ssub.s32 s15, s17;
	s15 =	sadd.s32 $0x1400, s19;
	s10 =	sshrl.u32 s19, $0x3  }
0xe: {  	s6 =	sshrl.u32 s6, $0x3;
	s14 =	sshrl.u32 s25, $0x3;
	s24 =	sadd.s32 s12, s10  }
0xf: {  	s26 =	sshrl.u32 s15, $0x3;
	s13 =	sadd.s32 s6, s0;
	s6 =	sadd.s32 s16, s2  }
0x10: {  	s0 =	sadd.s32 s14, s0;
	[dreg:$0xa] =	wrdreg s24;
	s18 =	sadd.s32 $0x4000, s6  }
0x11: {  	s14 =	smul.u32 $0x28000, s7;
	s20 =	sadd.s32 $0x8000, s6;
	[dreg:$0x5] =	wrdreg s18  }
0x12: {  	s24 =	simm.s32 $0x9400;
	s21 =	sadd.s32 $0xC000, s6;
	[dreg:$0x6] =	wrdreg s20  }
0x13: {  	s22 =	sadd.s32 $0x10000, s6;
	s16 =	sadd.s32 $0x57C00, s13;
	[dreg:$0x7] =	wrdreg s21  }
0x14: {  	s17 =	sadd.s32 $0x57200, s0;
	s0 =	simm.s32 $0x0;
	[dreg:$0x8] =	wrdreg s22  }
0x15: {  	s23 =	sadd.s32 s19, s14;
	s14 =	sadd.s32 s14, s15;
	s15 =	sadd.s32 s12, s26  }
0x16: {  	s18 =	smax.u32 s8, $0x1;
	s20 =	simm.s32 $0xA700;
	s21 =	simm.s32 $0x4  }
0x17: {  	s26 =	simm.s32 $0x8080;
	s22 =	simm.s32 $0x3;
	s9 =	sshrl.u32 s23, $0x3  }
0x18: {  	s25 =	sshrl.u32 s14, $0x3;
	s20 =	simm.s32 @!p0 $0xA780;
	s9 =	sadd.s32 s1, s9  }
0x19: {  	s23 =	simm.s32 $0x8000;
	s1 =	sadd.s32 s1, s25;
	[dreg:$0x9] =	wrdreg s9  }
0x1a: {  	v0 =	vimm.f32 $0.0e+00;
	v1 =	vimm.f32 $1.000000000e+00;
	s25 =	simm.s32 $0x80;
	[dreg:$0xb] =	wrdreg s1;
	s1 =	simm.s32 $0x1E800  }
.LBB2_1:
0x1b: {  	s7 =	simm.s32 $0x0;
	s8 =	simm.s32 $0x200  }
.LBB2_2:
0x1c: {  	p2 =	sne.s32 s8, $0xFE00;
	[tilespmem:s7+$0x70] =	vst v0  }
0x1d: {  	[tilespmem:s7+$0x0] =	vst v0  }
0x1e: {  	[tilespmem:s7+$0x10] =	vst v0  }
.Ltmp0:
0x1f: {  	[tilespmem:s7+$0x20] =	vst v0;
	(pc) =	sbr.rel @p2 .LBB2_2-.Ltmp0, $4  }
0x20: {  	[tilespmem:s7+$0x30] =	vst v0  }
0x21: {  	[tilespmem:s7+$0x40] =	vst v0  }
0x22: {  	[tilespmem:s7+$0x50] =	vst v0  }
0x23: {  	[tilespmem:s7+$0x60] =	vst v0;
	s7 =	sshra.s32 s8, $0x2;
	s8 =	sadd.s32 $0x200, s8  }
0x24: {  	[tilespmem:s7+$0x70] =	vst v0  }
0x25: {  	[tilespmem:s7+$0x0] =	vst v0  }
0x26: {  	[tilespmem:s7+$0x10] =	vst v0  }
0x27: {  	[tilespmem:s7+$0x20] =	vst v0  }
0x28: {  	[tilespmem:s7+$0x30] =	vst v0  }
0x29: {  	[tilespmem:s7+$0x40] =	vst v0  }
0x2a: {  	[tilespmem:s7+$0x50] =	vst v0  }
0x2b: {  	[tilespmem:s7+$0x60] =	vst v0  }
0x2c: {  	[tilespmem:$0x1E800] =	vst v1  }
0x2d: {  	[tilespmem:$0x1E810] =	vst v1  }
0x2e: {  	[tilespmem:$0x1E820] =	vst v1  }
0x2f: {  	[tilespmem:$0x1E830] =	vst v1  }
0x30: {  	[tilespmem:$0x1E840] =	vst v1  }
0x31: {  	[tilespmem:$0x1E850] =	vst v1  }
0x32: {  	[tilespmem:$0x1E860] =	vst v1  }
0x33: {  	[tilespmem:$0x1E870] =	vst v1  }
0x34: {  	[tilespmem:$0x1E880] =	vst v0  }
0x35: {  	[tilespmem:$0x1E890] =	vst v0  }
0x36: {  	[tilespmem:$0x1E8A0] =	vst v0  }
0x37: {  	[tilespmem:$0x1E8B0] =	vst v0  }
0x38: {  	[tilespmem:$0x1E8C0] =	vst v0  }
0x39: {  	[tilespmem:$0x1E8D0] =	vst v0  }
0x3a: {  	[tilespmem:$0x1E8E0] =	vst v0  }
0x3b: {  	[tilespmem:$0x1E8F0] =	vst v0  }
0x3c: {  	[tilespmem:$0x1E900] =	vst v0  }
0x3d: {  	[tilespmem:$0x1E910] =	vst v0  }
0x3e: {  	[tilespmem:$0x1E920] =	vst v0  }
0x3f: {  	[tilespmem:$0x1E930] =	vst v0  }
0x40: {  	[tilespmem:$0x1E940] =	vst v0  }
0x41: {  	[tilespmem:$0x1E950] =	vst v0  }
0x42: {  	[tilespmem:$0x1E960] =	vst v0  }
0x43: {  	[tilespmem:$0x1E970] =	vst v0  }
0x44: {  	[tilespmem:$0x1E980] =	vst v0  }
0x45: {  	[tilespmem:$0x1E990] =	vst v0  }
0x46: {  	[tilespmem:$0x1E9A0] =	vst v0  }
0x47: {  	[tilespmem:$0x1E9B0] =	vst v0  }
0x48: {  	[tilespmem:$0x1E9C0] =	vst v0  }
0x49: {  	[tilespmem:$0x1E9D0] =	vst v0  }
0x4a: {  	[tilespmem:$0x1E9E0] =	vst v0  }
0x4b: {  	[tilespmem:$0x1E9F0] =	vst v0  }
0x4c: {  	[tilespmem:$0x1EA00] =	vst v0  }
0x4d: {  	[tilespmem:$0x1EA10] =	vst v0  }
0x4e: {  	[tilespmem:$0x1EA20] =	vst v0  }
0x4f: {  	[tilespmem:$0x1EA30] =	vst v0  }
0x50: {  	[tilespmem:$0x1EA40] =	vst v0  }
0x51: {  	[tilespmem:$0x1EA50] =	vst v0  }
0x52: {  	[tilespmem:$0x1EA60] =	vst v0  }
0x53: {  	[tilespmem:$0x1EA70] =	vst v0  }
0x54: {  	[tilespmem:$0x1EA80] =	vst v0  }
0x55: {  	[tilespmem:$0x1EA90] =	vst v0  }
0x56: {  	[tilespmem:$0x1EAA0] =	vst v0  }
0x57: {  	[tilespmem:$0x1EAB0] =	vst v0  }
0x58: {  	[tilespmem:$0x1EAC0] =	vst v0  }
0x59: {  	[tilespmem:$0x1EAD0] =	vst v0  }
0x5a: {  	[tilespmem:$0x1EAE0] =	vst v0  }
0x5b: {  	s7 =	simm.s32 $0x0;
	[tilespmem:$0x1EAF0] =	vst v0  }
0x5c: {  	[spmem:s6] =	stream.linear.scatter [tilespmem:s7], [sflag:$0x4], $0x4000, $0x38;
	[tilespmem:$0x1ED80] =	vst v63  }
0x5d: {  	_ =	swait.ge [sflag:s21], $0x4000  }
0x5e: {  	[sflag:s21] =	ssyncset.done $0x0  }
0x5f: {  	s8 =	rddreg [dreg:$0x5];
	[sflag:s21] =	ssyncadd.s32 $0xFFFFC000  }
0x60: {  	[spmem:s8] =	stream.linear.scatter [tilespmem:s7], [sflag:$0x4], $0x4000, $0x38;
	[tilespmem:$0x1ED80] =	vst v63  }
0x61: {  	_ =	swait.ge [sflag:s21], $0x4000  }
0x62: {  	[sflag:s21] =	ssyncset.done $0x0  }
0x63: {  	s14 =	rddreg [dreg:$0x6];
	[sflag:s21] =	ssyncadd.s32 $0xFFFFC000  }
0x64: {  	[spmem:s14] =	stream.linear.scatter [tilespmem:s7], [sflag:$0x4], $0x4000, $0x38;
	[tilespmem:$0x1ED80] =	vst v63  }
0x65: {  	_ =	swait.ge [sflag:s21], $0x4000  }
0x66: {  	[sflag:s21] =	ssyncset.done $0x0  }
0x67: {  	s19 =	rddreg [dreg:$0x7];
	[sflag:s21] =	ssyncadd.s32 $0xFFFFC000  }
0x68: {  	[spmem:s19] =	stream.linear.scatter [tilespmem:s7], [sflag:$0x4], $0x4000, $0x38;
	[tilespmem:$0x1ED80] =	vst v63  }
0x69: {  	_ =	swait.ge [sflag:s21], $0x4000  }
0x6a: {  	[sflag:s21] =	ssyncset.done $0x0  }
0x6b: {  	s9 =	rddreg [dreg:$0x8];
	[sflag:s21] =	ssyncadd.s32 $0xFFFFC000  }
0x6c: {  	[spmem:s9] =	stream.linear.scatter [tilespmem:s7], [sflag:$0x4], $0x4000, $0x38;
	[tilespmem:$0x1ED80] =	vst v63  }
0x6d: {  	_ =	swait.ge [sflag:s21], $0x4000  }
0x6e: {  	[sflag:s21] =	ssyncset.done $0x0  }
0x6f: {  	s10 =	simm.s32 $0x1E880;
	[sflag:s21] =	ssyncadd.s32 $0xFFFFC000  }
0x70: {  	[spmem:s11] =	stream.linear.scatter [tilespmem:s10], [sflag:$0x4], $0x280, $0x38;
	[tilespmem:$0x1ED80] =	vst v63  }
0x71: {  	_ =	swait.ge [sflag:s21], $0x280  }
0x72: {  	[sflag:s21] =	ssyncset.done $0x0  }
0x73: {  	[sflag:s21] =	ssyncadd.s32 $0xFFFFFD80  }
0x74: {  	[bflag:$0x0] =	sbarrier.arrive $0xFFFF  }
0x75: {  	s12 =	rddreg [dreg:$0x9]  }
0x76: {  	[tilespmem:s23], [sflag:$0x4] =	stream.linear.gather [hbm4b:s12+s7], $0x1400, $0x38;
	[tilespmem:$0x1ED80] =	vst v63  }
0x77: {  	_ =	swait.ge [sflag:s21], $0x1400  }
0x78: {  	[sflag:s21] =	ssyncset.done $0x0  }
0x79: {  	s13 =	rddreg [dreg:$0xa];
	[sflag:s21] =	ssyncadd.s32 $0xFFFFEC00  }
0x7a: {  	[tilespmem:s24], [sflag:$0x4] =	stream.linear.gather [hbm4b:s13+s7], $0x1400, $0x38;
	[tilespmem:$0x1ED80] =	vst v63  }
0x7b: {  	_ =	swait.ge [sflag:s21], $0x1400  }
0x7c: {  	[sflag:s21] =	ssyncset.done $0x0  }
0x7d: {  	[sflag:s21] =	ssyncadd.s32 $0xFFFFEC00  }
0x7e: {  	[tilespmem:s7], [sflag:$0x1] =	stream.indirect.gather [hbm4b:s5+s25], $0x80, s23, s25, $0xb8;
	[tilespmem:$0x1ED80] =	vst v63  }
0x7f: {  	_ = 	snop  }
0x80: {  	[tilespmem:s28], [sflag:$0x2] =	stream.indirect.gather [hbm4b:s5+s25], $0x80, s26, s25, $0xb8;
	[tilespmem:$0x1ED80] =	vst v63  }
0x81: {  	_ =	swait.ge [sflag:s29], $0x4000  }
0x82: {  	[sflag:s29] =	ssyncset.done $0x0  }
0x83: {  	s9 =	simm.s32 $0x9400;
	[sflag:s29] =	ssyncadd.s32 $0xFFFFC000  }
0x84: {  	[spmem:s2] =	stream.indirect.scatter.add.f32 [tilespmem:s4], [sflag:$0x4], $0x80, s9, s25, $0xb8;
	[tilespmem:$0x1ED80] =	vst v63  }
0x85: {  	_ =	swait.ge [sflag:s21], $0x4000  }
0x86: {  	[sflag:s21] =	ssyncset.done $0x0  }
0x87: {  	s14 =	simm.s32 $0x8100;
	[sflag:s21] =	ssyncadd.s32 $0xFFFFC000  }
0x88: {  	[tilespmem:s4], [sflag:$0x1] =	stream.indirect.gather [hbm4b:s5+s25], $0x80, s14, s25, $0xb8;
	[tilespmem:$0x1ED80] =	vst v63  }
0x89: {  	s8 =	simm.s32 @!p1 $0x1E800;
	s7 =	simm.s32 @!p1 $0x80  }
0x8a: {  	[spmem:s3] =	stream.indirect.scatter.add.f32 @!p1 [tilespmem:s8], [sflag:$0x3], $0x1, s9, s7, $0xb8;
	[tilespmem:$0x1ED80] =	vst v63  }
0x8b: {  	_ =	swait.ge [sflag:s30], $0x4000  }
0x8c: {  	[sflag:s30] =	ssyncset.done $0x0  }
0x8d: {  	s13 =	simm.s32 $0x9480;
	[sflag:s30] =	ssyncadd.s32 $0xFFFFC000  }
0x8e: {  	[spmem:s2] =	stream.indirect.scatter.add.f32 [tilespmem:s28], [sflag:$0x4], $0x80, s13, s25, $0xb8;
	[tilespmem:$0x1ED80] =	vst v63  }
0x8f: {  	_ =	swait.ge [sflag:s21], $0x4000  }
0x90: {  	s19 =	simm.s32 $0x8180;
	s10 =	simm.s32 $0x400;
	[sflag:s21] =	ssyncset.done $0x0  }
0x91: {  	s12 =	simm.s32 @!p0 $0x1E800;
	s9 =	simm.s32 @!p0 $0x80;
	[sflag:s21] =	ssyncadd.s32 $0xFFFFC000  }
0x92: {  	[tilespmem:s28], [sflag:$0x2] =	stream.indirect.gather [hbm4b:s5+s25], $0x80, s19, s25, $0xb8;
	[tilespmem:$0x1ED80] =	vst v63  }
.LBB2_4:
0x93: {  	[spmem:s3] =	stream.indirect.scatter.add.f32 @!p0 [tilespmem:s12], [sflag:$0x3], $0x1, s13, s9, $0xb8;
	[tilespmem:$0x1ED80] =	vst v63  }
0x94: {  	s13 =	smov.u32 s10;
	s10 =	sadd.s32 $0x400, s10;
	_ =	swait.ge [sflag:s29], $0x4000  }
0x95: {  	s19 =	sshra.s32 s13, $0x2;
	p2 =	sne.s32 s10, $0x4C00;
	[sflag:s29] =	ssyncset.done $0x0  }
0x96: {  	s13 =	sadd.s32 $0x9400, s19;
	[sflag:s29] =	ssyncadd.s32 $0xFFFFC000  }
0x97: {  	[spmem:s2] =	stream.indirect.scatter.add.f32 [tilespmem:s4], [sflag:$0x4], $0x80, s13, s25, $0xb8;
	[tilespmem:$0x1ED80] =	vst v63  }
0x98: {  	_ =	swait.ge [sflag:s21], $0x4000  }
0x99: {  	[sflag:s21] =	ssyncset.done $0x0  }
0x9a: {  	s14 =	sadd.s32 $0x8100, s19;
	[sflag:s21] =	ssyncadd.s32 $0xFFFFC000  }
0x9b: {  	[tilespmem:s4], [sflag:$0x1] =	stream.indirect.gather [hbm4b:s5+s25], $0x80, s14, s25, $0xb8;
	[tilespmem:$0x1ED80] =	vst v63  }
0x9c: {  	_ = 	snop  }
0x9d: {  	[spmem:s3] =	stream.indirect.scatter.add.f32 @!p1 [tilespmem:s8], [sflag:$0x3], $0x1, s13, s7, $0xb8;
	[tilespmem:$0x1ED80] =	vst v63  }
0x9e: {  	_ =	swait.ge [sflag:s30], $0x4000  }
0x9f: {  	[sflag:s30] =	ssyncset.done $0x0  }
0xa0: {  	s13 =	sadd.s32 $0x9480, s19;
	[sflag:s30] =	ssyncadd.s32 $0xFFFFC000  }
0xa1: {  	[spmem:s2] =	stream.indirect.scatter.add.f32 [tilespmem:s28], [sflag:$0x4], $0x80, s13, s25, $0xb8;
	[tilespmem:$0x1ED80] =	vst v63  }
.Ltmp1:
0xa2: {  	_ =	swait.ge [sflag:s21], $0x4000;
	(pc) =	sbr.rel @p2 .LBB2_4-.Ltmp1, $4  }
0xa3: {  	[sflag:s21] =	ssyncset.done $0x0  }
0xa4: {  	s14 =	sadd.s32 $0x8180, s19;
	[sflag:s21] =	ssyncadd.s32 $0xFFFFC000  }
0xa5: {  	[tilespmem:s28], [sflag:$0x2] =	stream.indirect.gather [hbm4b:s5+s25], $0x80, s14, s25, $0xb8;
	[tilespmem:$0x1ED80] =	vst v63  }
0xa6: {  	_ = 	snop  }
0xa7: {  	[spmem:s3] =	stream.indirect.scatter.add.f32 @!p0 [tilespmem:s12], [sflag:$0x3], $0x1, s13, s9, $0xb8;
	[tilespmem:$0x1ED80] =	vst v63  }
0xa8: {  	_ =	swait.ge [sflag:s29], $0x4000  }
0xa9: {  	[sflag:s29] =	ssyncset.done $0x0  }
0xaa: {  	s7 =	simm.s32 $0x0;
	s8 =	simm.s32 $0xA700;
	[sflag:s29] =	ssyncadd.s32 $0xFFFFC000  }
0xab: {  	[spmem:s2] =	stream.indirect.scatter.add.f32 [tilespmem:s7], [sflag:$0x4], $0x80, s8, s25, $0xb8;
	[tilespmem:$0x1ED80] =	vst v63  }
0xac: {  	_ =	swait.ge [sflag:s21], $0x4000  }
0xad: {  	[sflag:s21] =	ssyncset.done $0x0  }
0xae: {  	[sflag:s21] =	ssyncadd.s32 $0xFFFFC000  }
0xaf: {  	_ =	swait.ge [sflag:s30], $0x4000  }
0xb0: {  	[sflag:s30] =	ssyncset.done $0x0  }
0xb1: {  	[sflag:s30] =	ssyncadd.s32 $0xFFFFC000  }
0xb2: {  	[spmem:s2] =	stream.indirect.scatter.add.f32 [tilespmem:s28], [sflag:$0x4], $0x80, s31, s25, $0xb8;
	[tilespmem:$0x1ED80] =	vst v63  }
0xb3: {  	_ =	swait.ge [sflag:s21], $0x4000  }
0xb4: {  	[sflag:s21] =	ssyncset.done $0x0  }
0xb5: {  	[sflag:s21] =	ssyncadd.s32 $0xFFFFC000  }
0xb6: {  	[spmem:s3] =	stream.indirect.scatter.add.f32 [tilespmem:s1], [sflag:$0x3], $0x1, s20, s25, $0xb8;
	[tilespmem:$0x1ED80] =	vst v63  }
0xb7: {  	_ =	swait.ge [sflag:s22], $0x80  }
0xb8: {  	[sflag:s22] =	ssyncset.done $0x0  }
0xb9: {  	[sflag:s22] =	ssyncadd.s32 $0xFFFFFF80  }
0xba: {  	_ =	swait.ge [sflag:s22], $0x80  }
0xbb: {  	[sflag:s22] =	ssyncset.done $0x0  }
0xbc: {  	[sflag:s22] =	ssyncadd.s32 $0xFFFFFF80  }
0xbd: {  	_ =	swait.ge [sflag:s22], $0x80  }
0xbe: {  	[sflag:s22] =	ssyncset.done $0x0  }
0xbf: {  	[sflag:s22] =	ssyncadd.s32 $0xFFFFFF80  }
0xc0: {  	_ =	swait.ge [sflag:s22], $0x80  }
0xc1: {  	[sflag:s22] =	ssyncset.done $0x0  }
0xc2: {  	[sflag:s22] =	ssyncadd.s32 $0xFFFFFF80  }
0xc3: {  	_ =	swait.ge [sflag:s22], $0x80  }
0xc4: {  	[sflag:s22] =	ssyncset.done $0x0  }
0xc5: {  	[sflag:s22] =	ssyncadd.s32 $0xFFFFFF80  }
0xc6: {  	_ =	swait.ge [sflag:s22], $0x80  }
0xc7: {  	[sflag:s22] =	ssyncset.done $0x0  }
0xc8: {  	[sflag:s22] =	ssyncadd.s32 $0xFFFFFF80  }
0xc9: {  	_ =	swait.ge [sflag:s22], $0x80  }
0xca: {  	[sflag:s22] =	ssyncset.done $0x0  }
0xcb: {  	[sflag:s22] =	ssyncadd.s32 $0xFFFFFF80  }
0xcc: {  	_ =	swait.ge [sflag:s22], $0x80  }
0xcd: {  	[sflag:s22] =	ssyncset.done $0x0  }
0xce: {  	[sflag:s22] =	ssyncadd.s32 $0xFFFFFF80  }
0xcf: {  	_ =	swait.ge [sflag:s22], $0x80  }
0xd0: {  	[sflag:s22] =	ssyncset.done $0x0  }
0xd1: {  	[sflag:s22] =	ssyncadd.s32 $0xFFFFFF80  }
0xd2: {  	_ =	swait.ge [sflag:s22], $0x80  }
0xd3: {  	[sflag:s22] =	ssyncset.done $0x0  }
0xd4: {  	[sflag:s22] =	ssyncadd.s32 $0xFFFFFF80  }
0xd5: {  	_ =	swait.ge [sflag:s22], $0x80  }
0xd6: {  	[sflag:s22] =	ssyncset.done $0x0  }
0xd7: {  	[sflag:s22] =	ssyncadd.s32 $0xFFFFFF80  }
0xd8: {  	_ =	swait.ge [sflag:s22], $0x80  }
0xd9: {  	[sflag:s22] =	ssyncset.done $0x0  }
0xda: {  	[sflag:s22] =	ssyncadd.s32 $0xFFFFFF80  }
0xdb: {  	_ =	swait.ge [sflag:s22], $0x80  }
0xdc: {  	[sflag:s22] =	ssyncset.done $0x0  }
0xdd: {  	[sflag:s22] =	ssyncadd.s32 $0xFFFFFF80  }
0xde: {  	_ =	swait.ge [sflag:s22], $0x80  }
0xdf: {  	[sflag:s22] =	ssyncset.done $0x0  }
0xe0: {  	[sflag:s22] =	ssyncadd.s32 $0xFFFFFF80  }
0xe1: {  	_ =	swait.ge [sflag:s22], $0x80  }
0xe2: {  	[sflag:s22] =	ssyncset.done $0x0  }
0xe3: {  	[sflag:s22] =	ssyncadd.s32 $0xFFFFFF80  }
0xe4: {  	_ =	swait.ge [sflag:s22], $0x80  }
0xe5: {  	[sflag:s22] =	ssyncset.done $0x0  }
0xe6: {  	[sflag:s22] =	ssyncadd.s32 $0xFFFFFF80  }
0xe7: {  	_ =	swait.ge [sflag:s22], $0x80  }
0xe8: {  	[sflag:s22] =	ssyncset.done $0x0  }
0xe9: {  	[sflag:s22] =	ssyncadd.s32 $0xFFFFFF80  }
0xea: {  	_ =	swait.ge [sflag:s22], $0x80  }
0xeb: {  	[sflag:s22] =	ssyncset.done $0x0  }
0xec: {  	[sflag:s22] =	ssyncadd.s32 $0xFFFFFF80  }
0xed: {  	_ =	swait.ge [sflag:s22], $0x80  }
0xee: {  	[sflag:s22] =	ssyncset.done $0x0  }
0xef: {  	[sflag:s22] =	ssyncadd.s32 $0xFFFFFF80  }
0xf0: {  	_ =	swait.ge [sflag:s22], $0x80  }
0xf1: {  	[sflag:s22] =	ssyncset.done $0x0  }
0xf2: {  	s13 =	rddreg [dreg:$0xb];
	[sflag:s22] =	ssyncadd.s32 $0xFFFFFF80  }
0xf3: {  	[tilespmem:s23], [sflag:$0x4] =	stream.linear.gather [hbm4b:s13+s7], $0x1400, $0x38;
	[tilespmem:$0x1ED80] =	vst v63  }
0xf4: {  	_ =	swait.ge [sflag:s21], $0x1400  }
0xf5: {  	[sflag:s21] =	ssyncset.done $0x0  }
0xf6: {  	[sflag:s21] =	ssyncadd.s32 $0xFFFFEC00  }
0xf7: {  	[tilespmem:s24], [sflag:$0x4] =	stream.linear.gather [hbm4b:s15+s7], $0x1400, $0x38;
	[tilespmem:$0x1ED80] =	vst v63  }
0xf8: {  	_ =	swait.ge [sflag:s21], $0x1400  }
0xf9: {  	[sflag:s21] =	ssyncset.done $0x0  }
0xfa: {  	[sflag:s21] =	ssyncadd.s32 $0xFFFFEC00  }
0xfb: {  	[tilespmem:s7], [sflag:$0x1] =	stream.indirect.gather [hbm4b:s5+s25], $0x80, s23, s25, $0xb8;
	[tilespmem:$0x1ED80] =	vst v63  }
0xfc: {  	_ = 	snop  }
0xfd: {  	[tilespmem:s28], [sflag:$0x2] =	stream.indirect.gather [hbm4b:s5+s25], $0x80, s26, s25, $0xb8;
	[tilespmem:$0x1ED80] =	vst v63  }
0xfe: {  	_ =	swait.ge [sflag:s29], $0x4000  }
0xff: {  	[sflag:s29] =	ssyncset.done $0x0  }
0x100: {  	s9 =	simm.s32 $0x9400;
	[sflag:s29] =	ssyncadd.s32 $0xFFFFC000  }
0x101: {  	[spmem:s2] =	stream.indirect.scatter.add.f32 [tilespmem:s4], [sflag:$0x4], $0x80, s9, s25, $0xb8;
	[tilespmem:$0x1ED80] =	vst v63  }
0x102: {  	_ =	swait.ge [sflag:s21], $0x4000  }
0x103: {  	[sflag:s21] =	ssyncset.done $0x0  }
0x104: {  	s14 =	simm.s32 $0x8100;
	[sflag:s21] =	ssyncadd.s32 $0xFFFFC000  }
0x105: {  	[tilespmem:s4], [sflag:$0x1] =	stream.indirect.gather [hbm4b:s5+s25], $0x80, s14, s25, $0xb8;
	[tilespmem:$0x1ED80] =	vst v63  }
0x106: {  	s8 =	simm.s32 @!p1 $0x1E800;
	s7 =	simm.s32 @!p1 $0x80  }
0x107: {  	[spmem:s3] =	stream.indirect.scatter.add.f32 @!p1 [tilespmem:s8], [sflag:$0x3], $0x1, s9, s7, $0xb8;
	[tilespmem:$0x1ED80] =	vst v63  }
0x108: {  	_ =	swait.ge [sflag:s30], $0x4000  }
0x109: {  	[sflag:s30] =	ssyncset.done $0x0  }
0x10a: {  	s13 =	simm.s32 $0x9480;
	[sflag:s30] =	ssyncadd.s32 $0xFFFFC000  }
0x10b: {  	[spmem:s2] =	stream.indirect.scatter.add.f32 [tilespmem:s28], [sflag:$0x4], $0x80, s13, s25, $0xb8;
	[tilespmem:$0x1ED80] =	vst v63  }
0x10c: {  	_ =	swait.ge [sflag:s21], $0x4000  }
0x10d: {  	s19 =	simm.s32 $0x8180;
	s10 =	simm.s32 $0x400;
	[sflag:s21] =	ssyncset.done $0x0  }
0x10e: {  	s12 =	simm.s32 @!p0 $0x1E800;
	s9 =	simm.s32 @!p0 $0x80;
	[sflag:s21] =	ssyncadd.s32 $0xFFFFC000  }
0x10f: {  	[tilespmem:s28], [sflag:$0x2] =	stream.indirect.gather [hbm4b:s5+s25], $0x80, s19, s25, $0xb8;
	[tilespmem:$0x1ED80] =	vst v63  }
.LBB2_6:
0x110: {  	[spmem:s3] =	stream.indirect.scatter.add.f32 @!p0 [tilespmem:s12], [sflag:$0x3], $0x1, s13, s9, $0xb8;
	[tilespmem:$0x1ED80] =	vst v63  }
0x111: {  	s13 =	smov.u32 s10;
	s10 =	sadd.s32 $0x400, s10;
	_ =	swait.ge [sflag:s29], $0x4000  }
0x112: {  	s14 =	sshra.s32 s13, $0x2;
	p2 =	sne.s32 s10, $0x4C00;
	[sflag:s29] =	ssyncset.done $0x0  }
0x113: {  	s13 =	sadd.s32 $0x9400, s14;
	[sflag:s29] =	ssyncadd.s32 $0xFFFFC000  }
0x114: {  	[spmem:s2] =	stream.indirect.scatter.add.f32 [tilespmem:s4], [sflag:$0x4], $0x80, s13, s25, $0xb8;
	[tilespmem:$0x1ED80] =	vst v63  }
0x115: {  	_ =	swait.ge [sflag:s21], $0x4000  }
0x116: {  	[sflag:s21] =	ssyncset.done $0x0  }
0x117: {  	s19 =	sadd.s32 $0x8100, s14;
	[sflag:s21] =	ssyncadd.s32 $0xFFFFC000  }
0x118: {  	[tilespmem:s4], [sflag:$0x1] =	stream.indirect.gather [hbm4b:s5+s25], $0x80, s19, s25, $0xb8;
	[tilespmem:$0x1ED80] =	vst v63  }
0x119: {  	_ = 	snop  }
0x11a: {  	[spmem:s3] =	stream.indirect.scatter.add.f32 @!p1 [tilespmem:s8], [sflag:$0x3], $0x1, s13, s7, $0xb8;
	[tilespmem:$0x1ED80] =	vst v63  }
0x11b: {  	_ =	swait.ge [sflag:s30], $0x4000  }
0x11c: {  	[sflag:s30] =	ssyncset.done $0x0  }
0x11d: {  	s13 =	sadd.s32 $0x9480, s14;
	[sflag:s30] =	ssyncadd.s32 $0xFFFFC000  }
0x11e: {  	[spmem:s2] =	stream.indirect.scatter.add.f32 [tilespmem:s28], [sflag:$0x4], $0x80, s13, s25, $0xb8;
	[tilespmem:$0x1ED80] =	vst v63  }
.Ltmp2:
0x11f: {  	_ =	swait.ge [sflag:s21], $0x4000;
	(pc) =	sbr.rel @p2 .LBB2_6-.Ltmp2, $4  }
0x120: {  	[sflag:s21] =	ssyncset.done $0x0  }
0x121: {  	s14 =	sadd.s32 $0x8180, s14;
	[sflag:s21] =	ssyncadd.s32 $0xFFFFC000  }
0x122: {  	[tilespmem:s28], [sflag:$0x2] =	stream.indirect.gather [hbm4b:s5+s25], $0x80, s14, s25, $0xb8;
	[tilespmem:$0x1ED80] =	vst v63  }
0x123: {  	_ = 	snop  }
0x124: {  	[spmem:s3] =	stream.indirect.scatter.add.f32 @!p0 [tilespmem:s12], [sflag:$0x3], $0x1, s13, s9, $0xb8;
	[tilespmem:$0x1ED80] =	vst v63  }
0x125: {  	_ =	swait.ge [sflag:s29], $0x4000  }
0x126: {  	[sflag:s29] =	ssyncset.done $0x0  }
0x127: {  	s7 =	simm.s32 $0xA700;
	[sflag:s29] =	ssyncadd.s32 $0xFFFFC000  }
0x128: {  	[spmem:s2] =	stream.indirect.scatter.add.f32 [tilespmem:s4], [sflag:$0x4], $0x80, s7, s25, $0xb8;
	[tilespmem:$0x1ED80] =	vst v63  }
0x129: {  	_ =	swait.ge [sflag:s21], $0x4000  }
0x12a: {  	[sflag:s21] =	ssyncset.done $0x0  }
0x12b: {  	[sflag:s21] =	ssyncadd.s32 $0xFFFFC000  }
0x12c: {  	_ =	swait.ge [sflag:s30], $0x4000  }
0x12d: {  	[sflag:s30] =	ssyncset.done $0x0  }
0x12e: {  	[sflag:s30] =	ssyncadd.s32 $0xFFFFC000  }
0x12f: {  	[spmem:s2] =	stream.indirect.scatter.add.f32 [tilespmem:s28], [sflag:$0x4], $0x80, s31, s25, $0xb8;
	[tilespmem:$0x1ED80] =	vst v63  }
0x130: {  	_ =	swait.ge [sflag:s21], $0x4000  }
0x131: {  	[sflag:s21] =	ssyncset.done $0x0  }
0x132: {  	[sflag:s21] =	ssyncadd.s32 $0xFFFFC000  }
0x133: {  	[spmem:s3] =	stream.indirect.scatter.add.f32 [tilespmem:s1], [sflag:$0x3], $0x1, s20, s25, $0xb8;
	[tilespmem:$0x1ED80] =	vst v63  }
0x134: {  	_ =	swait.ge [sflag:s22], $0x80  }
0x135: {  	[sflag:s22] =	ssyncset.done $0x0  }
0x136: {  	[sflag:s22] =	ssyncadd.s32 $0xFFFFFF80  }
0x137: {  	_ =	swait.ge [sflag:s22], $0x80  }
0x138: {  	[sflag:s22] =	ssyncset.done $0x0  }
0x139: {  	[sflag:s22] =	ssyncadd.s32 $0xFFFFFF80  }
0x13a: {  	_ =	swait.ge [sflag:s22], $0x80  }
0x13b: {  	[sflag:s22] =	ssyncset.done $0x0  }
0x13c: {  	[sflag:s22] =	ssyncadd.s32 $0xFFFFFF80  }
0x13d: {  	_ =	swait.ge [sflag:s22], $0x80  }
0x13e: {  	[sflag:s22] =	ssyncset.done $0x0  }
0x13f: {  	[sflag:s22] =	ssyncadd.s32 $0xFFFFFF80  }
0x140: {  	_ =	swait.ge [sflag:s22], $0x80  }
0x141: {  	[sflag:s22] =	ssyncset.done $0x0  }
0x142: {  	[sflag:s22] =	ssyncadd.s32 $0xFFFFFF80  }
0x143: {  	_ =	swait.ge [sflag:s22], $0x80  }
0x144: {  	[sflag:s22] =	ssyncset.done $0x0  }
0x145: {  	[sflag:s22] =	ssyncadd.s32 $0xFFFFFF80  }
0x146: {  	_ =	swait.ge [sflag:s22], $0x80  }
0x147: {  	[sflag:s22] =	ssyncset.done $0x0  }
0x148: {  	[sflag:s22] =	ssyncadd.s32 $0xFFFFFF80  }
0x149: {  	_ =	swait.ge [sflag:s22], $0x80  }
0x14a: {  	[sflag:s22] =	ssyncset.done $0x0  }
0x14b: {  	[sflag:s22] =	ssyncadd.s32 $0xFFFFFF80  }
0x14c: {  	_ =	swait.ge [sflag:s22], $0x80  }
0x14d: {  	[sflag:s22] =	ssyncset.done $0x0  }
0x14e: {  	[sflag:s22] =	ssyncadd.s32 $0xFFFFFF80  }
0x14f: {  	_ =	swait.ge [sflag:s22], $0x80  }
0x150: {  	[sflag:s22] =	ssyncset.done $0x0  }
0x151: {  	[sflag:s22] =	ssyncadd.s32 $0xFFFFFF80  }
0x152: {  	_ =	swait.ge [sflag:s22], $0x80  }
0x153: {  	[sflag:s22] =	ssyncset.done $0x0  }
0x154: {  	[sflag:s22] =	ssyncadd.s32 $0xFFFFFF80  }
0x155: {  	_ =	swait.ge [sflag:s22], $0x80  }
0x156: {  	[sflag:s22] =	ssyncset.done $0x0  }
0x157: {  	[sflag:s22] =	ssyncadd.s32 $0xFFFFFF80  }
0x158: {  	_ =	swait.ge [sflag:s22], $0x80  }
0x159: {  	[sflag:s22] =	ssyncset.done $0x0  }
0x15a: {  	[sflag:s22] =	ssyncadd.s32 $0xFFFFFF80  }
0x15b: {  	_ =	swait.ge [sflag:s22], $0x80  }
0x15c: {  	[sflag:s22] =	ssyncset.done $0x0  }
0x15d: {  	[sflag:s22] =	ssyncadd.s32 $0xFFFFFF80  }
0x15e: {  	_ =	swait.ge [sflag:s22], $0x80  }
0x15f: {  	[sflag:s22] =	ssyncset.done $0x0  }
0x160: {  	[sflag:s22] =	ssyncadd.s32 $0xFFFFFF80  }
0x161: {  	_ =	swait.ge [sflag:s22], $0x80  }
0x162: {  	[sflag:s22] =	ssyncset.done $0x0  }
0x163: {  	[sflag:s22] =	ssyncadd.s32 $0xFFFFFF80  }
0x164: {  	_ =	swait.ge [sflag:s22], $0x80  }
0x165: {  	[sflag:s22] =	ssyncset.done $0x0  }
0x166: {  	[sflag:s22] =	ssyncadd.s32 $0xFFFFFF80  }
0x167: {  	_ =	swait.ge [sflag:s22], $0x80  }
0x168: {  	[sflag:s22] =	ssyncset.done $0x0  }
0x169: {  	[sflag:s22] =	ssyncadd.s32 $0xFFFFFF80  }
0x16a: {  	_ =	swait.ge [sflag:s22], $0x80  }
0x16b: {  	[sflag:s22] =	ssyncset.done $0x0  }
0x16c: {  	[sflag:s22] =	ssyncadd.s32 $0xFFFFFF80  }
0x16d: {  	_ =	swait.ge [sflag:s22], $0x80  }
0x16e: {  	s14 =	stileid.u32;
	[sflag:s22] =	ssyncset.done $0x0  }
0x16f: {  	s7 =	sshll.u32 s14, $0x6;
	[sflag:s22] =	ssyncadd.s32 $0xFFFFFF80  }
0x170: {  	s8 =	sshrl.u32 s6, $0x3;
	s7 =	sor.u32 $0x1C04, s7;
	[bflag:$0x0] =	sbarrier.arrive $0xFFFF  }
0x171: {  	[hbm:s16], [sflag:s7] =	dma.local [spmem:s8], $0x2800  }
0x172: {  	s0 =	sadd.s32 $0x1, s0;
	_ =	swait.ge [sflag:s21], $0x2800  }
0x173: {  	p2 =	sne.s32 s0, s18;
	[sflag:s21] =	ssyncset.done $0x0  }
.Ltmp3:
0x174: {  	s19 =	sshrl.u32 s11, $0x3;
	[sflag:s21] =	ssyncadd.s32 $0xFFFFD800;
	(pc) =	sbr.rel @p2 .LBB2_1-.Ltmp3, $4  }
0x175: {  	[hbm:s17], [sflag:s7] =	dma.local [spmem:s19], $0x50  }
0x176: {  	_ =	swait.ge [sflag:s21], $0x50  }
0x177: {  	[sflag:s21] =	ssyncset.done $0x0  }
0x178: {  	[sflag:s21] =	ssyncadd.s32 $0xFFFFFFB0  }
0x179: {  	_ =	sfence.sel $0x180000  }
0x17a: {  	[bflag:$0x0] =	sbarrier.arrive $0xFFFF  }
0x17b: {  	_ =	strace $0x90000047  }
0x17c: {  	s0 =	stileid.u32;
	[bflag:$0x2] =	sbarrier.arrive $0xFFFF  }
0x17d: {  	p0 =	sne.s32 s0, $0x0;
	s0 =	rddreg [dreg:$0x4]  }
0x17e: {  	s0 =	sadd.s32 @!p0 $0x100000, s0  }
0x17f: {  	[sflag:s0] =	ssyncadd.tile.s32 @!p0 $0x1;
	_ =	shalt  }
.Lfunc_end2:
_tile_overlayer_lowered:
.L_overlay_start_2:
0x180: {  	(tag) =	ssettag $0x2  }
0x181: {  	s0 =	rddreg [dreg:$0x0];
	s2 =	stileid.u32  }
0x182: {  	s1 =	rddreg [dreg:$0x1];
	p0 =	sne.s32 s2, $0x0  }
0x183: {  	s3 =	rddreg [dreg:$0x2];
	[bflag:$0x3] =	sbarrier.arrive $0xFFFF;
	s2 =	simm.s32 @!p0 $0x1C04  }
0x184: {  	[timem:s3], [sflag:s2] =	dma.local @!p0 [hbm:s0], s1  }
0x185: {  	s0 =	simm.s32 @!p0 $0x4  }
0x186: {  	_ =	swait.ge @!p0 [sflag:s0], s1  }
0x187: {  	s1 =	ssub.s32 @!p0 $0x0, s1;
	[sflag:s0] =	ssyncset.done @!p0 $0x0  }
0x188: {  	[sflag:s0] =	ssyncadd.s32 @!p0 s1  }
0x189: {  	[bflag:$0x3] =	sbarrier.arrive $0xFFFF  }
0x18a: {  	_ =	shalt  }

</sc_bundles>
